<compile_context>
chip_gen: v7x
topology: tpu7x:2x2x1
jax: 0.10.2.dev20260603
libtpu: 0.0.44.dev20260713+nightly
codegen_flags: <defaults>
</compile_context>

<pallas_src>
import jax
import jax.numpy as jnp
from jax import lax
from jax.experimental import pallas as pl
from jax.experimental.pallas import tpu as pltpu
from jax.experimental.pallas import tpu_sc as plsc

L = 16
NCHUNK = 7
NPAD = NCHUNK * L
NBOX = 100
NIMG = 8
IOU_THR = 0.5
SORT_W = 5 * NPAD
ACW = NPAD + L


def _nms_body(sc_hbm, bx_hbm, bxo_hbm, spk_hbm,
              s_v, b_v, o_v, area_v, keep_v,
              acx1_v, acy1_v, acx2_v, acy2_v, acar_v, acidx_v, keepc_v,
              os_v, obox_v):
    wid = lax.axis_index("s")

    @pl.when(wid < NIMG)
    def _():
        pltpu.sync_copy(sc_hbm, s_v)
        pltpu.sync_copy(bx_hbm.at[wid], b_v)

        iota = lax.iota(jnp.int32, L)
        gidx = [iota + iv * L for iv in range(NCHUNK)]
        zeros = jnp.zeros((L,), jnp.int32)
        widv = zeros + wid
        svecs = [s_v[wid, pl.ds(iv * L, L)] for iv in range(NCHUNK - 1)]
        tailc = plsc.load_gather(
            s_v, [widv, jnp.minimum(gidx[NCHUNK - 1], NBOX - 1)])
        svecs.append(jnp.where(gidx[NCHUNK - 1] < NBOX, tailc, -1.0))

        def rank_body(j, ranks):
            sj = plsc.load_gather(s_v, [widv, zeros + j])
            out = []
            for iv in range(NCHUNK):
                beats = (sj > svecs[iv]) | ((sj == svecs[iv]) & (j < gidx[iv]))
                out.append(ranks[iv] + beats.astype(jnp.int32))
            return tuple(out)

        ranks = lax.fori_loop(0, NBOX, rank_body,
                              tuple(zeros for _ in range(NCHUNK)))
        last = NCHUNK - 1
        ranks = ranks[:last] + (
            jnp.where(gidx[last] >= NBOX, gidx[last], ranks[last]),)

        for iv in range(NCHUNK):
            r = ranks[iv]
            plsc.store_scatter(o_v, [r], svecs[iv])
            rows4 = jnp.minimum(gidx[iv], NBOX - 1) * 4
            inb = gidx[iv] < NBOX
            for k in range(4):
                c = plsc.load_gather(b_v, [rows4 + k])
                c = jnp.where(inb, c, 0.0)
                plsc.store_scatter(o_v, [r + (k + 1) * NPAD], c)

        ones = jnp.ones((L,), jnp.int32)
        n_act = jnp.int32(0)
        for iv in range(NCHUNK):
            sl = pl.ds(iv * L, L)
            x1c = o_v[pl.ds(1 * NPAD + iv * L, L)]
            y1c = o_v[pl.ds(2 * NPAD + iv * L, L)]
            x2c = o_v[pl.ds(3 * NPAD + iv * L, L)]
            y2c = o_v[pl.ds(4 * NPAD + iv * L, L)]
            ar = (jnp.maximum(x2c - x1c, 0.0) *
                  jnp.maximum(y2c - y1c, 0.0))
            area_v[sl] = ar
            keep_v[sl] = ones
            act = (x2c > x1c) & (y2c > y1c)
            dst = pl.ds(n_act, L)
            plsc.store_compressed(acx1_v.at[dst], x1c, mask=act)
            plsc.store_compressed(acy1_v.at[dst], y1c, mask=act)
            plsc.store_compressed(acx2_v.at[dst], x2c, mask=act)
            plsc.store_compressed(acy2_v.at[dst], y2c, mask=act)
            plsc.store_compressed(acar_v.at[dst], ar, mask=act)
            plsc.store_compressed(acidx_v.at[dst], gidx[iv], mask=act)
            n_act = n_act + jnp.sum(act.astype(jnp.int32))
        for iv in range(NCHUNK + 1):
            keepc_v[pl.ds(iv * L, L)] = ones

        def nms_body(t, carry):
            ts = zeros + t
            alive = plsc.load_gather(keepc_v, [ts]) != 0
            xi1 = plsc.load_gather(acx1_v, [ts])
            yi1 = plsc.load_gather(acy1_v, [ts])
            xi2 = plsc.load_gather(acx2_v, [ts])
            yi2 = plsc.load_gather(acy2_v, [ts])
            ai = plsc.load_gather(acar_v, [ts])
            for jc in range(NCHUNK):
                @pl.when((jc * L < n_act) & (jc * L + (L - 1) > t))
                def _(jc=jc):
                    sl = pl.ds(jc * L, L)
                    xx1 = jnp.maximum(acx1_v[sl], xi1)
                    yy1 = jnp.maximum(acy1_v[sl], yi1)
                    xx2 = jnp.minimum(acx2_v[sl], xi2)
                    yy2 = jnp.minimum(acy2_v[sl], yi2)
                    inter = (jnp.maximum(xx2 - xx1, 0.0) *
                             jnp.maximum(yy2 - yy1, 0.0))
                    union = ai + acar_v[sl] - inter
                    iou = inter / jnp.maximum(union, 1e-9)
                    supp = (iou > IOU_THR) & (gidx[jc] > t) & alive
                    keepc_v[sl] = jnp.where(supp, 0, keepc_v[sl])
            return carry

        lax.fori_loop(0, n_act, nms_body, 0)

        for jc in range(NCHUNK):
            @pl.when(jc * L < n_act)
            def _(jc=jc):
                sl = pl.ds(jc * L, L)
                plsc.store_scatter(keep_v, [acidx_v[sl]], keepc_v[sl],
                                   mask=gidx[jc] < n_act)

        total = jnp.int32(0)
        for iv in range(NCHUNK):
            sl = pl.ds(iv * L, L)
            kv = keep_v[sl]
            total = total + jnp.sum(kv * (gidx[iv] < NBOX).astype(jnp.int32))
            kf = kv.astype(jnp.float32)
            os_v[sl] = o_v[sl] * kf
            rows4 = jnp.minimum(gidx[iv], NBOX - 1) * 4
            inb = gidx[iv] < NBOX
            for k in range(4):
                bm = o_v[pl.ds((k + 1) * NPAD + iv * L, L)] * kf
                plsc.store_scatter(obox_v, [rows4 + k], bm, mask=inb)
        tail = os_v[pl.ds(NPAD - L, L)]
        tail = jnp.where(gidx[NCHUNK - 1] < NBOX, tail,
                         total.astype(jnp.float32))
        os_v[pl.ds(NPAD - L, L)] = tail

        pltpu.sync_copy(obox_v, bxo_hbm.at[wid])
        pltpu.sync_copy(os_v, spk_hbm.at[wid])


def kernel(x, boxes, scores, W1, b1, W2, b2, Wb, bb, Wc, bc):
    del x, W1, b1, W2, b2, Wb, bb, Wc, bc
    nb, nn = scores.shape
    bx_flat = boxes.reshape(nb, nn * 4)

    mesh = plsc.VectorSubcoreMesh(core_axis_name="c", subcore_axis_name="s",
                                  num_cores=1, num_subcores=16)
    f32 = jnp.float32
    bxo, spk = pl.kernel(
        _nms_body,
        out_type=(
            jax.ShapeDtypeStruct((nb, nn * 4), f32),
            jax.ShapeDtypeStruct((nb, NPAD), f32),
        ),
        mesh=mesh,
        compiler_params=pltpu.CompilerParams(needs_layout_passes=False),
        scratch_types=[
            pltpu.VMEM((NIMG, NBOX), f32),
            pltpu.VMEM((NBOX * 4,), f32),
            pltpu.VMEM((SORT_W,), f32),
            pltpu.VMEM((NPAD,), f32),
            pltpu.VMEM((NPAD,), jnp.int32),
            pltpu.VMEM((ACW,), f32),
            pltpu.VMEM((ACW,), f32),
            pltpu.VMEM((ACW,), f32),
            pltpu.VMEM((ACW,), f32),
            pltpu.VMEM((ACW,), f32),
            pltpu.VMEM((ACW,), jnp.int32),
            pltpu.VMEM((ACW,), jnp.int32),
            pltpu.VMEM((NPAD,), f32),
            pltpu.VMEM((NBOX * 4,), f32),
        ],
    )(scores, bx_flat)

    final_boxes = bxo.reshape(nb, nn, 4)
    final_scores = spk[:, :nn]
    num_detections = spk[:, nn].astype(jnp.int32)
    return final_boxes, final_scores, num_detections

# --- scband reference (transcript-rebuilt; emitter-appended) ---
"""Pipeline reference for scband-simple-object-detector-57354993271018 (READ-ONLY COPY).

The authoritative reference and input builder live on the scoring server;
editing this copy changes nothing except your own understanding.
"""

import jax, jax.numpy as jnp
import numpy as np


def _conv(x, w, b):
    out = jax.lax.conv_general_dilated(x, w, window_strides=(1, 1), padding='SAME',
                                       dimension_numbers=('NCHW', 'OIHW', 'NCHW'))
    return out + b[None, :, None, None]


def _iou_matrix(boxes):
    x1, y1, x2, y2 = boxes[:, 0], boxes[:, 1], boxes[:, 2], boxes[:, 3]
    area = jnp.clip(x2 - x1, 0.0) * jnp.clip(y2 - y1, 0.0)
    xx1 = jnp.maximum(x1[:, None], x1[None, :])
    yy1 = jnp.maximum(y1[:, None], y1[None, :])
    xx2 = jnp.minimum(x2[:, None], x2[None, :])
    yy2 = jnp.minimum(y2[:, None], y2[None, :])
    inter = jnp.clip(xx2 - xx1, 0.0) * jnp.clip(yy2 - yy1, 0.0)
    union = area[:, None] + area[None, :] - inter
    return inter / jnp.maximum(union, 1e-9)


def _nms_keep(boxes, iou_threshold):
    n = boxes.shape[0]
    ious = _iou_matrix(boxes)
    idx = jnp.arange(n)
    def body(i, keep):
        suppress = (ious[i] > iou_threshold) & (idx > i) & keep[i]
        return keep & (~suppress)
    return jax.lax.fori_loop(0, n, body, jnp.ones((n,), dtype=bool))


def setup_inputs(seed: int = 0) -> dict:
    key = jax.random.key(seed)
    ks = jax.random.split(key, 12)
    B, C, H, W = 8, 3, 224, 224
    N = 100
    x = jax.random.normal(ks[0], (B, C, H, W), dtype=jnp.float32)
    boxes = jax.random.uniform(ks[1], (B, N, 4), dtype=jnp.float32) * 224.0
    scores = jax.random.uniform(ks[2], (B, N), dtype=jnp.float32)
    W1 = jax.random.normal(ks[3], (64, 3, 3, 3), dtype=jnp.float32) * 0.05
    b1 = jnp.zeros((64,), dtype=jnp.float32)
    W2 = jax.random.normal(ks[4], (128, 64, 3, 3), dtype=jnp.float32) * 0.05
    b2 = jnp.zeros((128,), dtype=jnp.float32)
    Wb = jax.random.normal(ks[5], (4, 128), dtype=jnp.float32) * 0.05
    bb = jnp.zeros((4,), dtype=jnp.float32)
    Wc = jax.random.normal(ks[6], (80, 128), dtype=jnp.float32) * 0.05
    bc = jnp.zeros((80,), dtype=jnp.float32)
    return {'x': x, 'boxes': boxes, 'scores': scores, 'W1': W1, 'b1': b1,
            'W2': W2, 'b2': b2, 'Wb': Wb, 'bb': bb, 'Wc': Wc, 'bc': bc}


def reference(x, boxes, scores, W1, b1, W2, b2, Wb, bb, Wc, bc):
    # Backbone (computed as in the torch forward, though its output is unused downstream)
    h = jax.nn.relu(_conv(x, W1, b1))
    h = jax.nn.relu(_conv(h, W2, b2))
    features = jnp.mean(h, axis=(2, 3))  # AdaptiveAvgPool2d((1,1)) + Flatten

    def per_image(bx, sc):
        order = jnp.argsort(-sc)
        bs = bx[order]
        ss = sc[order]
        keep = _nms_keep(bs, 0.5)
        kf = keep.astype(bs.dtype)
        final_boxes = bs * kf[:, None]   # suppressed boxes zeroed (padded fixed-size output)
        final_scores = ss * kf
        num_det = jnp.sum(keep.astype(jnp.int32))
        return final_boxes, final_scores, num_det

    final_boxes, final_scores, num_detections = jax.vmap(per_image)(boxes, scores)
    return final_boxes, final_scores, num_detections

if __name__ == "__main__":
    import jax
    _d = setup_inputs()
    print(jax.jit(kernel)(*tuple(_d.values())))

</pallas_src>

<mosaic_0001>
#map = affine_map<(d0, d1) -> (0, 0)>
module attributes {stable_mosaic.version = 14 : i64} {
  func.func @_nms_body(%arg0: i32, %arg1: i32, %arg2: memref<8x100xf32, #tpu.memory_space<hbm>>, %arg3: memref<8x400xf32, #tpu.memory_space<hbm>>, %arg4: memref<8x400xf32, #tpu.memory_space<hbm>>, %arg5: memref<8x112xf32, #tpu.memory_space<hbm>>, %arg6: memref<8x100xf32, #tpu.memory_space<vmem>>, %arg7: memref<400xf32, #tpu.memory_space<vmem>>, %arg8: memref<560xf32, #tpu.memory_space<vmem>>, %arg9: memref<112xf32, #tpu.memory_space<vmem>>, %arg10: memref<112xi32, #tpu.memory_space<vmem>>, %arg11: memref<128xf32, #tpu.memory_space<vmem>>, %arg12: memref<128xf32, #tpu.memory_space<vmem>>, %arg13: memref<128xf32, #tpu.memory_space<vmem>>, %arg14: memref<128xf32, #tpu.memory_space<vmem>>, %arg15: memref<128xf32, #tpu.memory_space<vmem>>, %arg16: memref<128xi32, #tpu.memory_space<vmem>>, %arg17: memref<128xi32, #tpu.memory_space<vmem>>, %arg18: memref<112xf32, #tpu.memory_space<vmem>>, %arg19: memref<400xf32, #tpu.memory_space<vmem>>) attributes {dimension_semantics = [#tpu.dimension_semantics<core_parallel>, #tpu.dimension_semantics<subcore_parallel>], iteration_bounds = array<i64: 1, 16>, scalar_prefetch = 0 : i64, scratch_operands = 14 : i64, tpu.core_type = #tpu.core_type<sc_vector_subcore>, window_params = [{transform_indices = #map}, {transform_indices = #map}, {transform_indices = #map}, {transform_indices = #map}]} {
    %lt3A = arith.constant 8 : i32
    %lt3A_0 = arith.cmpi slt, %arg1, %lt3A : i32
    %convert_element_type3A = arith.extui %lt3A_0 : i1 to i32
    %cond3A = arith.constant 0 : i32
    %cond3A_1 = arith.cmpi ne, %convert_element_type3A, %cond3A : i32
    scf.if %cond3A_1 {
      "tpu.region"() ({
        %run_scoped3A = tpu.sem_alloc : memref<!tpu.dma_semaphore, #tpu.memory_space<semaphore_mem>>
        tpu.enqueue_dma source(%arg2 : memref<8x100xf32, #tpu.memory_space<hbm>>) target(%arg6 : memref<8x100xf32, #tpu.memory_space<vmem>>) target_semaphore(%run_scoped3A : memref<!tpu.dma_semaphore, #tpu.memory_space<semaphore_mem>>)
        tpu.wait_dma2 semaphore(%run_scoped3A : memref<!tpu.dma_semaphore, #tpu.memory_space<semaphore_mem>>) src(%arg2 : memref<8x100xf32, #tpu.memory_space<hbm>>) dst(%arg6 : memref<8x100xf32, #tpu.memory_space<vmem>>)
        tpu.yield
      }) : () -> ()
      "tpu.region"() ({
        %run_scoped3A = tpu.sem_alloc : memref<!tpu.dma_semaphore, #tpu.memory_space<semaphore_mem>>
        %dma_start3A = arith.constant 0 : i32
        %dma_start3A_1123 = tpu.memref_slice %arg3[%arg1, %dma_start3A] : memref<8x400xf32, #tpu.memory_space<hbm>> -> memref<1x400xf32, #tpu.memory_space<hbm>>
        %dma_start3A_1124 = tpu.memref_squeeze %dma_start3A_1123 : memref<1x400xf32, #tpu.memory_space<hbm>> -> memref<400xf32, #tpu.memory_space<hbm>>
        %dma_start3A_1125 = arith.constant 0 : i32
        %dma_start3A_1126 = tpu.memref_slice %arg3[%arg1, %dma_start3A_1125] : memref<8x400xf32, #tpu.memory_space<hbm>> -> memref<1x400xf32, #tpu.memory_space<hbm>>
        %dma_start3A_1127 = tpu.memref_squeeze %dma_start3A_1126 : memref<1x400xf32, #tpu.memory_space<hbm>> -> memref<400xf32, #tpu.memory_space<hbm>>
        tpu.enqueue_dma source(%dma_start3A_1127 : memref<400xf32, #tpu.memory_space<hbm>>) target(%arg7 : memref<400xf32, #tpu.memory_space<vmem>>) target_semaphore(%run_scoped3A : memref<!tpu.dma_semaphore, #tpu.memory_space<semaphore_mem>>)
        %dma_wait3A = arith.constant 0 : i32
        %dma_wait3A_1128 = tpu.memref_slice %arg3[%arg1, %dma_wait3A] : memref<8x400xf32, #tpu.memory_space<hbm>> -> memref<1x400xf32, #tpu.memory_space<hbm>>
        %dma_wait3A_1129 = tpu.memref_squeeze %dma_wait3A_1128 : memref<1x400xf32, #tpu.memory_space<hbm>> -> memref<400xf32, #tpu.memory_space<hbm>>
        %dma_wait3A_1130 = arith.constant 0 : i32
        %dma_wait3A_1131 = tpu.memref_slice %arg3[%arg1, %dma_wait3A_1130] : memref<8x400xf32, #tpu.memory_space<hbm>> -> memref<1x400xf32, #tpu.memory_space<hbm>>
        %dma_wait3A_1132 = tpu.memref_squeeze %dma_wait3A_1131 : memref<1x400xf32, #tpu.memory_space<hbm>> -> memref<400xf32, #tpu.memory_space<hbm>>
        tpu.wait_dma2 semaphore(%run_scoped3A : memref<!tpu.dma_semaphore, #tpu.memory_space<semaphore_mem>>) src(%dma_wait3A_1132 : memref<400xf32, #tpu.memory_space<hbm>>) dst(%arg7 : memref<400xf32, #tpu.memory_space<vmem>>)
        tpu.yield
      }) : () -> ()
      %iota3A = tpu.iota {dimensions = array<i32: 0>} : vector<16xi32>
      %add3A = arith.constant 0 : i32
      %add3A_2 = vector.broadcast %add3A : i32 to vector<16xi32>
      %add3A_3 = arith.addi %iota3A, %add3A_2 : vector<16xi32>
      %add3A_4 = arith.constant 16 : i32
      %add3A_5 = vector.broadcast %add3A_4 : i32 to vector<16xi32>
      %add3A_6 = arith.addi %iota3A, %add3A_5 : vector<16xi32>
      %add3A_7 = arith.constant 32 : i32
      %add3A_8 = vector.broadcast %add3A_7 : i32 to vector<16xi32>
      %add3A_9 = arith.addi %iota3A, %add3A_8 : vector<16xi32>
      %add3A_10 = arith.constant 48 : i32
      %add3A_11 = vector.broadcast %add3A_10 : i32 to vector<16xi32>
      %add3A_12 = arith.addi %iota3A, %add3A_11 : vector<16xi32>
      %add3A_13 = arith.constant 64 : i32
      %add3A_14 = vector.broadcast %add3A_13 : i32 to vector<16xi32>
      %add3A_15 = arith.addi %iota3A, %add3A_14 : vector<16xi32>
      %add3A_16 = arith.constant 80 : i32
      %add3A_17 = vector.broadcast %add3A_16 : i32 to vector<16xi32>
      %add3A_18 = arith.addi %iota3A, %add3A_17 : vector<16xi32>
      %add3A_19 = arith.constant 96 : i32
      %add3A_20 = vector.broadcast %add3A_19 : i32 to vector<16xi32>
      %add3A_21 = arith.addi %iota3A, %add3A_20 : vector<16xi32>
      %broadcast_in_dim3A = arith.constant 0 : i32
      %broadcast_in_dim3A_22 = vector.broadcast %broadcast_in_dim3A : i32 to vector<16xi32>
      %add3A_23 = vector.broadcast %arg1 : i32 to vector<16xi32>
      %add3A_24 = arith.addi %broadcast_in_dim3A_22, %add3A_23 : vector<16xi32>
      %get3A = arith.index_cast %arg1 : i32 to index
      %get3A_25 = arith.constant 0 : index
      %get3A_26 = tpu.vector_load %arg6[%get3A, %get3A_25] {strides = array<i32>} : memref<8x100xf32, #tpu.memory_space<vmem>>, vector<16xf32>,
      %get3A_27 = arith.index_cast %arg1 : i32 to index
      %get3A_28 = arith.constant 16 : index
      %get3A_29 = tpu.vector_load %arg6[%get3A_27, %get3A_28] {strides = array<i32>} : memref<8x100xf32, #tpu.memory_space<vmem>>, vector<16xf32>,
      %get3A_30 = arith.index_cast %arg1 : i32 to index
      %get3A_31 = arith.constant 32 : index
      %get3A_32 = tpu.vector_load %arg6[%get3A_30, %get3A_31] {strides = array<i32>} : memref<8x100xf32, #tpu.memory_space<vmem>>, vector<16xf32>,
      %get3A_33 = arith.index_cast %arg1 : i32 to index
      %get3A_34 = arith.constant 48 : index
      %get3A_35 = tpu.vector_load %arg6[%get3A_33, %get3A_34] {strides = array<i32>} : memref<8x100xf32, #tpu.memory_space<vmem>>, vector<16xf32>,
      %get3A_36 = arith.index_cast %arg1 : i32 to index
      %get3A_37 = arith.constant 64 : index
      %get3A_38 = tpu.vector_load %arg6[%get3A_36, %get3A_37] {strides = array<i32>} : memref<8x100xf32, #tpu.memory_space<vmem>>, vector<16xf32>,
      %get3A_39 = arith.index_cast %arg1 : i32 to index
      %get3A_40 = arith.constant 80 : index
      %get3A_41 = tpu.vector_load %arg6[%get3A_39, %get3A_40] {strides = array<i32>} : memref<8x100xf32, #tpu.memory_space<vmem>>, vector<16xf32>,
      %min3A = arith.constant 99 : i32
      %min3A_42 = vector.broadcast %min3A : i32 to vector<16xi32>
      %min3A_43 = arith.minsi %add3A_21, %min3A_42 : vector<16xi32>
      %gather3A = tpu.vector_load_idx %arg6[%add3A_24, %min3A_43] : memref<8x100xf32, #tpu.memory_space<vmem>>[vector<16xi32>, vector<16xi32>], vector<16xf32>,
      %lt3A_44 = arith.constant 100 : i32
      %lt3A_45 = vector.broadcast %lt3A_44 : i32 to vector<16xi32>
      %lt3A_46 = arith.cmpi slt, %add3A_21, %lt3A_45 : vector<16xi32>
      %jit3A = arith.constant -1.000000e+00 : f32
      %broadcast_in_dim3A_47 = vector.broadcast %jit3A : f32 to vector<16xf32>
      %select_n3A = arith.select %lt3A_46, %gather3A, %broadcast_in_dim3A_47 : vector<16xi1>, vector<16xf32>
      %scan3A = arith.constant 0 : i32
      %scan3A_48 = arith.constant 100 : i32
      %scan3A_49 = arith.addi %scan3A, %scan3A_48 : i32
      %scan3A_50 = arith.constant 1 : i32
      %scan3A_51:7 = scf.for %scan3A_1123 = %scan3A to %scan3A_49 step %scan3A_50 iter_args(%scan3A_1124 = %broadcast_in_dim3A_22, %scan3A_1125 = %broadcast_in_dim3A_22, %scan3A_1126 = %broadcast_in_dim3A_22, %scan3A_1127 = %broadcast_in_dim3A_22, %scan3A_1128 = %broadcast_in_dim3A_22, %scan3A_1129 = %broadcast_in_dim3A_22, %scan3A_1130 = %broadcast_in_dim3A_22) -> (vector<16xi32>, vector<16xi32>, vector<16xi32>, vector<16xi32>, vector<16xi32>, vector<16xi32>, vector<16xi32>)  : i32 {
        %add3A_1131 = vector.broadcast %scan3A_1123 : i32 to vector<16xi32>
        %add3A_1132 = arith.addi %broadcast_in_dim3A_22, %add3A_1131 : vector<16xi32>
        %gather3A_1133 = tpu.vector_load_idx %arg6[%add3A_24, %add3A_1132] : memref<8x100xf32, #tpu.memory_space<vmem>>[vector<16xi32>, vector<16xi32>], vector<16xf32>,
        %gt3A_1134 = arith.cmpf ogt, %gather3A_1133, %get3A_26 : vector<16xf32>
        %eq3A = arith.cmpf oeq, %gather3A_1133, %get3A_26 : vector<16xf32>
        %lt3A_1135 = vector.broadcast %scan3A_1123 : i32 to vector<16xi32>
        %lt3A_1136 = arith.cmpi slt, %lt3A_1135, %add3A_3 : vector<16xi32>
        %and3A_1137 = arith.andi %eq3A, %lt3A_1136 : vector<16xi1>
        %or3A = arith.ori %gt3A_1134, %and3A_1137 : vector<16xi1>
        %convert_element_type3A_1138 = arith.extui %or3A : vector<16xi1> to vector<16xi32>
        %add3A_1139 = arith.addi %scan3A_1124, %convert_element_type3A_1138 : vector<16xi32>
        %gt3A_1140 = arith.cmpf ogt, %gather3A_1133, %get3A_29 : vector<16xf32>
        %eq3A_1141 = arith.cmpf oeq, %gather3A_1133, %get3A_29 : vector<16xf32>
        %lt3A_1142 = vector.broadcast %scan3A_1123 : i32 to vector<16xi32>
        %lt3A_1143 = arith.cmpi slt, %lt3A_1142, %add3A_6 : vector<16xi32>
        %and3A_1144 = arith.andi %eq3A_1141, %lt3A_1143 : vector<16xi1>
        %or3A_1145 = arith.ori %gt3A_1140, %and3A_1144 : vector<16xi1>
        %convert_element_type3A_1146 = arith.extui %or3A_1145 : vector<16xi1> to vector<16xi32>
        %add3A_1147 = arith.addi %scan3A_1125, %convert_element_type3A_1146 : vector<16xi32>
        %gt3A_1148 = arith.cmpf ogt, %gather3A_1133, %get3A_32 : vector<16xf32>
        %eq3A_1149 = arith.cmpf oeq, %gather3A_1133, %get3A_32 : vector<16xf32>
        %lt3A_1150 = vector.broadcast %scan3A_1123 : i32 to vector<16xi32>
        %lt3A_1151 = arith.cmpi slt, %lt3A_1150, %add3A_9 : vector<16xi32>
        %and3A_1152 = arith.andi %eq3A_1149, %lt3A_1151 : vector<16xi1>
        %or3A_1153 = arith.ori %gt3A_1148, %and3A_1152 : vector<16xi1>
        %convert_element_type3A_1154 = arith.extui %or3A_1153 : vector<16xi1> to vector<16xi32>
        %add3A_1155 = arith.addi %scan3A_1126, %convert_element_type3A_1154 : vector<16xi32>
        %gt3A_1156 = arith.cmpf ogt, %gather3A_1133, %get3A_35 : vector<16xf32>
        %eq3A_1157 = arith.cmpf oeq, %gather3A_1133, %get3A_35 : vector<16xf32>
        %lt3A_1158 = vector.broadcast %scan3A_1123 : i32 to vector<16xi32>
        %lt3A_1159 = arith.cmpi slt, %lt3A_1158, %add3A_12 : vector<16xi32>
        %and3A_1160 = arith.andi %eq3A_1157, %lt3A_1159 : vector<16xi1>
        %or3A_1161 = arith.ori %gt3A_1156, %and3A_1160 : vector<16xi1>
        %convert_element_type3A_1162 = arith.extui %or3A_1161 : vector<16xi1> to vector<16xi32>
        %add3A_1163 = arith.addi %scan3A_1127, %convert_element_type3A_1162 : vector<16xi32>
        %gt3A_1164 = arith.cmpf ogt, %gather3A_1133, %get3A_38 : vector<16xf32>
        %eq3A_1165 = arith.cmpf oeq, %gather3A_1133, %get3A_38 : vector<16xf32>
        %lt3A_1166 = vector.broadcast %scan3A_1123 : i32 to vector<16xi32>
        %lt3A_1167 = arith.cmpi slt, %lt3A_1166, %add3A_15 : vector<16xi32>
        %and3A_1168 = arith.andi %eq3A_1165, %lt3A_1167 : vector<16xi1>
        %or3A_1169 = arith.ori %gt3A_1164, %and3A_1168 : vector<16xi1>
        %convert_element_type3A_1170 = arith.extui %or3A_1169 : vector<16xi1> to vector<16xi32>
        %add3A_1171 = arith.addi %scan3A_1128, %convert_element_type3A_1170 : vector<16xi32>
        %gt3A_1172 = arith.cmpf ogt, %gather3A_1133, %get3A_41 : vector<16xf32>
        %eq3A_1173 = arith.cmpf oeq, %gather3A_1133, %get3A_41 : vector<16xf32>
        %lt3A_1174 = vector.broadcast %scan3A_1123 : i32 to vector<16xi32>
        %lt3A_1175 = arith.cmpi slt, %lt3A_1174, %add3A_18 : vector<16xi32>
        %and3A_1176 = arith.andi %eq3A_1173, %lt3A_1175 : vector<16xi1>
        %or3A_1177 = arith.ori %gt3A_1172, %and3A_1176 : vector<16xi1>
        %convert_element_type3A_1178 = arith.extui %or3A_1177 : vector<16xi1> to vector<16xi32>
        %add3A_1179 = arith.addi %scan3A_1129, %convert_element_type3A_1178 : vector<16xi32>
        %gt3A_1180 = arith.cmpf ogt, %gather3A_1133, %select_n3A : vector<16xf32>
        %eq3A_1181 = arith.cmpf oeq, %gather3A_1133, %select_n3A : vector<16xf32>
        %lt3A_1182 = vector.broadcast %scan3A_1123 : i32 to vector<16xi32>
        %lt3A_1183 = arith.cmpi slt, %lt3A_1182, %add3A_21 : vector<16xi32>
        %and3A_1184 = arith.andi %eq3A_1181, %lt3A_1183 : vector<16xi1>
        %or3A_1185 = arith.ori %gt3A_1180, %and3A_1184 : vector<16xi1>
        %convert_element_type3A_1186 = arith.extui %or3A_1185 : vector<16xi1> to vector<16xi32>
        %add3A_1187 = arith.addi %scan3A_1130, %convert_element_type3A_1186 : vector<16xi32>
        scf.yield %add3A_1139, %add3A_1147, %add3A_1155, %add3A_1163, %add3A_1171, %add3A_1179, %add3A_1187 : vector<16xi32>, vector<16xi32>, vector<16xi32>, vector<16xi32>, vector<16xi32>, vector<16xi32>, vector<16xi32>
      }
      %scan3A_52 = arith.constant 100 : i32
      %ge3A = arith.constant 100 : i32
      %ge3A_53 = vector.broadcast %ge3A : i32 to vector<16xi32>
      %ge3A_54 = arith.cmpi sge, %add3A_21, %ge3A_53 : vector<16xi32>
      %select_n3A_55 = arith.select %ge3A_54, %add3A_21, %scan3A_51#6 : vector<16xi1>, vector<16xi32>
      tpu.vector_store_idx %arg8[%scan3A_51#0], %get3A_26 : memref<560xf32, #tpu.memory_space<vmem>>[vector<16xi32>], vector<16xf32>,
      %min3A_56 = arith.constant 99 : i32
      %min3A_57 = vector.broadcast %min3A_56 : i32 to vector<16xi32>
      %min3A_58 = arith.minsi %add3A_3, %min3A_57 : vector<16xi32>
      %mul3A = arith.constant 4 : i32
      %mul3A_59 = vector.broadcast %mul3A : i32 to vector<16xi32>
      %mul3A_60 = arith.muli %min3A_58, %mul3A_59 : vector<16xi32>
      %lt3A_61 = arith.constant 100 : i32
      %lt3A_62 = vector.broadcast %lt3A_61 : i32 to vector<16xi32>
      %lt3A_63 = arith.cmpi slt, %add3A_3, %lt3A_62 : vector<16xi32>
      %add3A_64 = arith.constant 0 : i32
      %add3A_65 = vector.broadcast %add3A_64 : i32 to vector<16xi32>
      %add3A_66 = arith.addi %mul3A_60, %add3A_65 : vector<16xi32>
      %gather3A_67 = tpu.vector_load_idx %arg7[%add3A_66] : memref<400xf32, #tpu.memory_space<vmem>>[vector<16xi32>], vector<16xf32>,
      %jit3A_68 = arith.constant 0.000000e+00 : f32
      %broadcast_in_dim3A_69 = vector.broadcast %jit3A_68 : f32 to vector<16xf32>
      %select_n3A_70 = arith.select %lt3A_63, %gather3A_67, %broadcast_in_dim3A_69 : vector<16xi1>, vector<16xf32>
      %add3A_71 = arith.constant 112 : i32
      %add3A_72 = vector.broadcast %add3A_71 : i32 to vector<16xi32>
      %add3A_73 = arith.addi %scan3A_51#0, %add3A_72 : vector<16xi32>
      tpu.vector_store_idx %arg8[%add3A_73], %select_n3A_70 : memref<560xf32, #tpu.memory_space<vmem>>[vector<16xi32>], vector<16xf32>,
      %add3A_74 = arith.constant 1 : i32
      %add3A_75 = vector.broadcast %add3A_74 : i32 to vector<16xi32>
      %add3A_76 = arith.addi %mul3A_60, %add3A_75 : vector<16xi32>
      %gather3A_77 = tpu.vector_load_idx %arg7[%add3A_76] : memref<400xf32, #tpu.memory_space<vmem>>[vector<16xi32>], vector<16xf32>,
      %jit3A_78 = arith.constant 0.000000e+00 : f32
      %broadcast_in_dim3A_79 = vector.broadcast %jit3A_78 : f32 to vector<16xf32>
      %select_n3A_80 = arith.select %lt3A_63, %gather3A_77, %broadcast_in_dim3A_79 : vector<16xi1>, vector<16xf32>
      %add3A_81 = arith.constant 224 : i32
      %add3A_82 = vector.broadcast %add3A_81 : i32 to vector<16xi32>
      %add3A_83 = arith.addi %scan3A_51#0, %add3A_82 : vector<16xi32>
      tpu.vector_store_idx %arg8[%add3A_83], %select_n3A_80 : memref<560xf32, #tpu.memory_space<vmem>>[vector<16xi32>], vector<16xf32>,
      %add3A_84 = arith.constant 2 : i32
      %add3A_85 = vector.broadcast %add3A_84 : i32 to vector<16xi32>
      %add3A_86 = arith.addi %mul3A_60, %add3A_85 : vector<16xi32>
      %gather3A_87 = tpu.vector_load_idx %arg7[%add3A_86] : memref<400xf32, #tpu.memory_space<vmem>>[vector<16xi32>], vector<16xf32>,
      %jit3A_88 = arith.constant 0.000000e+00 : f32
      %broadcast_in_dim3A_89 = vector.broadcast %jit3A_88 : f32 to vector<16xf32>
      %select_n3A_90 = arith.select %lt3A_63, %gather3A_87, %broadcast_in_dim3A_89 : vector<16xi1>, vector<16xf32>
      %add3A_91 = arith.constant 336 : i32
      %add3A_92 = vector.broadcast %add3A_91 : i32 to vector<16xi32>
      %add3A_93 = arith.addi %scan3A_51#0, %add3A_92 : vector<16xi32>
      tpu.vector_store_idx %arg8[%add3A_93], %select_n3A_90 : memref<560xf32, #tpu.memory_space<vmem>>[vector<16xi32>], vector<16xf32>,
      %add3A_94 = arith.constant 3 : i32
      %add3A_95 = vector.broadcast %add3A_94 : i32 to vector<16xi32>
      %add3A_96 = arith.addi %mul3A_60, %add3A_95 : vector<16xi32>
      %gather3A_97 = tpu.vector_load_idx %arg7[%add3A_96] : memref<400xf32, #tpu.memory_space<vmem>>[vector<16xi32>], vector<16xf32>,
      %jit3A_98 = arith.constant 0.000000e+00 : f32
      %broadcast_in_dim3A_99 = vector.broadcast %jit3A_98 : f32 to vector<16xf32>
      %select_n3A_100 = arith.select %lt3A_63, %gather3A_97, %broadcast_in_dim3A_99 : vector<16xi1>, vector<16xf32>
      %add3A_101 = arith.constant 448 : i32
      %add3A_102 = vector.broadcast %add3A_101 : i32 to vector<16xi32>
      %add3A_103 = arith.addi %scan3A_51#0, %add3A_102 : vector<16xi32>
      tpu.vector_store_idx %arg8[%add3A_103], %select_n3A_100 : memref<560xf32, #tpu.memory_space<vmem>>[vector<16xi32>], vector<16xf32>,
      tpu.vector_store_idx %arg8[%scan3A_51#1], %get3A_29 : memref<560xf32, #tpu.memory_space<vmem>>[vector<16xi32>], vector<16xf32>,
      %min3A_104 = arith.constant 99 : i32
      %min3A_105 = vector.broadcast %min3A_104 : i32 to vector<16xi32>
      %min3A_106 = arith.minsi %add3A_6, %min3A_105 : vector<16xi32>
      %mul3A_107 = arith.constant 4 : i32
      %mul3A_108 = vector.broadcast %mul3A_107 : i32 to vector<16xi32>
      %mul3A_109 = arith.muli %min3A_106, %mul3A_108 : vector<16xi32>
      %lt3A_110 = arith.constant 100 : i32
      %lt3A_111 = vector.broadcast %lt3A_110 : i32 to vector<16xi32>
      %lt3A_112 = arith.cmpi slt, %add3A_6, %lt3A_111 : vector<16xi32>
      %add3A_113 = arith.constant 0 : i32
      %add3A_114 = vector.broadcast %add3A_113 : i32 to vector<16xi32>
      %add3A_115 = arith.addi %mul3A_109, %add3A_114 : vector<16xi32>
      %gather3A_116 = tpu.vector_load_idx %arg7[%add3A_115] : memref<400xf32, #tpu.memory_space<vmem>>[vector<16xi32>], vector<16xf32>,
      %jit3A_117 = arith.constant 0.000000e+00 : f32
      %broadcast_in_dim3A_118 = vector.broadcast %jit3A_117 : f32 to vector<16xf32>
      %select_n3A_119 = arith.select %lt3A_112, %gather3A_116, %broadcast_in_dim3A_118 : vector<16xi1>, vector<16xf32>
      %add3A_120 = arith.constant 112 : i32
      %add3A_121 = vector.broadcast %add3A_120 : i32 to vector<16xi32>
      %add3A_122 = arith.addi %scan3A_51#1, %add3A_121 : vector<16xi32>
      tpu.vector_store_idx %arg8[%add3A_122], %select_n3A_119 : memref<560xf32, #tpu.memory_space<vmem>>[vector<16xi32>], vector<16xf32>,
      %add3A_123 = arith.constant 1 : i32
      %add3A_124 = vector.broadcast %add3A_123 : i32 to vector<16xi32>
      %add3A_125 = arith.addi %mul3A_109, %add3A_124 : vector<16xi32>
      %gather3A_126 = tpu.vector_load_idx %arg7[%add3A_125] : memref<400xf32, #tpu.memory_space<vmem>>[vector<16xi32>], vector<16xf32>,
      %jit3A_127 = arith.constant 0.000000e+00 : f32
      %broadcast_in_dim3A_128 = vector.broadcast %jit3A_127 : f32 to vector<16xf32>
      %select_n3A_129 = arith.select %lt3A_112, %gather3A_126, %broadcast_in_dim3A_128 : vector<16xi1>, vector<16xf32>
      %add3A_130 = arith.constant 224 : i32
      %add3A_131 = vector.broadcast %add3A_130 : i32 to vector<16xi32>
      %add3A_132 = arith.addi %scan3A_51#1, %add3A_131 : vector<16xi32>
      tpu.vector_store_idx %arg8[%add3A_132], %select_n3A_129 : memref<560xf32, #tpu.memory_space<vmem>>[vector<16xi32>], vector<16xf32>,
      %add3A_133 = arith.constant 2 : i32
      %add3A_134 = vector.broadcast %add3A_133 : i32 to vector<16xi32>
      %add3A_135 = arith.addi %mul3A_109, %add3A_134 : vector<16xi32>
      %gather3A_136 = tpu.vector_load_idx %arg7[%add3A_135] : memref<400xf32, #tpu.memory_space<vmem>>[vector<16xi32>], vector<16xf32>,
      %jit3A_137 = arith.constant 0.000000e+00 : f32
      %broadcast_in_dim3A_138 = vector.broadcast %jit3A_137 : f32 to vector<16xf32>
      %select_n3A_139 = arith.select %lt3A_112, %gather3A_136, %broadcast_in_dim3A_138 : vector<16xi1>, vector<16xf32>
      %add3A_140 = arith.constant 336 : i32
      %add3A_141 = vector.broadcast %add3A_140 : i32 to vector<16xi32>
      %add3A_142 = arith.addi %scan3A_51#1, %add3A_141 : vector<16xi32>
      tpu.vector_store_idx %arg8[%add3A_142], %select_n3A_139 : memref<560xf32, #tpu.memory_space<vmem>>[vector<16xi32>], vector<16xf32>,
      %add3A_143 = arith.constant 3 : i32
      %add3A_144 = vector.broadcast %add3A_143 : i32 to vector<16xi32>
      %add3A_145 = arith.addi %mul3A_109, %add3A_144 : vector<16xi32>
      %gather3A_146 = tpu.vector_load_idx %arg7[%add3A_145] : memref<400xf32, #tpu.memory_space<vmem>>[vector<16xi32>], vector<16xf32>,
      %jit3A_147 = arith.constant 0.000000e+00 : f32
      %broadcast_in_dim3A_148 = vector.broadcast %jit3A_147 : f32 to vector<16xf32>
      %select_n3A_149 = arith.select %lt3A_112, %gather3A_146, %broadcast_in_dim3A_148 : vector<16xi1>, vector<16xf32>
      %add3A_150 = arith.constant 448 : i32
      %add3A_151 = vector.broadcast %add3A_150 : i32 to vector<16xi32>
      %add3A_152 = arith.addi %scan3A_51#1, %add3A_151 : vector<16xi32>
      tpu.vector_store_idx %arg8[%add3A_152], %select_n3A_149 : memref<560xf32, #tpu.memory_space<vmem>>[vector<16xi32>], vector<16xf32>,
      tpu.vector_store_idx %arg8[%scan3A_51#2], %get3A_32 : memref<560xf32, #tpu.memory_space<vmem>>[vector<16xi32>], vector<16xf32>,
      %min3A_153 = arith.constant 99 : i32
      %min3A_154 = vector.broadcast %min3A_153 : i32 to vector<16xi32>
      %min3A_155 = arith.minsi %add3A_9, %min3A_154 : vector<16xi32>
      %mul3A_156 = arith.constant 4 : i32
      %mul3A_157 = vector.broadcast %mul3A_156 : i32 to vector<16xi32>
      %mul3A_158 = arith.muli %min3A_155, %mul3A_157 : vector<16xi32>
      %lt3A_159 = arith.constant 100 : i32
      %lt3A_160 = vector.broadcast %lt3A_159 : i32 to vector<16xi32>
      %lt3A_161 = arith.cmpi slt, %add3A_9, %lt3A_160 : vector<16xi32>
      %add3A_162 = arith.constant 0 : i32
      %add3A_163 = vector.broadcast %add3A_162 : i32 to vector<16xi32>
      %add3A_164 = arith.addi %mul3A_158, %add3A_163 : vector<16xi32>
      %gather3A_165 = tpu.vector_load_idx %arg7[%add3A_164] : memref<400xf32, #tpu.memory_space<vmem>>[vector<16xi32>], vector<16xf32>,
      %jit3A_166 = arith.constant 0.000000e+00 : f32
      %broadcast_in_dim3A_167 = vector.broadcast %jit3A_166 : f32 to vector<16xf32>
      %select_n3A_168 = arith.select %lt3A_161, %gather3A_165, %broadcast_in_dim3A_167 : vector<16xi1>, vector<16xf32>
      %add3A_169 = arith.constant 112 : i32
      %add3A_170 = vector.broadcast %add3A_169 : i32 to vector<16xi32>
      %add3A_171 = arith.addi %scan3A_51#2, %add3A_170 : vector<16xi32>
      tpu.vector_store_idx %arg8[%add3A_171], %select_n3A_168 : memref<560xf32, #tpu.memory_space<vmem>>[vector<16xi32>], vector<16xf32>,
      %add3A_172 = arith.constant 1 : i32
      %add3A_173 = vector.broadcast %add3A_172 : i32 to vector<16xi32>
      %add3A_174 = arith.addi %mul3A_158, %add3A_173 : vector<16xi32>
      %gather3A_175 = tpu.vector_load_idx %arg7[%add3A_174] : memref<400xf32, #tpu.memory_space<vmem>>[vector<16xi32>], vector<16xf32>,
      %jit3A_176 = arith.constant 0.000000e+00 : f32
      %broadcast_in_dim3A_177 = vector.broadcast %jit3A_176 : f32 to vector<16xf32>
      %select_n3A_178 = arith.select %lt3A_161, %gather3A_175, %broadcast_in_dim3A_177 : vector<16xi1>, vector<16xf32>
      %add3A_179 = arith.constant 224 : i32
      %add3A_180 = vector.broadcast %add3A_179 : i32 to vector<16xi32>
      %add3A_181 = arith.addi %scan3A_51#2, %add3A_180 : vector<16xi32>
      tpu.vector_store_idx %arg8[%add3A_181], %select_n3A_178 : memref<560xf32, #tpu.memory_space<vmem>>[vector<16xi32>], vector<16xf32>,
      %add3A_182 = arith.constant 2 : i32
      %add3A_183 = vector.broadcast %add3A_182 : i32 to vector<16xi32>
      %add3A_184 = arith.addi %mul3A_158, %add3A_183 : vector<16xi32>
      %gather3A_185 = tpu.vector_load_idx %arg7[%add3A_184] : memref<400xf32, #tpu.memory_space<vmem>>[vector<16xi32>], vector<16xf32>,
      %jit3A_186 = arith.constant 0.000000e+00 : f32
      %broadcast_in_dim3A_187 = vector.broadcast %jit3A_186 : f32 to vector<16xf32>
      %select_n3A_188 = arith.select %lt3A_161, %gather3A_185, %broadcast_in_dim3A_187 : vector<16xi1>, vector<16xf32>
      %add3A_189 = arith.constant 336 : i32
      %add3A_190 = vector.broadcast %add3A_189 : i32 to vector<16xi32>
      %add3A_191 = arith.addi %scan3A_51#2, %add3A_190 : vector<16xi32>
      tpu.vector_store_idx %arg8[%add3A_191], %select_n3A_188 : memref<560xf32, #tpu.memory_space<vmem>>[vector<16xi32>], vector<16xf32>,
      %add3A_192 = arith.constant 3 : i32
      %add3A_193 = vector.broadcast %add3A_192 : i32 to vector<16xi32>
      %add3A_194 = arith.addi %mul3A_158, %add3A_193 : vector<16xi32>
      %gather3A_195 = tpu.vector_load_idx %arg7[%add3A_194] : memref<400xf32, #tpu.memory_space<vmem>>[vector<16xi32>], vector<16xf32>,
      %jit3A_196 = arith.constant 0.000000e+00 : f32
      %broadcast_in_dim3A_197 = vector.broadcast %jit3A_196 : f32 to vector<16xf32>
      %select_n3A_198 = arith.select %lt3A_161, %gather3A_195, %broadcast_in_dim3A_197 : vector<16xi1>, vector<16xf32>
      %add3A_199 = arith.constant 448 : i32
      %add3A_200 = vector.broadcast %add3A_199 : i32 to vector<16xi32>
      %add3A_201 = arith.addi %scan3A_51#2, %add3A_200 : vector<16xi32>
      tpu.vector_store_idx %arg8[%add3A_201], %select_n3A_198 : memref<560xf32, #tpu.memory_space<vmem>>[vector<16xi32>], vector<16xf32>,
      tpu.vector_store_idx %arg8[%scan3A_51#3], %get3A_35 : memref<560xf32, #tpu.memory_space<vmem>>[vector<16xi32>], vector<16xf32>,
      %min3A_202 = arith.constant 99 : i32
      %min3A_203 = vector.broadcast %min3A_202 : i32 to vector<16xi32>
      %min3A_204 = arith.minsi %add3A_12, %min3A_203 : vector<16xi32>
      %mul3A_205 = arith.constant 4 : i32
      %mul3A_206 = vector.broadcast %mul3A_205 : i32 to vector<16xi32>
      %mul3A_207 = arith.muli %min3A_204, %mul3A_206 : vector<16xi32>
      %lt3A_208 = arith.constant 100 : i32
      %lt3A_209 = vector.broadcast %lt3A_208 : i32 to vector<16xi32>
      %lt3A_210 = arith.cmpi slt, %add3A_12, %lt3A_209 : vector<16xi32>
      %add3A_211 = arith.constant 0 : i32
      %add3A_212 = vector.broadcast %add3A_211 : i32 to vector<16xi32>
      %add3A_213 = arith.addi %mul3A_207, %add3A_212 : vector<16xi32>
      %gather3A_214 = tpu.vector_load_idx %arg7[%add3A_213] : memref<400xf32, #tpu.memory_space<vmem>>[vector<16xi32>], vector<16xf32>,
      %jit3A_215 = arith.constant 0.000000e+00 : f32
      %broadcast_in_dim3A_216 = vector.broadcast %jit3A_215 : f32 to vector<16xf32>
      %select_n3A_217 = arith.select %lt3A_210, %gather3A_214, %broadcast_in_dim3A_216 : vector<16xi1>, vector<16xf32>
      %add3A_218 = arith.constant 112 : i32
      %add3A_219 = vector.broadcast %add3A_218 : i32 to vector<16xi32>
      %add3A_220 = arith.addi %scan3A_51#3, %add3A_219 : vector<16xi32>
      tpu.vector_store_idx %arg8[%add3A_220], %select_n3A_217 : memref<560xf32, #tpu.memory_space<vmem>>[vector<16xi32>], vector<16xf32>,
      %add3A_221 = arith.constant 1 : i32
      %add3A_222 = vector.broadcast %add3A_221 : i32 to vector<16xi32>
      %add3A_223 = arith.addi %mul3A_207, %add3A_222 : vector<16xi32>
      %gather3A_224 = tpu.vector_load_idx %arg7[%add3A_223] : memref<400xf32, #tpu.memory_space<vmem>>[vector<16xi32>], vector<16xf32>,
      %jit3A_225 = arith.constant 0.000000e+00 : f32
      %broadcast_in_dim3A_226 = vector.broadcast %jit3A_225 : f32 to vector<16xf32>
      %select_n3A_227 = arith.select %lt3A_210, %gather3A_224, %broadcast_in_dim3A_226 : vector<16xi1>, vector<16xf32>
      %add3A_228 = arith.constant 224 : i32
      %add3A_229 = vector.broadcast %add3A_228 : i32 to vector<16xi32>
      %add3A_230 = arith.addi %scan3A_51#3, %add3A_229 : vector<16xi32>
      tpu.vector_store_idx %arg8[%add3A_230], %select_n3A_227 : memref<560xf32, #tpu.memory_space<vmem>>[vector<16xi32>], vector<16xf32>,
      %add3A_231 = arith.constant 2 : i32
      %add3A_232 = vector.broadcast %add3A_231 : i32 to vector<16xi32>
      %add3A_233 = arith.addi %mul3A_207, %add3A_232 : vector<16xi32>
      %gather3A_234 = tpu.vector_load_idx %arg7[%add3A_233] : memref<400xf32, #tpu.memory_space<vmem>>[vector<16xi32>], vector<16xf32>,
      %jit3A_235 = arith.constant 0.000000e+00 : f32
      %broadcast_in_dim3A_236 = vector.broadcast %jit3A_235 : f32 to vector<16xf32>
      %select_n3A_237 = arith.select %lt3A_210, %gather3A_234, %broadcast_in_dim3A_236 : vector<16xi1>, vector<16xf32>
      %add3A_238 = arith.constant 336 : i32
      %add3A_239 = vector.broadcast %add3A_238 : i32 to vector<16xi32>
      %add3A_240 = arith.addi %scan3A_51#3, %add3A_239 : vector<16xi32>
      tpu.vector_store_idx %arg8[%add3A_240], %select_n3A_237 : memref<560xf32, #tpu.memory_space<vmem>>[vector<16xi32>], vector<16xf32>,
      %add3A_241 = arith.constant 3 : i32
      %add3A_242 = vector.broadcast %add3A_241 : i32 to vector<16xi32>
      %add3A_243 = arith.addi %mul3A_207, %add3A_242 : vector<16xi32>
      %gather3A_244 = tpu.vector_load_idx %arg7[%add3A_243] : memref<400xf32, #tpu.memory_space<vmem>>[vector<16xi32>], vector<16xf32>,
      %jit3A_245 = arith.constant 0.000000e+00 : f32
      %broadcast_in_dim3A_246 = vector.broadcast %jit3A_245 : f32 to vector<16xf32>
      %select_n3A_247 = arith.select %lt3A_210, %gather3A_244, %broadcast_in_dim3A_246 : vector<16xi1>, vector<16xf32>
      %add3A_248 = arith.constant 448 : i32
      %add3A_249 = vector.broadcast %add3A_248 : i32 to vector<16xi32>
      %add3A_250 = arith.addi %scan3A_51#3, %add3A_249 : vector<16xi32>
      tpu.vector_store_idx %arg8[%add3A_250], %select_n3A_247 : memref<560xf32, #tpu.memory_space<vmem>>[vector<16xi32>], vector<16xf32>,
      tpu.vector_store_idx %arg8[%scan3A_51#4], %get3A_38 : memref<560xf32, #tpu.memory_space<vmem>>[vector<16xi32>], vector<16xf32>,
      %min3A_251 = arith.constant 99 : i32
      %min3A_252 = vector.broadcast %min3A_251 : i32 to vector<16xi32>
      %min3A_253 = arith.minsi %add3A_15, %min3A_252 : vector<16xi32>
      %mul3A_254 = arith.constant 4 : i32
      %mul3A_255 = vector.broadcast %mul3A_254 : i32 to vector<16xi32>
      %mul3A_256 = arith.muli %min3A_253, %mul3A_255 : vector<16xi32>
      %lt3A_257 = arith.constant 100 : i32
      %lt3A_258 = vector.broadcast %lt3A_257 : i32 to vector<16xi32>
      %lt3A_259 = arith.cmpi slt, %add3A_15, %lt3A_258 : vector<16xi32>
      %add3A_260 = arith.constant 0 : i32
      %add3A_261 = vector.broadcast %add3A_260 : i32 to vector<16xi32>
      %add3A_262 = arith.addi %mul3A_256, %add3A_261 : vector<16xi32>
      %gather3A_263 = tpu.vector_load_idx %arg7[%add3A_262] : memref<400xf32, #tpu.memory_space<vmem>>[vector<16xi32>], vector<16xf32>,
      %jit3A_264 = arith.constant 0.000000e+00 : f32
      %broadcast_in_dim3A_265 = vector.broadcast %jit3A_264 : f32 to vector<16xf32>
      %select_n3A_266 = arith.select %lt3A_259, %gather3A_263, %broadcast_in_dim3A_265 : vector<16xi1>, vector<16xf32>
      %add3A_267 = arith.constant 112 : i32
      %add3A_268 = vector.broadcast %add3A_267 : i32 to vector<16xi32>
      %add3A_269 = arith.addi %scan3A_51#4, %add3A_268 : vector<16xi32>
      tpu.vector_store_idx %arg8[%add3A_269], %select_n3A_266 : memref<560xf32, #tpu.memory_space<vmem>>[vector<16xi32>], vector<16xf32>,
      %add3A_270 = arith.constant 1 : i32
      %add3A_271 = vector.broadcast %add3A_270 : i32 to vector<16xi32>
      %add3A_272 = arith.addi %mul3A_256, %add3A_271 : vector<16xi32>
      %gather3A_273 = tpu.vector_load_idx %arg7[%add3A_272] : memref<400xf32, #tpu.memory_space<vmem>>[vector<16xi32>], vector<16xf32>,
      %jit3A_274 = arith.constant 0.000000e+00 : f32
      %broadcast_in_dim3A_275 = vector.broadcast %jit3A_274 : f32 to vector<16xf32>
      %select_n3A_276 = arith.select %lt3A_259, %gather3A_273, %broadcast_in_dim3A_275 : vector<16xi1>, vector<16xf32>
      %add3A_277 = arith.constant 224 : i32
      %add3A_278 = vector.broadcast %add3A_277 : i32 to vector<16xi32>
      %add3A_279 = arith.addi %scan3A_51#4, %add3A_278 : vector<16xi32>
      tpu.vector_store_idx %arg8[%add3A_279], %select_n3A_276 : memref<560xf32, #tpu.memory_space<vmem>>[vector<16xi32>], vector<16xf32>,
      %add3A_280 = arith.constant 2 : i32
      %add3A_281 = vector.broadcast %add3A_280 : i32 to vector<16xi32>
      %add3A_282 = arith.addi %mul3A_256, %add3A_281 : vector<16xi32>
      %gather3A_283 = tpu.vector_load_idx %arg7[%add3A_282] : memref<400xf32, #tpu.memory_space<vmem>>[vector<16xi32>], vector<16xf32>,
      %jit3A_284 = arith.constant 0.000000e+00 : f32
      %broadcast_in_dim3A_285 = vector.broadcast %jit3A_284 : f32 to vector<16xf32>
      %select_n3A_286 = arith.select %lt3A_259, %gather3A_283, %broadcast_in_dim3A_285 : vector<16xi1>, vector<16xf32>
      %add3A_287 = arith.constant 336 : i32
      %add3A_288 = vector.broadcast %add3A_287 : i32 to vector<16xi32>
      %add3A_289 = arith.addi %scan3A_51#4, %add3A_288 : vector<16xi32>
      tpu.vector_store_idx %arg8[%add3A_289], %select_n3A_286 : memref<560xf32, #tpu.memory_space<vmem>>[vector<16xi32>], vector<16xf32>,
      %add3A_290 = arith.constant 3 : i32
      %add3A_291 = vector.broadcast %add3A_290 : i32 to vector<16xi32>
      %add3A_292 = arith.addi %mul3A_256, %add3A_291 : vector<16xi32>
      %gather3A_293 = tpu.vector_load_idx %arg7[%add3A_292] : memref<400xf32, #tpu.memory_space<vmem>>[vector<16xi32>], vector<16xf32>,
      %jit3A_294 = arith.constant 0.000000e+00 : f32
      %broadcast_in_dim3A_295 = vector.broadcast %jit3A_294 : f32 to vector<16xf32>
      %select_n3A_296 = arith.select %lt3A_259, %gather3A_293, %broadcast_in_dim3A_295 : vector<16xi1>, vector<16xf32>
      %add3A_297 = arith.constant 448 : i32
      %add3A_298 = vector.broadcast %add3A_297 : i32 to vector<16xi32>
      %add3A_299 = arith.addi %scan3A_51#4, %add3A_298 : vector<16xi32>
      tpu.vector_store_idx %arg8[%add3A_299], %select_n3A_296 : memref<560xf32, #tpu.memory_space<vmem>>[vector<16xi32>], vector<16xf32>,
      tpu.vector_store_idx %arg8[%scan3A_51#5], %get3A_41 : memref<560xf32, #tpu.memory_space<vmem>>[vector<16xi32>], vector<16xf32>,
      %min3A_300 = arith.constant 99 : i32
      %min3A_301 = vector.broadcast %min3A_300 : i32 to vector<16xi32>
      %min3A_302 = arith.minsi %add3A_18, %min3A_301 : vector<16xi32>
      %mul3A_303 = arith.constant 4 : i32
      %mul3A_304 = vector.broadcast %mul3A_303 : i32 to vector<16xi32>
      %mul3A_305 = arith.muli %min3A_302, %mul3A_304 : vector<16xi32>
      %lt3A_306 = arith.constant 100 : i32
      %lt3A_307 = vector.broadcast %lt3A_306 : i32 to vector<16xi32>
      %lt3A_308 = arith.cmpi slt, %add3A_18, %lt3A_307 : vector<16xi32>
      %add3A_309 = arith.constant 0 : i32
      %add3A_310 = vector.broadcast %add3A_309 : i32 to vector<16xi32>
      %add3A_311 = arith.addi %mul3A_305, %add3A_310 : vector<16xi32>
      %gather3A_312 = tpu.vector_load_idx %arg7[%add3A_311] : memref<400xf32, #tpu.memory_space<vmem>>[vector<16xi32>], vector<16xf32>,
      %jit3A_313 = arith.constant 0.000000e+00 : f32
      %broadcast_in_dim3A_314 = vector.broadcast %jit3A_313 : f32 to vector<16xf32>
      %select_n3A_315 = arith.select %lt3A_308, %gather3A_312, %broadcast_in_dim3A_314 : vector<16xi1>, vector<16xf32>
      %add3A_316 = arith.constant 112 : i32
      %add3A_317 = vector.broadcast %add3A_316 : i32 to vector<16xi32>
      %add3A_318 = arith.addi %scan3A_51#5, %add3A_317 : vector<16xi32>
      tpu.vector_store_idx %arg8[%add3A_318], %select_n3A_315 : memref<560xf32, #tpu.memory_space<vmem>>[vector<16xi32>], vector<16xf32>,
      %add3A_319 = arith.constant 1 : i32
      %add3A_320 = vector.broadcast %add3A_319 : i32 to vector<16xi32>
      %add3A_321 = arith.addi %mul3A_305, %add3A_320 : vector<16xi32>
      %gather3A_322 = tpu.vector_load_idx %arg7[%add3A_321] : memref<400xf32, #tpu.memory_space<vmem>>[vector<16xi32>], vector<16xf32>,
      %jit3A_323 = arith.constant 0.000000e+00 : f32
      %broadcast_in_dim3A_324 = vector.broadcast %jit3A_323 : f32 to vector<16xf32>
      %select_n3A_325 = arith.select %lt3A_308, %gather3A_322, %broadcast_in_dim3A_324 : vector<16xi1>, vector<16xf32>
      %add3A_326 = arith.constant 224 : i32
      %add3A_327 = vector.broadcast %add3A_326 : i32 to vector<16xi32>
      %add3A_328 = arith.addi %scan3A_51#5, %add3A_327 : vector<16xi32>
      tpu.vector_store_idx %arg8[%add3A_328], %select_n3A_325 : memref<560xf32, #tpu.memory_space<vmem>>[vector<16xi32>], vector<16xf32>,
      %add3A_329 = arith.constant 2 : i32
      %add3A_330 = vector.broadcast %add3A_329 : i32 to vector<16xi32>
      %add3A_331 = arith.addi %mul3A_305, %add3A_330 : vector<16xi32>
      %gather3A_332 = tpu.vector_load_idx %arg7[%add3A_331] : memref<400xf32, #tpu.memory_space<vmem>>[vector<16xi32>], vector<16xf32>,
      %jit3A_333 = arith.constant 0.000000e+00 : f32
      %broadcast_in_dim3A_334 = vector.broadcast %jit3A_333 : f32 to vector<16xf32>
      %select_n3A_335 = arith.select %lt3A_308, %gather3A_332, %broadcast_in_dim3A_334 : vector<16xi1>, vector<16xf32>
      %add3A_336 = arith.constant 336 : i32
      %add3A_337 = vector.broadcast %add3A_336 : i32 to vector<16xi32>
      %add3A_338 = arith.addi %scan3A_51#5, %add3A_337 : vector<16xi32>
      tpu.vector_store_idx %arg8[%add3A_338], %select_n3A_335 : memref<560xf32, #tpu.memory_space<vmem>>[vector<16xi32>], vector<16xf32>,
      %add3A_339 = arith.constant 3 : i32
      %add3A_340 = vector.broadcast %add3A_339 : i32 to vector<16xi32>
      %add3A_341 = arith.addi %mul3A_305, %add3A_340 : vector<16xi32>
      %gather3A_342 = tpu.vector_load_idx %arg7[%add3A_341] : memref<400xf32, #tpu.memory_space<vmem>>[vector<16xi32>], vector<16xf32>,
      %jit3A_343 = arith.constant 0.000000e+00 : f32
      %broadcast_in_dim3A_344 = vector.broadcast %jit3A_343 : f32 to vector<16xf32>
      %select_n3A_345 = arith.select %lt3A_308, %gather3A_342, %broadcast_in_dim3A_344 : vector<16xi1>, vector<16xf32>
      %add3A_346 = arith.constant 448 : i32
      %add3A_347 = vector.broadcast %add3A_346 : i32 to vector<16xi32>
      %add3A_348 = arith.addi %scan3A_51#5, %add3A_347 : vector<16xi32>
      tpu.vector_store_idx %arg8[%add3A_348], %select_n3A_345 : memref<560xf32, #tpu.memory_space<vmem>>[vector<16xi32>], vector<16xf32>,
      tpu.vector_store_idx %arg8[%select_n3A_55], %select_n3A : memref<560xf32, #tpu.memory_space<vmem>>[vector<16xi32>], vector<16xf32>,
      %min3A_349 = arith.constant 99 : i32
      %min3A_350 = vector.broadcast %min3A_349 : i32 to vector<16xi32>
      %min3A_351 = arith.minsi %add3A_21, %min3A_350 : vector<16xi32>
      %mul3A_352 = arith.constant 4 : i32
      %mul3A_353 = vector.broadcast %mul3A_352 : i32 to vector<16xi32>
      %mul3A_354 = arith.muli %min3A_351, %mul3A_353 : vector<16xi32>
      %lt3A_355 = arith.constant 100 : i32
      %lt3A_356 = vector.broadcast %lt3A_355 : i32 to vector<16xi32>
      %lt3A_357 = arith.cmpi slt, %add3A_21, %lt3A_356 : vector<16xi32>
      %add3A_358 = arith.constant 0 : i32
      %add3A_359 = vector.broadcast %add3A_358 : i32 to vector<16xi32>
      %add3A_360 = arith.addi %mul3A_354, %add3A_359 : vector<16xi32>
      %gather3A_361 = tpu.vector_load_idx %arg7[%add3A_360] : memref<400xf32, #tpu.memory_space<vmem>>[vector<16xi32>], vector<16xf32>,
      %jit3A_362 = arith.constant 0.000000e+00 : f32
      %broadcast_in_dim3A_363 = vector.broadcast %jit3A_362 : f32 to vector<16xf32>
      %select_n3A_364 = arith.select %lt3A_357, %gather3A_361, %broadcast_in_dim3A_363 : vector<16xi1>, vector<16xf32>
      %add3A_365 = arith.constant 112 : i32
      %add3A_366 = vector.broadcast %add3A_365 : i32 to vector<16xi32>
      %add3A_367 = arith.addi %select_n3A_55, %add3A_366 : vector<16xi32>
      tpu.vector_store_idx %arg8[%add3A_367], %select_n3A_364 : memref<560xf32, #tpu.memory_space<vmem>>[vector<16xi32>], vector<16xf32>,
      %add3A_368 = arith.constant 1 : i32
      %add3A_369 = vector.broadcast %add3A_368 : i32 to vector<16xi32>
      %add3A_370 = arith.addi %mul3A_354, %add3A_369 : vector<16xi32>
      %gather3A_371 = tpu.vector_load_idx %arg7[%add3A_370] : memref<400xf32, #tpu.memory_space<vmem>>[vector<16xi32>], vector<16xf32>,
      %jit3A_372 = arith.constant 0.000000e+00 : f32
      %broadcast_in_dim3A_373 = vector.broadcast %jit3A_372 : f32 to vector<16xf32>
      %select_n3A_374 = arith.select %lt3A_357, %gather3A_371, %broadcast_in_dim3A_373 : vector<16xi1>, vector<16xf32>
      %add3A_375 = arith.constant 224 : i32
      %add3A_376 = vector.broadcast %add3A_375 : i32 to vector<16xi32>
      %add3A_377 = arith.addi %select_n3A_55, %add3A_376 : vector<16xi32>
      tpu.vector_store_idx %arg8[%add3A_377], %select_n3A_374 : memref<560xf32, #tpu.memory_space<vmem>>[vector<16xi32>], vector<16xf32>,
      %add3A_378 = arith.constant 2 : i32
      %add3A_379 = vector.broadcast %add3A_378 : i32 to vector<16xi32>
      %add3A_380 = arith.addi %mul3A_354, %add3A_379 : vector<16xi32>
      %gather3A_381 = tpu.vector_load_idx %arg7[%add3A_380] : memref<400xf32, #tpu.memory_space<vmem>>[vector<16xi32>], vector<16xf32>,
      %jit3A_382 = arith.constant 0.000000e+00 : f32
      %broadcast_in_dim3A_383 = vector.broadcast %jit3A_382 : f32 to vector<16xf32>
      %select_n3A_384 = arith.select %lt3A_357, %gather3A_381, %broadcast_in_dim3A_383 : vector<16xi1>, vector<16xf32>
      %add3A_385 = arith.constant 336 : i32
      %add3A_386 = vector.broadcast %add3A_385 : i32 to vector<16xi32>
      %add3A_387 = arith.addi %select_n3A_55, %add3A_386 : vector<16xi32>
      tpu.vector_store_idx %arg8[%add3A_387], %select_n3A_384 : memref<560xf32, #tpu.memory_space<vmem>>[vector<16xi32>], vector<16xf32>,
      %add3A_388 = arith.constant 3 : i32
      %add3A_389 = vector.broadcast %add3A_388 : i32 to vector<16xi32>
      %add3A_390 = arith.addi %mul3A_354, %add3A_389 : vector<16xi32>
      %gather3A_391 = tpu.vector_load_idx %arg7[%add3A_390] : memref<400xf32, #tpu.memory_space<vmem>>[vector<16xi32>], vector<16xf32>,
      %jit3A_392 = arith.constant 0.000000e+00 : f32
      %broadcast_in_dim3A_393 = vector.broadcast %jit3A_392 : f32 to vector<16xf32>
      %select_n3A_394 = arith.select %lt3A_357, %gather3A_391, %broadcast_in_dim3A_393 : vector<16xi1>, vector<16xf32>
      %add3A_395 = arith.constant 448 : i32
      %add3A_396 = vector.broadcast %add3A_395 : i32 to vector<16xi32>
      %add3A_397 = arith.addi %select_n3A_55, %add3A_396 : vector<16xi32>
      tpu.vector_store_idx %arg8[%add3A_397], %select_n3A_394 : memref<560xf32, #tpu.memory_space<vmem>>[vector<16xi32>], vector<16xf32>,
      %broadcast_in_dim3A_398 = arith.constant 1 : i32
      %broadcast_in_dim3A_399 = vector.broadcast %broadcast_in_dim3A_398 : i32 to vector<16xi32>
      %get3A_400 = arith.constant 112 : index
      %get3A_401 = tpu.vector_load %arg8[%get3A_400] {strides = array<i32>} : memref<560xf32, #tpu.memory_space<vmem>>, vector<16xf32>,
      %get3A_402 = arith.constant 224 : index
      %get3A_403 = tpu.vector_load %arg8[%get3A_402] {strides = array<i32>} : memref<560xf32, #tpu.memory_space<vmem>>, vector<16xf32>,
      %get3A_404 = arith.constant 336 : index
      %get3A_405 = tpu.vector_load %arg8[%get3A_404] {strides = array<i32>} : memref<560xf32, #tpu.memory_space<vmem>>, vector<16xf32>,
      %get3A_406 = arith.constant 448 : index
      %get3A_407 = tpu.vector_load %arg8[%get3A_406] {strides = array<i32>} : memref<560xf32, #tpu.memory_space<vmem>>, vector<16xf32>,
      %sub3A = arith.subf %get3A_405, %get3A_401 : vector<16xf32>
      %max3A = arith.constant 0.000000e+00 : f32
      %max3A_408 = vector.broadcast %max3A : f32 to vector<16xf32>
      %max3A_409 = arith.maximumf %sub3A, %max3A_408 : vector<16xf32>
      %sub3A_410 = arith.subf %get3A_407, %get3A_403 : vector<16xf32>
      %max3A_411 = arith.constant 0.000000e+00 : f32
      %max3A_412 = vector.broadcast %max3A_411 : f32 to vector<16xf32>
      %max3A_413 = arith.maximumf %sub3A_410, %max3A_412 : vector<16xf32>
      %mul3A_414 = arith.mulf %max3A_409, %max3A_413 : vector<16xf32>
      %swap3A = arith.constant 0 : index
      %swap3A_415 = tpu.vector_load %arg9[%swap3A] {strides = array<i32>} : memref<112xf32, #tpu.memory_space<vmem>>, vector<16xf32>,
      tpu.vector_store %arg9[%swap3A], %mul3A_414 {strides = array<i32>} : memref<112xf32, #tpu.memory_space<vmem>>, vector<16xf32>,
      %swap3A_416 = arith.constant 0 : index
      %swap3A_417 = tpu.vector_load %arg10[%swap3A_416] {strides = array<i32>} : memref<112xi32, #tpu.memory_space<vmem>>, vector<16xi32>,
      tpu.vector_store %arg10[%swap3A_416], %broadcast_in_dim3A_399 {strides = array<i32>} : memref<112xi32, #tpu.memory_space<vmem>>, vector<16xi32>,
      %gt3A = arith.cmpf ogt, %get3A_405, %get3A_401 : vector<16xf32>
      %gt3A_418 = arith.cmpf ogt, %get3A_407, %get3A_403 : vector<16xf32>
      %and3A = arith.andi %gt3A, %gt3A_418 : vector<16xi1>
      %swap3A_419 = arith.constant 0 : i32
      %swap3A_420 = arith.index_cast %swap3A_419 : i32 to index
      %swap3A_421 = tpu.vector_load %arg11[%swap3A_420] masked %and3A {strides = array<i32>} : memref<128xf32, #tpu.memory_space<vmem>>, vector<16xf32>, vector<16xi1>
      tpu.vector_store %arg11[%swap3A_420], %get3A_401 masked %and3A {strides = array<i32>} : memref<128xf32, #tpu.memory_space<vmem>>, vector<16xf32>, vector<16xi1>
      %swap3A_422 = arith.constant 0 : i32
      %swap3A_423 = arith.index_cast %swap3A_422 : i32 to index
      %swap3A_424 = tpu.vector_load %arg12[%swap3A_423] masked %and3A {strides = array<i32>} : memref<128xf32, #tpu.memory_space<vmem>>, vector<16xf32>, vector<16xi1>
      tpu.vector_store %arg12[%swap3A_423], %get3A_403 masked %and3A {strides = array<i32>} : memref<128xf32, #tpu.memory_space<vmem>>, vector<16xf32>, vector<16xi1>
      %swap3A_425 = arith.constant 0 : i32
      %swap3A_426 = arith.index_cast %swap3A_425 : i32 to index
      %swap3A_427 = tpu.vector_load %arg13[%swap3A_426] masked %and3A {strides = array<i32>} : memref<128xf32, #tpu.memory_space<vmem>>, vector<16xf32>, vector<16xi1>
      tpu.vector_store %arg13[%swap3A_426], %get3A_405 masked %and3A {strides = array<i32>} : memref<128xf32, #tpu.memory_space<vmem>>, vector<16xf32>, vector<16xi1>
      %swap3A_428 = arith.constant 0 : i32
      %swap3A_429 = arith.index_cast %swap3A_428 : i32 to index
      %swap3A_430 = tpu.vector_load %arg14[%swap3A_429] masked %and3A {strides = array<i32>} : memref<128xf32, #tpu.memory_space<vmem>>, vector<16xf32>, vector<16xi1>
      tpu.vector_store %arg14[%swap3A_429], %get3A_407 masked %and3A {strides = array<i32>} : memref<128xf32, #tpu.memory_space<vmem>>, vector<16xf32>, vector<16xi1>
      %swap3A_431 = arith.constant 0 : i32
      %swap3A_432 = arith.index_cast %swap3A_431 : i32 to index
      %swap3A_433 = tpu.vector_load %arg15[%swap3A_432] masked %and3A {strides = array<i32>} : memref<128xf32, #tpu.memory_space<vmem>>, vector<16xf32>, vector<16xi1>
      tpu.vector_store %arg15[%swap3A_432], %mul3A_414 masked %and3A {strides = array<i32>} : memref<128xf32, #tpu.memory_space<vmem>>, vector<16xf32>, vector<16xi1>
      %swap3A_434 = arith.constant 0 : i32
      %swap3A_435 = arith.index_cast %swap3A_434 : i32 to index
      %swap3A_436 = tpu.vector_load %arg16[%swap3A_435] masked %and3A {strides = array<i32>} : memref<128xi32, #tpu.memory_space<vmem>>, vector<16xi32>, vector<16xi1>
      tpu.vector_store %arg16[%swap3A_435], %add3A_3 masked %and3A {strides = array<i32>} : memref<128xi32, #tpu.memory_space<vmem>>, vector<16xi32>, vector<16xi1>
      %convert_element_type3A_437 = arith.extui %and3A : vector<16xi1> to vector<16xi32>
      %reduce_sum3A = arith.constant true
      %reduce_sum3A_438 = vector.broadcast %reduce_sum3A : i1 to vector<16xi1>
      %reduce_sum3A_439 = tpu.scan <sum>, %convert_element_type3A_437 masked %reduce_sum3A_438 : vector<16xi32>, vector<16xi1> -> vector<16xi32>
      %reduce_sum3A_440 = vector.extract %reduce_sum3A_439[15] : i32 from vector<16xi32>
      %add3A_441 = arith.constant 0 : i32
      %add3A_442 = arith.addi %add3A_441, %reduce_sum3A_440 : i32
      %get3A_443 = arith.constant 128 : index
      %get3A_444 = tpu.vector_load %arg8[%get3A_443] {strides = array<i32>} : memref<560xf32, #tpu.memory_space<vmem>>, vector<16xf32>,
      %get3A_445 = arith.constant 240 : index
      %get3A_446 = tpu.vector_load %arg8[%get3A_445] {strides = array<i32>} : memref<560xf32, #tpu.memory_space<vmem>>, vector<16xf32>,
      %get3A_447 = arith.constant 352 : index
      %get3A_448 = tpu.vector_load %arg8[%get3A_447] {strides = array<i32>} : memref<560xf32, #tpu.memory_space<vmem>>, vector<16xf32>,
      %get3A_449 = arith.constant 464 : index
      %get3A_450 = tpu.vector_load %arg8[%get3A_449] {strides = array<i32>} : memref<560xf32, #tpu.memory_space<vmem>>, vector<16xf32>,
      %sub3A_451 = arith.subf %get3A_448, %get3A_444 : vector<16xf32>
      %max3A_452 = arith.constant 0.000000e+00 : f32
      %max3A_453 = vector.broadcast %max3A_452 : f32 to vector<16xf32>
      %max3A_454 = arith.maximumf %sub3A_451, %max3A_453 : vector<16xf32>
      %sub3A_455 = arith.subf %get3A_450, %get3A_446 : vector<16xf32>
      %max3A_456 = arith.constant 0.000000e+00 : f32
      %max3A_457 = vector.broadcast %max3A_456 : f32 to vector<16xf32>
      %max3A_458 = arith.maximumf %sub3A_455, %max3A_457 : vector<16xf32>
      %mul3A_459 = arith.mulf %max3A_454, %max3A_458 : vector<16xf32>
      %swap3A_460 = arith.constant 16 : index
      %swap3A_461 = tpu.vector_load %arg9[%swap3A_460] {strides = array<i32>} : memref<112xf32, #tpu.memory_space<vmem>>, vector<16xf32>,
      tpu.vector_store %arg9[%swap3A_460], %mul3A_459 {strides = array<i32>} : memref<112xf32, #tpu.memory_space<vmem>>, vector<16xf32>,
      %swap3A_462 = arith.constant 16 : index
      %swap3A_463 = tpu.vector_load %arg10[%swap3A_462] {strides = array<i32>} : memref<112xi32, #tpu.memory_space<vmem>>, vector<16xi32>,
      tpu.vector_store %arg10[%swap3A_462], %broadcast_in_dim3A_399 {strides = array<i32>} : memref<112xi32, #tpu.memory_space<vmem>>, vector<16xi32>,
      %gt3A_464 = arith.cmpf ogt, %get3A_448, %get3A_444 : vector<16xf32>
      %gt3A_465 = arith.cmpf ogt, %get3A_450, %get3A_446 : vector<16xf32>
      %and3A_466 = arith.andi %gt3A_464, %gt3A_465 : vector<16xi1>
      %swap3A_467 = arith.index_cast %add3A_442 : i32 to index
      %swap3A_468 = tpu.vector_load %arg11[%swap3A_467] masked %and3A_466 {strides = array<i32>} : memref<128xf32, #tpu.memory_space<vmem>>, vector<16xf32>, vector<16xi1>
      tpu.vector_store %arg11[%swap3A_467], %get3A_444 masked %and3A_466 {strides = array<i32>} : memref<128xf32, #tpu.memory_space<vmem>>, vector<16xf32>, vector<16xi1>
      %swap3A_469 = arith.index_cast %add3A_442 : i32 to index
      %swap3A_470 = tpu.vector_load %arg12[%swap3A_469] masked %and3A_466 {strides = array<i32>} : memref<128xf32, #tpu.memory_space<vmem>>, vector<16xf32>, vector<16xi1>
      tpu.vector_store %arg12[%swap3A_469], %get3A_446 masked %and3A_466 {strides = array<i32>} : memref<128xf32, #tpu.memory_space<vmem>>, vector<16xf32>, vector<16xi1>
      %swap3A_471 = arith.index_cast %add3A_442 : i32 to index
      %swap3A_472 = tpu.vector_load %arg13[%swap3A_471] masked %and3A_466 {strides = array<i32>} : memref<128xf32, #tpu.memory_space<vmem>>, vector<16xf32>, vector<16xi1>
      tpu.vector_store %arg13[%swap3A_471], %get3A_448 masked %and3A_466 {strides = array<i32>} : memref<128xf32, #tpu.memory_space<vmem>>, vector<16xf32>, vector<16xi1>
      %swap3A_473 = arith.index_cast %add3A_442 : i32 to index
      %swap3A_474 = tpu.vector_load %arg14[%swap3A_473] masked %and3A_466 {strides = array<i32>} : memref<128xf32, #tpu.memory_space<vmem>>, vector<16xf32>, vector<16xi1>
      tpu.vector_store %arg14[%swap3A_473], %get3A_450 masked %and3A_466 {strides = array<i32>} : memref<128xf32, #tpu.memory_space<vmem>>, vector<16xf32>, vector<16xi1>
      %swap3A_475 = arith.index_cast %add3A_442 : i32 to index
      %swap3A_476 = tpu.vector_load %arg15[%swap3A_475] masked %and3A_466 {strides = array<i32>} : memref<128xf32, #tpu.memory_space<vmem>>, vector<16xf32>, vector<16xi1>
      tpu.vector_store %arg15[%swap3A_475], %mul3A_459 masked %and3A_466 {strides = array<i32>} : memref<128xf32, #tpu.memory_space<vmem>>, vector<16xf32>, vector<16xi1>
      %swap3A_477 = arith.index_cast %add3A_442 : i32 to index
      %swap3A_478 = tpu.vector_load %arg16[%swap3A_477] masked %and3A_466 {strides = array<i32>} : memref<128xi32, #tpu.memory_space<vmem>>, vector<16xi32>, vector<16xi1>
      tpu.vector_store %arg16[%swap3A_477], %add3A_6 masked %and3A_466 {strides = array<i32>} : memref<128xi32, #tpu.memory_space<vmem>>, vector<16xi32>, vector<16xi1>
      %convert_element_type3A_479 = arith.extui %and3A_466 : vector<16xi1> to vector<16xi32>
      %reduce_sum3A_480 = arith.constant true
      %reduce_sum3A_481 = vector.broadcast %reduce_sum3A_480 : i1 to vector<16xi1>
      %reduce_sum3A_482 = tpu.scan <sum>, %convert_element_type3A_479 masked %reduce_sum3A_481 : vector<16xi32>, vector<16xi1> -> vector<16xi32>
      %reduce_sum3A_483 = vector.extract %reduce_sum3A_482[15] : i32 from vector<16xi32>
      %add3A_484 = arith.addi %add3A_442, %reduce_sum3A_483 : i32
      %get3A_485 = arith.constant 144 : index
      %get3A_486 = tpu.vector_load %arg8[%get3A_485] {strides = array<i32>} : memref<560xf32, #tpu.memory_space<vmem>>, vector<16xf32>,
      %get3A_487 = arith.constant 256 : index
      %get3A_488 = tpu.vector_load %arg8[%get3A_487] {strides = array<i32>} : memref<560xf32, #tpu.memory_space<vmem>>, vector<16xf32>,
      %get3A_489 = arith.constant 368 : index
      %get3A_490 = tpu.vector_load %arg8[%get3A_489] {strides = array<i32>} : memref<560xf32, #tpu.memory_space<vmem>>, vector<16xf32>,
      %get3A_491 = arith.constant 480 : index
      %get3A_492 = tpu.vector_load %arg8[%get3A_491] {strides = array<i32>} : memref<560xf32, #tpu.memory_space<vmem>>, vector<16xf32>,
      %sub3A_493 = arith.subf %get3A_490, %get3A_486 : vector<16xf32>
      %max3A_494 = arith.constant 0.000000e+00 : f32
      %max3A_495 = vector.broadcast %max3A_494 : f32 to vector<16xf32>
      %max3A_496 = arith.maximumf %sub3A_493, %max3A_495 : vector<16xf32>
      %sub3A_497 = arith.subf %get3A_492, %get3A_488 : vector<16xf32>
      %max3A_498 = arith.constant 0.000000e+00 : f32
      %max3A_499 = vector.broadcast %max3A_498 : f32 to vector<16xf32>
      %max3A_500 = arith.maximumf %sub3A_497, %max3A_499 : vector<16xf32>
      %mul3A_501 = arith.mulf %max3A_496, %max3A_500 : vector<16xf32>
      %swap3A_502 = arith.constant 32 : index
      %swap3A_503 = tpu.vector_load %arg9[%swap3A_502] {strides = array<i32>} : memref<112xf32, #tpu.memory_space<vmem>>, vector<16xf32>,
      tpu.vector_store %arg9[%swap3A_502], %mul3A_501 {strides = array<i32>} : memref<112xf32, #tpu.memory_space<vmem>>, vector<16xf32>,
      %swap3A_504 = arith.constant 32 : index
      %swap3A_505 = tpu.vector_load %arg10[%swap3A_504] {strides = array<i32>} : memref<112xi32, #tpu.memory_space<vmem>>, vector<16xi32>,
      tpu.vector_store %arg10[%swap3A_504], %broadcast_in_dim3A_399 {strides = array<i32>} : memref<112xi32, #tpu.memory_space<vmem>>, vector<16xi32>,
      %gt3A_506 = arith.cmpf ogt, %get3A_490, %get3A_486 : vector<16xf32>
      %gt3A_507 = arith.cmpf ogt, %get3A_492, %get3A_488 : vector<16xf32>
      %and3A_508 = arith.andi %gt3A_506, %gt3A_507 : vector<16xi1>
      %swap3A_509 = arith.index_cast %add3A_484 : i32 to index
      %swap3A_510 = tpu.vector_load %arg11[%swap3A_509] masked %and3A_508 {strides = array<i32>} : memref<128xf32, #tpu.memory_space<vmem>>, vector<16xf32>, vector<16xi1>
      tpu.vector_store %arg11[%swap3A_509], %get3A_486 masked %and3A_508 {strides = array<i32>} : memref<128xf32, #tpu.memory_space<vmem>>, vector<16xf32>, vector<16xi1>
      %swap3A_511 = arith.index_cast %add3A_484 : i32 to index
      %swap3A_512 = tpu.vector_load %arg12[%swap3A_511] masked %and3A_508 {strides = array<i32>} : memref<128xf32, #tpu.memory_space<vmem>>, vector<16xf32>, vector<16xi1>
      tpu.vector_store %arg12[%swap3A_511], %get3A_488 masked %and3A_508 {strides = array<i32>} : memref<128xf32, #tpu.memory_space<vmem>>, vector<16xf32>, vector<16xi1>
      %swap3A_513 = arith.index_cast %add3A_484 : i32 to index
      %swap3A_514 = tpu.vector_load %arg13[%swap3A_513] masked %and3A_508 {strides = array<i32>} : memref<128xf32, #tpu.memory_space<vmem>>, vector<16xf32>, vector<16xi1>
      tpu.vector_store %arg13[%swap3A_513], %get3A_490 masked %and3A_508 {strides = array<i32>} : memref<128xf32, #tpu.memory_space<vmem>>, vector<16xf32>, vector<16xi1>
      %swap3A_515 = arith.index_cast %add3A_484 : i32 to index
      %swap3A_516 = tpu.vector_load %arg14[%swap3A_515] masked %and3A_508 {strides = array<i32>} : memref<128xf32, #tpu.memory_space<vmem>>, vector<16xf32>, vector<16xi1>
      tpu.vector_store %arg14[%swap3A_515], %get3A_492 masked %and3A_508 {strides = array<i32>} : memref<128xf32, #tpu.memory_space<vmem>>, vector<16xf32>, vector<16xi1>
      %swap3A_517 = arith.index_cast %add3A_484 : i32 to index
      %swap3A_518 = tpu.vector_load %arg15[%swap3A_517] masked %and3A_508 {strides = array<i32>} : memref<128xf32, #tpu.memory_space<vmem>>, vector<16xf32>, vector<16xi1>
      tpu.vector_store %arg15[%swap3A_517], %mul3A_501 masked %and3A_508 {strides = array<i32>} : memref<128xf32, #tpu.memory_space<vmem>>, vector<16xf32>, vector<16xi1>
      %swap3A_519 = arith.index_cast %add3A_484 : i32 to index
      %swap3A_520 = tpu.vector_load %arg16[%swap3A_519] masked %and3A_508 {strides = array<i32>} : memref<128xi32, #tpu.memory_space<vmem>>, vector<16xi32>, vector<16xi1>
      tpu.vector_store %arg16[%swap3A_519], %add3A_9 masked %and3A_508 {strides = array<i32>} : memref<128xi32, #tpu.memory_space<vmem>>, vector<16xi32>, vector<16xi1>
      %convert_element_type3A_521 = arith.extui %and3A_508 : vector<16xi1> to vector<16xi32>
      %reduce_sum3A_522 = arith.constant true
      %reduce_sum3A_523 = vector.broadcast %reduce_sum3A_522 : i1 to vector<16xi1>
      %reduce_sum3A_524 = tpu.scan <sum>, %convert_element_type3A_521 masked %reduce_sum3A_523 : vector<16xi32>, vector<16xi1> -> vector<16xi32>
      %reduce_sum3A_525 = vector.extract %reduce_sum3A_524[15] : i32 from vector<16xi32>
      %add3A_526 = arith.addi %add3A_484, %reduce_sum3A_525 : i32
      %get3A_527 = arith.constant 160 : index
      %get3A_528 = tpu.vector_load %arg8[%get3A_527] {strides = array<i32>} : memref<560xf32, #tpu.memory_space<vmem>>, vector<16xf32>,
      %get3A_529 = arith.constant 272 : index
      %get3A_530 = tpu.vector_load %arg8[%get3A_529] {strides = array<i32>} : memref<560xf32, #tpu.memory_space<vmem>>, vector<16xf32>,
      %get3A_531 = arith.constant 384 : index
      %get3A_532 = tpu.vector_load %arg8[%get3A_531] {strides = array<i32>} : memref<560xf32, #tpu.memory_space<vmem>>, vector<16xf32>,
      %get3A_533 = arith.constant 496 : index
      %get3A_534 = tpu.vector_load %arg8[%get3A_533] {strides = array<i32>} : memref<560xf32, #tpu.memory_space<vmem>>, vector<16xf32>,
      %sub3A_535 = arith.subf %get3A_532, %get3A_528 : vector<16xf32>
      %max3A_536 = arith.constant 0.000000e+00 : f32
      %max3A_537 = vector.broadcast %max3A_536 : f32 to vector<16xf32>
      %max3A_538 = arith.maximumf %sub3A_535, %max3A_537 : vector<16xf32>
      %sub3A_539 = arith.subf %get3A_534, %get3A_530 : vector<16xf32>
      %max3A_540 = arith.constant 0.000000e+00 : f32
      %max3A_541 = vector.broadcast %max3A_540 : f32 to vector<16xf32>
      %max3A_542 = arith.maximumf %sub3A_539, %max3A_541 : vector<16xf32>
      %mul3A_543 = arith.mulf %max3A_538, %max3A_542 : vector<16xf32>
      %swap3A_544 = arith.constant 48 : index
      %swap3A_545 = tpu.vector_load %arg9[%swap3A_544] {strides = array<i32>} : memref<112xf32, #tpu.memory_space<vmem>>, vector<16xf32>,
      tpu.vector_store %arg9[%swap3A_544], %mul3A_543 {strides = array<i32>} : memref<112xf32, #tpu.memory_space<vmem>>, vector<16xf32>,
      %swap3A_546 = arith.constant 48 : index
      %swap3A_547 = tpu.vector_load %arg10[%swap3A_546] {strides = array<i32>} : memref<112xi32, #tpu.memory_space<vmem>>, vector<16xi32>,
      tpu.vector_store %arg10[%swap3A_546], %broadcast_in_dim3A_399 {strides = array<i32>} : memref<112xi32, #tpu.memory_space<vmem>>, vector<16xi32>,
      %gt3A_548 = arith.cmpf ogt, %get3A_532, %get3A_528 : vector<16xf32>
      %gt3A_549 = arith.cmpf ogt, %get3A_534, %get3A_530 : vector<16xf32>
      %and3A_550 = arith.andi %gt3A_548, %gt3A_549 : vector<16xi1>
      %swap3A_551 = arith.index_cast %add3A_526 : i32 to index
      %swap3A_552 = tpu.vector_load %arg11[%swap3A_551] masked %and3A_550 {strides = array<i32>} : memref<128xf32, #tpu.memory_space<vmem>>, vector<16xf32>, vector<16xi1>
      tpu.vector_store %arg11[%swap3A_551], %get3A_528 masked %and3A_550 {strides = array<i32>} : memref<128xf32, #tpu.memory_space<vmem>>, vector<16xf32>, vector<16xi1>
      %swap3A_553 = arith.index_cast %add3A_526 : i32 to index
      %swap3A_554 = tpu.vector_load %arg12[%swap3A_553] masked %and3A_550 {strides = array<i32>} : memref<128xf32, #tpu.memory_space<vmem>>, vector<16xf32>, vector<16xi1>
      tpu.vector_store %arg12[%swap3A_553], %get3A_530 masked %and3A_550 {strides = array<i32>} : memref<128xf32, #tpu.memory_space<vmem>>, vector<16xf32>, vector<16xi1>
      %swap3A_555 = arith.index_cast %add3A_526 : i32 to index
      %swap3A_556 = tpu.vector_load %arg13[%swap3A_555] masked %and3A_550 {strides = array<i32>} : memref<128xf32, #tpu.memory_space<vmem>>, vector<16xf32>, vector<16xi1>
      tpu.vector_store %arg13[%swap3A_555], %get3A_532 masked %and3A_550 {strides = array<i32>} : memref<128xf32, #tpu.memory_space<vmem>>, vector<16xf32>, vector<16xi1>
      %swap3A_557 = arith.index_cast %add3A_526 : i32 to index
      %swap3A_558 = tpu.vector_load %arg14[%swap3A_557] masked %and3A_550 {strides = array<i32>} : memref<128xf32, #tpu.memory_space<vmem>>, vector<16xf32>, vector<16xi1>
      tpu.vector_store %arg14[%swap3A_557], %get3A_534 masked %and3A_550 {strides = array<i32>} : memref<128xf32, #tpu.memory_space<vmem>>, vector<16xf32>, vector<16xi1>
      %swap3A_559 = arith.index_cast %add3A_526 : i32 to index
      %swap3A_560 = tpu.vector_load %arg15[%swap3A_559] masked %and3A_550 {strides = array<i32>} : memref<128xf32, #tpu.memory_space<vmem>>, vector<16xf32>, vector<16xi1>
      tpu.vector_store %arg15[%swap3A_559], %mul3A_543 masked %and3A_550 {strides = array<i32>} : memref<128xf32, #tpu.memory_space<vmem>>, vector<16xf32>, vector<16xi1>
      %swap3A_561 = arith.index_cast %add3A_526 : i32 to index
      %swap3A_562 = tpu.vector_load %arg16[%swap3A_561] masked %and3A_550 {strides = array<i32>} : memref<128xi32, #tpu.memory_space<vmem>>, vector<16xi32>, vector<16xi1>
      tpu.vector_store %arg16[%swap3A_561], %add3A_12 masked %and3A_550 {strides = array<i32>} : memref<128xi32, #tpu.memory_space<vmem>>, vector<16xi32>, vector<16xi1>
      %convert_element_type3A_563 = arith.extui %and3A_550 : vector<16xi1> to vector<16xi32>
      %reduce_sum3A_564 = arith.constant true
      %reduce_sum3A_565 = vector.broadcast %reduce_sum3A_564 : i1 to vector<16xi1>
      %reduce_sum3A_566 = tpu.scan <sum>, %convert_element_type3A_563 masked %reduce_sum3A_565 : vector<16xi32>, vector<16xi1> -> vector<16xi32>
      %reduce_sum3A_567 = vector.extract %reduce_sum3A_566[15] : i32 from vector<16xi32>
      %add3A_568 = arith.addi %add3A_526, %reduce_sum3A_567 : i32
      %get3A_569 = arith.constant 176 : index
      %get3A_570 = tpu.vector_load %arg8[%get3A_569] {strides = array<i32>} : memref<560xf32, #tpu.memory_space<vmem>>, vector<16xf32>,
      %get3A_571 = arith.constant 288 : index
      %get3A_572 = tpu.vector_load %arg8[%get3A_571] {strides = array<i32>} : memref<560xf32, #tpu.memory_space<vmem>>, vector<16xf32>,
      %get3A_573 = arith.constant 400 : index
      %get3A_574 = tpu.vector_load %arg8[%get3A_573] {strides = array<i32>} : memref<560xf32, #tpu.memory_space<vmem>>, vector<16xf32>,
      %get3A_575 = arith.constant 512 : index
      %get3A_576 = tpu.vector_load %arg8[%get3A_575] {strides = array<i32>} : memref<560xf32, #tpu.memory_space<vmem>>, vector<16xf32>,
      %sub3A_577 = arith.subf %get3A_574, %get3A_570 : vector<16xf32>
      %max3A_578 = arith.constant 0.000000e+00 : f32
      %max3A_579 = vector.broadcast %max3A_578 : f32 to vector<16xf32>
      %max3A_580 = arith.maximumf %sub3A_577, %max3A_579 : vector<16xf32>
      %sub3A_581 = arith.subf %get3A_576, %get3A_572 : vector<16xf32>
      %max3A_582 = arith.constant 0.000000e+00 : f32
      %max3A_583 = vector.broadcast %max3A_582 : f32 to vector<16xf32>
      %max3A_584 = arith.maximumf %sub3A_581, %max3A_583 : vector<16xf32>
      %mul3A_585 = arith.mulf %max3A_580, %max3A_584 : vector<16xf32>
      %swap3A_586 = arith.constant 64 : index
      %swap3A_587 = tpu.vector_load %arg9[%swap3A_586] {strides = array<i32>} : memref<112xf32, #tpu.memory_space<vmem>>, vector<16xf32>,
      tpu.vector_store %arg9[%swap3A_586], %mul3A_585 {strides = array<i32>} : memref<112xf32, #tpu.memory_space<vmem>>, vector<16xf32>,
      %swap3A_588 = arith.constant 64 : index
      %swap3A_589 = tpu.vector_load %arg10[%swap3A_588] {strides = array<i32>} : memref<112xi32, #tpu.memory_space<vmem>>, vector<16xi32>,
      tpu.vector_store %arg10[%swap3A_588], %broadcast_in_dim3A_399 {strides = array<i32>} : memref<112xi32, #tpu.memory_space<vmem>>, vector<16xi32>,
      %gt3A_590 = arith.cmpf ogt, %get3A_574, %get3A_570 : vector<16xf32>
      %gt3A_591 = arith.cmpf ogt, %get3A_576, %get3A_572 : vector<16xf32>
      %and3A_592 = arith.andi %gt3A_590, %gt3A_591 : vector<16xi1>
      %swap3A_593 = arith.index_cast %add3A_568 : i32 to index
      %swap3A_594 = tpu.vector_load %arg11[%swap3A_593] masked %and3A_592 {strides = array<i32>} : memref<128xf32, #tpu.memory_space<vmem>>, vector<16xf32>, vector<16xi1>
      tpu.vector_store %arg11[%swap3A_593], %get3A_570 masked %and3A_592 {strides = array<i32>} : memref<128xf32, #tpu.memory_space<vmem>>, vector<16xf32>, vector<16xi1>
      %swap3A_595 = arith.index_cast %add3A_568 : i32 to index
      %swap3A_596 = tpu.vector_load %arg12[%swap3A_595] masked %and3A_592 {strides = array<i32>} : memref<128xf32, #tpu.memory_space<vmem>>, vector<16xf32>, vector<16xi1>
      tpu.vector_store %arg12[%swap3A_595], %get3A_572 masked %and3A_592 {strides = array<i32>} : memref<128xf32, #tpu.memory_space<vmem>>, vector<16xf32>, vector<16xi1>
      %swap3A_597 = arith.index_cast %add3A_568 : i32 to index
      %swap3A_598 = tpu.vector_load %arg13[%swap3A_597] masked %and3A_592 {strides = array<i32>} : memref<128xf32, #tpu.memory_space<vmem>>, vector<16xf32>, vector<16xi1>
      tpu.vector_store %arg13[%swap3A_597], %get3A_574 masked %and3A_592 {strides = array<i32>} : memref<128xf32, #tpu.memory_space<vmem>>, vector<16xf32>, vector<16xi1>
      %swap3A_599 = arith.index_cast %add3A_568 : i32 to index
      %swap3A_600 = tpu.vector_load %arg14[%swap3A_599] masked %and3A_592 {strides = array<i32>} : memref<128xf32, #tpu.memory_space<vmem>>, vector<16xf32>, vector<16xi1>
      tpu.vector_store %arg14[%swap3A_599], %get3A_576 masked %and3A_592 {strides = array<i32>} : memref<128xf32, #tpu.memory_space<vmem>>, vector<16xf32>, vector<16xi1>
      %swap3A_601 = arith.index_cast %add3A_568 : i32 to index
      %swap3A_602 = tpu.vector_load %arg15[%swap3A_601] masked %and3A_592 {strides = array<i32>} : memref<128xf32, #tpu.memory_space<vmem>>, vector<16xf32>, vector<16xi1>
      tpu.vector_store %arg15[%swap3A_601], %mul3A_585 masked %and3A_592 {strides = array<i32>} : memref<128xf32, #tpu.memory_space<vmem>>, vector<16xf32>, vector<16xi1>
      %swap3A_603 = arith.index_cast %add3A_568 : i32 to index
      %swap3A_604 = tpu.vector_load %arg16[%swap3A_603] masked %and3A_592 {strides = array<i32>} : memref<128xi32, #tpu.memory_space<vmem>>, vector<16xi32>, vector<16xi1>
      tpu.vector_store %arg16[%swap3A_603], %add3A_15 masked %and3A_592 {strides = array<i32>} : memref<128xi32, #tpu.memory_space<vmem>>, vector<16xi32>, vector<16xi1>
      %convert_element_type3A_605 = arith.extui %and3A_592 : vector<16xi1> to vector<16xi32>
      %reduce_sum3A_606 = arith.constant true
      %reduce_sum3A_607 = vector.broadcast %reduce_sum3A_606 : i1 to vector<16xi1>
      %reduce_sum3A_608 = tpu.scan <sum>, %convert_element_type3A_605 masked %reduce_sum3A_607 : vector<16xi32>, vector<16xi1> -> vector<16xi32>
      %reduce_sum3A_609 = vector.extract %reduce_sum3A_608[15] : i32 from vector<16xi32>
      %add3A_610 = arith.addi %add3A_568, %reduce_sum3A_609 : i32
      %get3A_611 = arith.constant 192 : index
      %get3A_612 = tpu.vector_load %arg8[%get3A_611] {strides = array<i32>} : memref<560xf32, #tpu.memory_space<vmem>>, vector<16xf32>,
      %get3A_613 = arith.constant 304 : index
      %get3A_614 = tpu.vector_load %arg8[%get3A_613] {strides = array<i32>} : memref<560xf32, #tpu.memory_space<vmem>>, vector<16xf32>,
      %get3A_615 = arith.constant 416 : index
      %get3A_616 = tpu.vector_load %arg8[%get3A_615] {strides = array<i32>} : memref<560xf32, #tpu.memory_space<vmem>>, vector<16xf32>,
      %get3A_617 = arith.constant 528 : index
      %get3A_618 = tpu.vector_load %arg8[%get3A_617] {strides = array<i32>} : memref<560xf32, #tpu.memory_space<vmem>>, vector<16xf32>,
      %sub3A_619 = arith.subf %get3A_616, %get3A_612 : vector<16xf32>
      %max3A_620 = arith.constant 0.000000e+00 : f32
      %max3A_621 = vector.broadcast %max3A_620 : f32 to vector<16xf32>
      %max3A_622 = arith.maximumf %sub3A_619, %max3A_621 : vector<16xf32>
      %sub3A_623 = arith.subf %get3A_618, %get3A_614 : vector<16xf32>
      %max3A_624 = arith.constant 0.000000e+00 : f32
      %max3A_625 = vector.broadcast %max3A_624 : f32 to vector<16xf32>
      %max3A_626 = arith.maximumf %sub3A_623, %max3A_625 : vector<16xf32>
      %mul3A_627 = arith.mulf %max3A_622, %max3A_626 : vector<16xf32>
      %swap3A_628 = arith.constant 80 : index
      %swap3A_629 = tpu.vector_load %arg9[%swap3A_628] {strides = array<i32>} : memref<112xf32, #tpu.memory_space<vmem>>, vector<16xf32>,
      tpu.vector_store %arg9[%swap3A_628], %mul3A_627 {strides = array<i32>} : memref<112xf32, #tpu.memory_space<vmem>>, vector<16xf32>,
      %swap3A_630 = arith.constant 80 : index
      %swap3A_631 = tpu.vector_load %arg10[%swap3A_630] {strides = array<i32>} : memref<112xi32, #tpu.memory_space<vmem>>, vector<16xi32>,
      tpu.vector_store %arg10[%swap3A_630], %broadcast_in_dim3A_399 {strides = array<i32>} : memref<112xi32, #tpu.memory_space<vmem>>, vector<16xi32>,
      %gt3A_632 = arith.cmpf ogt, %get3A_616, %get3A_612 : vector<16xf32>
      %gt3A_633 = arith.cmpf ogt, %get3A_618, %get3A_614 : vector<16xf32>
      %and3A_634 = arith.andi %gt3A_632, %gt3A_633 : vector<16xi1>
      %swap3A_635 = arith.index_cast %add3A_610 : i32 to index
      %swap3A_636 = tpu.vector_load %arg11[%swap3A_635] masked %and3A_634 {strides = array<i32>} : memref<128xf32, #tpu.memory_space<vmem>>, vector<16xf32>, vector<16xi1>
      tpu.vector_store %arg11[%swap3A_635], %get3A_612 masked %and3A_634 {strides = array<i32>} : memref<128xf32, #tpu.memory_space<vmem>>, vector<16xf32>, vector<16xi1>
      %swap3A_637 = arith.index_cast %add3A_610 : i32 to index
      %swap3A_638 = tpu.vector_load %arg12[%swap3A_637] masked %and3A_634 {strides = array<i32>} : memref<128xf32, #tpu.memory_space<vmem>>, vector<16xf32>, vector<16xi1>
      tpu.vector_store %arg12[%swap3A_637], %get3A_614 masked %and3A_634 {strides = array<i32>} : memref<128xf32, #tpu.memory_space<vmem>>, vector<16xf32>, vector<16xi1>
      %swap3A_639 = arith.index_cast %add3A_610 : i32 to index
      %swap3A_640 = tpu.vector_load %arg13[%swap3A_639] masked %and3A_634 {strides = array<i32>} : memref<128xf32, #tpu.memory_space<vmem>>, vector<16xf32>, vector<16xi1>
      tpu.vector_store %arg13[%swap3A_639], %get3A_616 masked %and3A_634 {strides = array<i32>} : memref<128xf32, #tpu.memory_space<vmem>>, vector<16xf32>, vector<16xi1>
      %swap3A_641 = arith.index_cast %add3A_610 : i32 to index
      %swap3A_642 = tpu.vector_load %arg14[%swap3A_641] masked %and3A_634 {strides = array<i32>} : memref<128xf32, #tpu.memory_space<vmem>>, vector<16xf32>, vector<16xi1>
      tpu.vector_store %arg14[%swap3A_641], %get3A_618 masked %and3A_634 {strides = array<i32>} : memref<128xf32, #tpu.memory_space<vmem>>, vector<16xf32>, vector<16xi1>
      %swap3A_643 = arith.index_cast %add3A_610 : i32 to index
      %swap3A_644 = tpu.vector_load %arg15[%swap3A_643] masked %and3A_634 {strides = array<i32>} : memref<128xf32, #tpu.memory_space<vmem>>, vector<16xf32>, vector<16xi1>
      tpu.vector_store %arg15[%swap3A_643], %mul3A_627 masked %and3A_634 {strides = array<i32>} : memref<128xf32, #tpu.memory_space<vmem>>, vector<16xf32>, vector<16xi1>
      %swap3A_645 = arith.index_cast %add3A_610 : i32 to index
      %swap3A_646 = tpu.vector_load %arg16[%swap3A_645] masked %and3A_634 {strides = array<i32>} : memref<128xi32, #tpu.memory_space<vmem>>, vector<16xi32>, vector<16xi1>
      tpu.vector_store %arg16[%swap3A_645], %add3A_18 masked %and3A_634 {strides = array<i32>} : memref<128xi32, #tpu.memory_space<vmem>>, vector<16xi32>, vector<16xi1>
      %convert_element_type3A_647 = arith.extui %and3A_634 : vector<16xi1> to vector<16xi32>
      %reduce_sum3A_648 = arith.constant true
      %reduce_sum3A_649 = vector.broadcast %reduce_sum3A_648 : i1 to vector<16xi1>
      %reduce_sum3A_650 = tpu.scan <sum>, %convert_element_type3A_647 masked %reduce_sum3A_649 : vector<16xi32>, vector<16xi1> -> vector<16xi32>
      %reduce_sum3A_651 = vector.extract %reduce_sum3A_650[15] : i32 from vector<16xi32>
      %add3A_652 = arith.addi %add3A_610, %reduce_sum3A_651 : i32
      %get3A_653 = arith.constant 208 : index
      %get3A_654 = tpu.vector_load %arg8[%get3A_653] {strides = array<i32>} : memref<560xf32, #tpu.memory_space<vmem>>, vector<16xf32>,
      %get3A_655 = arith.constant 320 : index
      %get3A_656 = tpu.vector_load %arg8[%get3A_655] {strides = array<i32>} : memref<560xf32, #tpu.memory_space<vmem>>, vector<16xf32>,
      %get3A_657 = arith.constant 432 : index
      %get3A_658 = tpu.vector_load %arg8[%get3A_657] {strides = array<i32>} : memref<560xf32, #tpu.memory_space<vmem>>, vector<16xf32>,
      %get3A_659 = arith.constant 544 : index
      %get3A_660 = tpu.vector_load %arg8[%get3A_659] {strides = array<i32>} : memref<560xf32, #tpu.memory_space<vmem>>, vector<16xf32>,
      %sub3A_661 = arith.subf %get3A_658, %get3A_654 : vector<16xf32>
      %max3A_662 = arith.constant 0.000000e+00 : f32
      %max3A_663 = vector.broadcast %max3A_662 : f32 to vector<16xf32>
      %max3A_664 = arith.maximumf %sub3A_661, %max3A_663 : vector<16xf32>
      %sub3A_665 = arith.subf %get3A_660, %get3A_656 : vector<16xf32>
      %max3A_666 = arith.constant 0.000000e+00 : f32
      %max3A_667 = vector.broadcast %max3A_666 : f32 to vector<16xf32>
      %max3A_668 = arith.maximumf %sub3A_665, %max3A_667 : vector<16xf32>
      %mul3A_669 = arith.mulf %max3A_664, %max3A_668 : vector<16xf32>
      %swap3A_670 = arith.constant 96 : index
      %swap3A_671 = tpu.vector_load %arg9[%swap3A_670] {strides = array<i32>} : memref<112xf32, #tpu.memory_space<vmem>>, vector<16xf32>,
      tpu.vector_store %arg9[%swap3A_670], %mul3A_669 {strides = array<i32>} : memref<112xf32, #tpu.memory_space<vmem>>, vector<16xf32>,
      %swap3A_672 = arith.constant 96 : index
      %swap3A_673 = tpu.vector_load %arg10[%swap3A_672] {strides = array<i32>} : memref<112xi32, #tpu.memory_space<vmem>>, vector<16xi32>,
      tpu.vector_store %arg10[%swap3A_672], %broadcast_in_dim3A_399 {strides = array<i32>} : memref<112xi32, #tpu.memory_space<vmem>>, vector<16xi32>,
      %gt3A_674 = arith.cmpf ogt, %get3A_658, %get3A_654 : vector<16xf32>
      %gt3A_675 = arith.cmpf ogt, %get3A_660, %get3A_656 : vector<16xf32>
      %and3A_676 = arith.andi %gt3A_674, %gt3A_675 : vector<16xi1>
      %swap3A_677 = arith.index_cast %add3A_652 : i32 to index
      %swap3A_678 = tpu.vector_load %arg11[%swap3A_677] masked %and3A_676 {strides = array<i32>} : memref<128xf32, #tpu.memory_space<vmem>>, vector<16xf32>, vector<16xi1>
      tpu.vector_store %arg11[%swap3A_677], %get3A_654 masked %and3A_676 {strides = array<i32>} : memref<128xf32, #tpu.memory_space<vmem>>, vector<16xf32>, vector<16xi1>
      %swap3A_679 = arith.index_cast %add3A_652 : i32 to index
      %swap3A_680 = tpu.vector_load %arg12[%swap3A_679] masked %and3A_676 {strides = array<i32>} : memref<128xf32, #tpu.memory_space<vmem>>, vector<16xf32>, vector<16xi1>
      tpu.vector_store %arg12[%swap3A_679], %get3A_656 masked %and3A_676 {strides = array<i32>} : memref<128xf32, #tpu.memory_space<vmem>>, vector<16xf32>, vector<16xi1>
      %swap3A_681 = arith.index_cast %add3A_652 : i32 to index
      %swap3A_682 = tpu.vector_load %arg13[%swap3A_681] masked %and3A_676 {strides = array<i32>} : memref<128xf32, #tpu.memory_space<vmem>>, vector<16xf32>, vector<16xi1>
      tpu.vector_store %arg13[%swap3A_681], %get3A_658 masked %and3A_676 {strides = array<i32>} : memref<128xf32, #tpu.memory_space<vmem>>, vector<16xf32>, vector<16xi1>
      %swap3A_683 = arith.index_cast %add3A_652 : i32 to index
      %swap3A_684 = tpu.vector_load %arg14[%swap3A_683] masked %and3A_676 {strides = array<i32>} : memref<128xf32, #tpu.memory_space<vmem>>, vector<16xf32>, vector<16xi1>
      tpu.vector_store %arg14[%swap3A_683], %get3A_660 masked %and3A_676 {strides = array<i32>} : memref<128xf32, #tpu.memory_space<vmem>>, vector<16xf32>, vector<16xi1>
      %swap3A_685 = arith.index_cast %add3A_652 : i32 to index
      %swap3A_686 = tpu.vector_load %arg15[%swap3A_685] masked %and3A_676 {strides = array<i32>} : memref<128xf32, #tpu.memory_space<vmem>>, vector<16xf32>, vector<16xi1>
      tpu.vector_store %arg15[%swap3A_685], %mul3A_669 masked %and3A_676 {strides = array<i32>} : memref<128xf32, #tpu.memory_space<vmem>>, vector<16xf32>, vector<16xi1>
      %swap3A_687 = arith.index_cast %add3A_652 : i32 to index
      %swap3A_688 = tpu.vector_load %arg16[%swap3A_687] masked %and3A_676 {strides = array<i32>} : memref<128xi32, #tpu.memory_space<vmem>>, vector<16xi32>, vector<16xi1>
      tpu.vector_store %arg16[%swap3A_687], %add3A_21 masked %and3A_676 {strides = array<i32>} : memref<128xi32, #tpu.memory_space<vmem>>, vector<16xi32>, vector<16xi1>
      %convert_element_type3A_689 = arith.extui %and3A_676 : vector<16xi1> to vector<16xi32>
      %reduce_sum3A_690 = arith.constant true
      %reduce_sum3A_691 = vector.broadcast %reduce_sum3A_690 : i1 to vector<16xi1>
      %reduce_sum3A_692 = tpu.scan <sum>, %convert_element_type3A_689 masked %reduce_sum3A_691 : vector<16xi32>, vector<16xi1> -> vector<16xi32>
      %reduce_sum3A_693 = vector.extract %reduce_sum3A_692[15] : i32 from vector<16xi32>
      %add3A_694 = arith.addi %add3A_652, %reduce_sum3A_693 : i32
      %swap3A_695 = arith.constant 0 : index
      %swap3A_696 = tpu.vector_load %arg17[%swap3A_695] {strides = array<i32>} : memref<128xi32, #tpu.memory_space<vmem>>, vector<16xi32>,
      tpu.vector_store %arg17[%swap3A_695], %broadcast_in_dim3A_399 {strides = array<i32>} : memref<128xi32, #tpu.memory_space<vmem>>, vector<16xi32>,
      %swap3A_697 = arith.constant 16 : index
      %swap3A_698 = tpu.vector_load %arg17[%swap3A_697] {strides = array<i32>} : memref<128xi32, #tpu.memory_space<vmem>>, vector<16xi32>,
      tpu.vector_store %arg17[%swap3A_697], %broadcast_in_dim3A_399 {strides = array<i32>} : memref<128xi32, #tpu.memory_space<vmem>>, vector<16xi32>,
      %swap3A_699 = arith.constant 32 : index
      %swap3A_700 = tpu.vector_load %arg17[%swap3A_699] {strides = array<i32>} : memref<128xi32, #tpu.memory_space<vmem>>, vector<16xi32>,
      tpu.vector_store %arg17[%swap3A_699], %broadcast_in_dim3A_399 {strides = array<i32>} : memref<128xi32, #tpu.memory_space<vmem>>, vector<16xi32>,
      %swap3A_701 = arith.constant 48 : index
      %swap3A_702 = tpu.vector_load %arg17[%swap3A_701] {strides = array<i32>} : memref<128xi32, #tpu.memory_space<vmem>>, vector<16xi32>,
      tpu.vector_store %arg17[%swap3A_701], %broadcast_in_dim3A_399 {strides = array<i32>} : memref<128xi32, #tpu.memory_space<vmem>>, vector<16xi32>,
      %swap3A_703 = arith.constant 64 : index
      %swap3A_704 = tpu.vector_load %arg17[%swap3A_703] {strides = array<i32>} : memref<128xi32, #tpu.memory_space<vmem>>, vector<16xi32>,
      tpu.vector_store %arg17[%swap3A_703], %broadcast_in_dim3A_399 {strides = array<i32>} : memref<128xi32, #tpu.memory_space<vmem>>, vector<16xi32>,
      %swap3A_705 = arith.constant 80 : index
      %swap3A_706 = tpu.vector_load %arg17[%swap3A_705] {strides = array<i32>} : memref<128xi32, #tpu.memory_space<vmem>>, vector<16xi32>,
      tpu.vector_store %arg17[%swap3A_705], %broadcast_in_dim3A_399 {strides = array<i32>} : memref<128xi32, #tpu.memory_space<vmem>>, vector<16xi32>,
      %swap3A_707 = arith.constant 96 : index
      %swap3A_708 = tpu.vector_load %arg17[%swap3A_707] {strides = array<i32>} : memref<128xi32, #tpu.memory_space<vmem>>, vector<16xi32>,
      tpu.vector_store %arg17[%swap3A_707], %broadcast_in_dim3A_399 {strides = array<i32>} : memref<128xi32, #tpu.memory_space<vmem>>, vector<16xi32>,
      %swap3A_709 = arith.constant 112 : index
      %swap3A_710 = tpu.vector_load %arg17[%swap3A_709] {strides = array<i32>} : memref<128xi32, #tpu.memory_space<vmem>>, vector<16xi32>,
      tpu.vector_store %arg17[%swap3A_709], %broadcast_in_dim3A_399 {strides = array<i32>} : memref<128xi32, #tpu.memory_space<vmem>>, vector<16xi32>,
      %while3A = arith.constant 0 : i32
      %while3A_711 = arith.constant 0 : i32
      %while3A_712 = arith.subi %add3A_694, %while3A_711 : i32
      %while3A_713 = arith.addi %while3A_711, %while3A_712 : i32
      %while3A_714 = arith.constant 1 : i32
      %while3A_715 = arith.divsi %while3A_712, %while3A_714 : i32
      %while3A_716 = arith.muli %while3A_715, %while3A_714 : i32
      %while3A_717 = arith.addi %while3A_711, %while3A_716 : i32
      %while3A_718 = arith.constant 1 : i32
      scf.for %while3A_1123 = %while3A_711 to %while3A_717 step %while3A_718  : i32 {
        %add3A_1124 = vector.broadcast %while3A_1123 : i32 to vector<16xi32>
        %add3A_1125 = arith.addi %broadcast_in_dim3A_22, %add3A_1124 : vector<16xi32>
        %gather3A_1126 = tpu.vector_load_idx %arg17[%add3A_1125] : memref<128xi32, #tpu.memory_space<vmem>>[vector<16xi32>], vector<16xi32>,
        %ne3A = arith.constant 0 : i32
        %ne3A_1127 = vector.broadcast %ne3A : i32 to vector<16xi32>
        %ne3A_1128 = arith.cmpi ne, %gather3A_1126, %ne3A_1127 : vector<16xi32>
        %gather3A_1129 = tpu.vector_load_idx %arg11[%add3A_1125] : memref<128xf32, #tpu.memory_space<vmem>>[vector<16xi32>], vector<16xf32>,
        %gather3A_1130 = tpu.vector_load_idx %arg12[%add3A_1125] : memref<128xf32, #tpu.memory_space<vmem>>[vector<16xi32>], vector<16xf32>,
        %gather3A_1131 = tpu.vector_load_idx %arg13[%add3A_1125] : memref<128xf32, #tpu.memory_space<vmem>>[vector<16xi32>], vector<16xf32>,
        %gather3A_1132 = tpu.vector_load_idx %arg14[%add3A_1125] : memref<128xf32, #tpu.memory_space<vmem>>[vector<16xi32>], vector<16xf32>,
        %gather3A_1133 = tpu.vector_load_idx %arg15[%add3A_1125] : memref<128xf32, #tpu.memory_space<vmem>>[vector<16xi32>], vector<16xf32>,
        %gt3A_1134 = arith.constant 0 : i32
        %gt3A_1135 = arith.cmpi sgt, %add3A_694, %gt3A_1134 : i32
        %lt3A_1136 = arith.constant 15 : i32
        %lt3A_1137 = arith.cmpi slt, %while3A_1123, %lt3A_1136 : i32
        %and3A_1138 = arith.andi %gt3A_1135, %lt3A_1137 : i1
        %convert_element_type3A_1139 = arith.extui %and3A_1138 : i1 to i32
        %cond3A_1140 = arith.constant 0 : i32
        %cond3A_1141 = arith.cmpi ne, %convert_element_type3A_1139, %cond3A_1140 : i32
        scf.if %cond3A_1141 {
          %get3A_1190 = arith.constant 0 : index
          %get3A_1191 = tpu.vector_load %arg11[%get3A_1190] {strides = array<i32>} : memref<128xf32, #tpu.memory_space<vmem>>, vector<16xf32>,
          %max3A_1192 = arith.maximumf %get3A_1191, %gather3A_1129 : vector<16xf32>
          %get3A_1193 = arith.constant 0 : index
          %get3A_1194 = tpu.vector_load %arg12[%get3A_1193] {strides = array<i32>} : memref<128xf32, #tpu.memory_space<vmem>>, vector<16xf32>,
          %max3A_1195 = arith.maximumf %get3A_1194, %gather3A_1130 : vector<16xf32>
          %get3A_1196 = arith.constant 0 : index
          %get3A_1197 = tpu.vector_load %arg13[%get3A_1196] {strides = array<i32>} : memref<128xf32, #tpu.memory_space<vmem>>, vector<16xf32>,
          %min3A_1198 = arith.minimumf %get3A_1197, %gather3A_1131 : vector<16xf32>
          %get3A_1199 = arith.constant 0 : index
          %get3A_1200 = tpu.vector_load %arg14[%get3A_1199] {strides = array<i32>} : memref<128xf32, #tpu.memory_space<vmem>>, vector<16xf32>,
          %min3A_1201 = arith.minimumf %get3A_1200, %gather3A_1132 : vector<16xf32>
          %sub3A_1202 = arith.subf %min3A_1198, %max3A_1192 : vector<16xf32>
          %max3A_1203 = arith.constant 0.000000e+00 : f32
          %max3A_1204 = vector.broadcast %max3A_1203 : f32 to vector<16xf32>
          %max3A_1205 = arith.maximumf %sub3A_1202, %max3A_1204 : vector<16xf32>
          %sub3A_1206 = arith.subf %min3A_1201, %max3A_1195 : vector<16xf32>
          %max3A_1207 = arith.constant 0.000000e+00 : f32
          %max3A_1208 = vector.broadcast %max3A_1207 : f32 to vector<16xf32>
          %max3A_1209 = arith.maximumf %sub3A_1206, %max3A_1208 : vector<16xf32>
          %mul3A_1210 = arith.mulf %max3A_1205, %max3A_1209 : vector<16xf32>
          %get3A_1211 = arith.constant 0 : index
          %get3A_1212 = tpu.vector_load %arg15[%get3A_1211] {strides = array<i32>} : memref<128xf32, #tpu.memory_space<vmem>>, vector<16xf32>,
          %add3A_1213 = arith.addf %gather3A_1133, %get3A_1212 : vector<16xf32>
          %sub3A_1214 = arith.subf %add3A_1213, %mul3A_1210 : vector<16xf32>
          %max3A_1215 = arith.constant 9.99999971E-10 : f32
          %max3A_1216 = vector.broadcast %max3A_1215 : f32 to vector<16xf32>
          %max3A_1217 = arith.maximumf %sub3A_1214, %max3A_1216 : vector<16xf32>
          %div3A = arith.divf %mul3A_1210, %max3A_1217 : vector<16xf32>
          %gt3A_1218 = arith.constant 5.000000e-01 : f32
          %gt3A_1219 = vector.broadcast %gt3A_1218 : f32 to vector<16xf32>
          %gt3A_1220 = arith.cmpf ogt, %div3A, %gt3A_1219 : vector<16xf32>
          %gt3A_1221 = vector.broadcast %while3A_1123 : i32 to vector<16xi32>
          %gt3A_1222 = arith.cmpi sgt, %add3A_3, %gt3A_1221 : vector<16xi32>
          %and3A_1223 = arith.andi %gt3A_1220, %gt3A_1222 : vector<16xi1>
          %and3A_1224 = arith.andi %and3A_1223, %ne3A_1128 : vector<16xi1>
          %get3A_1225 = arith.constant 0 : index
          %get3A_1226 = tpu.vector_load %arg17[%get3A_1225] {strides = array<i32>} : memref<128xi32, #tpu.memory_space<vmem>>, vector<16xi32>,
          %jit3A_1227 = arith.constant 0 : i32
          %broadcast_in_dim3A_1228 = vector.broadcast %jit3A_1227 : i32 to vector<16xi32>
          %select_n3A_1229 = arith.select %and3A_1224, %broadcast_in_dim3A_1228, %get3A_1226 : vector<16xi1>, vector<16xi32>
          %swap3A_1230 = arith.constant 0 : index
          %swap3A_1231 = tpu.vector_load %arg17[%swap3A_1230] {strides = array<i32>} : memref<128xi32, #tpu.memory_space<vmem>>, vector<16xi32>,
          tpu.vector_store %arg17[%swap3A_1230], %select_n3A_1229 {strides = array<i32>} : memref<128xi32, #tpu.memory_space<vmem>>, vector<16xi32>,
        } else {
        }
        %gt3A_1142 = arith.constant 16 : i32
        %gt3A_1143 = arith.cmpi sgt, %add3A_694, %gt3A_1142 : i32
        %lt3A_1144 = arith.constant 31 : i32
        %lt3A_1145 = arith.cmpi slt, %while3A_1123, %lt3A_1144 : i32
        %and3A_1146 = arith.andi %gt3A_1143, %lt3A_1145 : i1
        %convert_element_type3A_1147 = arith.extui %and3A_1146 : i1 to i32
        %cond3A_1148 = arith.constant 0 : i32
        %cond3A_1149 = arith.cmpi ne, %convert_element_type3A_1147, %cond3A_1148 : i32
        scf.if %cond3A_1149 {
          %get3A_1190 = arith.constant 16 : index
          %get3A_1191 = tpu.vector_load %arg11[%get3A_1190] {strides = array<i32>} : memref<128xf32, #tpu.memory_space<vmem>>, vector<16xf32>,
          %max3A_1192 = arith.maximumf %get3A_1191, %gather3A_1129 : vector<16xf32>
          %get3A_1193 = arith.constant 16 : index
          %get3A_1194 = tpu.vector_load %arg12[%get3A_1193] {strides = array<i32>} : memref<128xf32, #tpu.memory_space<vmem>>, vector<16xf32>,
          %max3A_1195 = arith.maximumf %get3A_1194, %gather3A_1130 : vector<16xf32>
          %get3A_1196 = arith.constant 16 : index
          %get3A_1197 = tpu.vector_load %arg13[%get3A_1196] {strides = array<i32>} : memref<128xf32, #tpu.memory_space<vmem>>, vector<16xf32>,
          %min3A_1198 = arith.minimumf %get3A_1197, %gather3A_1131 : vector<16xf32>
          %get3A_1199 = arith.constant 16 : index
          %get3A_1200 = tpu.vector_load %arg14[%get3A_1199] {strides = array<i32>} : memref<128xf32, #tpu.memory_space<vmem>>, vector<16xf32>,
          %min3A_1201 = arith.minimumf %get3A_1200, %gather3A_1132 : vector<16xf32>
          %sub3A_1202 = arith.subf %min3A_1198, %max3A_1192 : vector<16xf32>
          %max3A_1203 = arith.constant 0.000000e+00 : f32
          %max3A_1204 = vector.broadcast %max3A_1203 : f32 to vector<16xf32>
          %max3A_1205 = arith.maximumf %sub3A_1202, %max3A_1204 : vector<16xf32>
          %sub3A_1206 = arith.subf %min3A_1201, %max3A_1195 : vector<16xf32>
          %max3A_1207 = arith.constant 0.000000e+00 : f32
          %max3A_1208 = vector.broadcast %max3A_1207 : f32 to vector<16xf32>
          %max3A_1209 = arith.maximumf %sub3A_1206, %max3A_1208 : vector<16xf32>
          %mul3A_1210 = arith.mulf %max3A_1205, %max3A_1209 : vector<16xf32>
          %get3A_1211 = arith.constant 16 : index
          %get3A_1212 = tpu.vector_load %arg15[%get3A_1211] {strides = array<i32>} : memref<128xf32, #tpu.memory_space<vmem>>, vector<16xf32>,
          %add3A_1213 = arith.addf %gather3A_1133, %get3A_1212 : vector<16xf32>
          %sub3A_1214 = arith.subf %add3A_1213, %mul3A_1210 : vector<16xf32>
          %max3A_1215 = arith.constant 9.99999971E-10 : f32
          %max3A_1216 = vector.broadcast %max3A_1215 : f32 to vector<16xf32>
          %max3A_1217 = arith.maximumf %sub3A_1214, %max3A_1216 : vector<16xf32>
          %div3A = arith.divf %mul3A_1210, %max3A_1217 : vector<16xf32>
          %gt3A_1218 = arith.constant 5.000000e-01 : f32
          %gt3A_1219 = vector.broadcast %gt3A_1218 : f32 to vector<16xf32>
          %gt3A_1220 = arith.cmpf ogt, %div3A, %gt3A_1219 : vector<16xf32>
          %gt3A_1221 = vector.broadcast %while3A_1123 : i32 to vector<16xi32>
          %gt3A_1222 = arith.cmpi sgt, %add3A_6, %gt3A_1221 : vector<16xi32>
          %and3A_1223 = arith.andi %gt3A_1220, %gt3A_1222 : vector<16xi1>
          %and3A_1224 = arith.andi %and3A_1223, %ne3A_1128 : vector<16xi1>
          %get3A_1225 = arith.constant 16 : index
          %get3A_1226 = tpu.vector_load %arg17[%get3A_1225] {strides = array<i32>} : memref<128xi32, #tpu.memory_space<vmem>>, vector<16xi32>,
          %jit3A_1227 = arith.constant 0 : i32
          %broadcast_in_dim3A_1228 = vector.broadcast %jit3A_1227 : i32 to vector<16xi32>
          %select_n3A_1229 = arith.select %and3A_1224, %broadcast_in_dim3A_1228, %get3A_1226 : vector<16xi1>, vector<16xi32>
          %swap3A_1230 = arith.constant 16 : index
          %swap3A_1231 = tpu.vector_load %arg17[%swap3A_1230] {strides = array<i32>} : memref<128xi32, #tpu.memory_space<vmem>>, vector<16xi32>,
          tpu.vector_store %arg17[%swap3A_1230], %select_n3A_1229 {strides = array<i32>} : memref<128xi32, #tpu.memory_space<vmem>>, vector<16xi32>,
        } else {
        }
        %gt3A_1150 = arith.constant 32 : i32
        %gt3A_1151 = arith.cmpi sgt, %add3A_694, %gt3A_1150 : i32
        %lt3A_1152 = arith.constant 47 : i32
        %lt3A_1153 = arith.cmpi slt, %while3A_1123, %lt3A_1152 : i32
        %and3A_1154 = arith.andi %gt3A_1151, %lt3A_1153 : i1
        %convert_element_type3A_1155 = arith.extui %and3A_1154 : i1 to i32
        %cond3A_1156 = arith.constant 0 : i32
        %cond3A_1157 = arith.cmpi ne, %convert_element_type3A_1155, %cond3A_1156 : i32
        scf.if %cond3A_1157 {
          %get3A_1190 = arith.constant 32 : index
          %get3A_1191 = tpu.vector_load %arg11[%get3A_1190] {strides = array<i32>} : memref<128xf32, #tpu.memory_space<vmem>>, vector<16xf32>,
          %max3A_1192 = arith.maximumf %get3A_1191, %gather3A_1129 : vector<16xf32>
          %get3A_1193 = arith.constant 32 : index
          %get3A_1194 = tpu.vector_load %arg12[%get3A_1193] {strides = array<i32>} : memref<128xf32, #tpu.memory_space<vmem>>, vector<16xf32>,
          %max3A_1195 = arith.maximumf %get3A_1194, %gather3A_1130 : vector<16xf32>
          %get3A_1196 = arith.constant 32 : index
          %get3A_1197 = tpu.vector_load %arg13[%get3A_1196] {strides = array<i32>} : memref<128xf32, #tpu.memory_space<vmem>>, vector<16xf32>,
          %min3A_1198 = arith.minimumf %get3A_1197, %gather3A_1131 : vector<16xf32>
          %get3A_1199 = arith.constant 32 : index
          %get3A_1200 = tpu.vector_load %arg14[%get3A_1199] {strides = array<i32>} : memref<128xf32, #tpu.memory_space<vmem>>, vector<16xf32>,
          %min3A_1201 = arith.minimumf %get3A_1200, %gather3A_1132 : vector<16xf32>
          %sub3A_1202 = arith.subf %min3A_1198, %max3A_1192 : vector<16xf32>
          %max3A_1203 = arith.constant 0.000000e+00 : f32
          %max3A_1204 = vector.broadcast %max3A_1203 : f32 to vector<16xf32>
          %max3A_1205 = arith.maximumf %sub3A_1202, %max3A_1204 : vector<16xf32>
          %sub3A_1206 = arith.subf %min3A_1201, %max3A_1195 : vector<16xf32>
          %max3A_1207 = arith.constant 0.000000e+00 : f32
          %max3A_1208 = vector.broadcast %max3A_1207 : f32 to vector<16xf32>
          %max3A_1209 = arith.maximumf %sub3A_1206, %max3A_1208 : vector<16xf32>
          %mul3A_1210 = arith.mulf %max3A_1205, %max3A_1209 : vector<16xf32>
          %get3A_1211 = arith.constant 32 : index
          %get3A_1212 = tpu.vector_load %arg15[%get3A_1211] {strides = array<i32>} : memref<128xf32, #tpu.memory_space<vmem>>, vector<16xf32>,
          %add3A_1213 = arith.addf %gather3A_1133, %get3A_1212 : vector<16xf32>
          %sub3A_1214 = arith.subf %add3A_1213, %mul3A_1210 : vector<16xf32>
          %max3A_1215 = arith.constant 9.99999971E-10 : f32
          %max3A_1216 = vector.broadcast %max3A_1215 : f32 to vector<16xf32>
          %max3A_1217 = arith.maximumf %sub3A_1214, %max3A_1216 : vector<16xf32>
          %div3A = arith.divf %mul3A_1210, %max3A_1217 : vector<16xf32>
          %gt3A_1218 = arith.constant 5.000000e-01 : f32
          %gt3A_1219 = vector.broadcast %gt3A_1218 : f32 to vector<16xf32>
          %gt3A_1220 = arith.cmpf ogt, %div3A, %gt3A_1219 : vector<16xf32>
          %gt3A_1221 = vector.broadcast %while3A_1123 : i32 to vector<16xi32>
          %gt3A_1222 = arith.cmpi sgt, %add3A_9, %gt3A_1221 : vector<16xi32>
          %and3A_1223 = arith.andi %gt3A_1220, %gt3A_1222 : vector<16xi1>
          %and3A_1224 = arith.andi %and3A_1223, %ne3A_1128 : vector<16xi1>
          %get3A_1225 = arith.constant 32 : index
          %get3A_1226 = tpu.vector_load %arg17[%get3A_1225] {strides = array<i32>} : memref<128xi32, #tpu.memory_space<vmem>>, vector<16xi32>,
          %jit3A_1227 = arith.constant 0 : i32
          %broadcast_in_dim3A_1228 = vector.broadcast %jit3A_1227 : i32 to vector<16xi32>
          %select_n3A_1229 = arith.select %and3A_1224, %broadcast_in_dim3A_1228, %get3A_1226 : vector<16xi1>, vector<16xi32>
          %swap3A_1230 = arith.constant 32 : index
          %swap3A_1231 = tpu.vector_load %arg17[%swap3A_1230] {strides = array<i32>} : memref<128xi32, #tpu.memory_space<vmem>>, vector<16xi32>,
          tpu.vector_store %arg17[%swap3A_1230], %select_n3A_1229 {strides = array<i32>} : memref<128xi32, #tpu.memory_space<vmem>>, vector<16xi32>,
        } else {
        }
        %gt3A_1158 = arith.constant 48 : i32
        %gt3A_1159 = arith.cmpi sgt, %add3A_694, %gt3A_1158 : i32
        %lt3A_1160 = arith.constant 63 : i32
        %lt3A_1161 = arith.cmpi slt, %while3A_1123, %lt3A_1160 : i32
        %and3A_1162 = arith.andi %gt3A_1159, %lt3A_1161 : i1
        %convert_element_type3A_1163 = arith.extui %and3A_1162 : i1 to i32
        %cond3A_1164 = arith.constant 0 : i32
        %cond3A_1165 = arith.cmpi ne, %convert_element_type3A_1163, %cond3A_1164 : i32
        scf.if %cond3A_1165 {
          %get3A_1190 = arith.constant 48 : index
          %get3A_1191 = tpu.vector_load %arg11[%get3A_1190] {strides = array<i32>} : memref<128xf32, #tpu.memory_space<vmem>>, vector<16xf32>,
          %max3A_1192 = arith.maximumf %get3A_1191, %gather3A_1129 : vector<16xf32>
          %get3A_1193 = arith.constant 48 : index
          %get3A_1194 = tpu.vector_load %arg12[%get3A_1193] {strides = array<i32>} : memref<128xf32, #tpu.memory_space<vmem>>, vector<16xf32>,
          %max3A_1195 = arith.maximumf %get3A_1194, %gather3A_1130 : vector<16xf32>
          %get3A_1196 = arith.constant 48 : index
          %get3A_1197 = tpu.vector_load %arg13[%get3A_1196] {strides = array<i32>} : memref<128xf32, #tpu.memory_space<vmem>>, vector<16xf32>,
          %min3A_1198 = arith.minimumf %get3A_1197, %gather3A_1131 : vector<16xf32>
          %get3A_1199 = arith.constant 48 : index
          %get3A_1200 = tpu.vector_load %arg14[%get3A_1199] {strides = array<i32>} : memref<128xf32, #tpu.memory_space<vmem>>, vector<16xf32>,
          %min3A_1201 = arith.minimumf %get3A_1200, %gather3A_1132 : vector<16xf32>
          %sub3A_1202 = arith.subf %min3A_1198, %max3A_1192 : vector<16xf32>
          %max3A_1203 = arith.constant 0.000000e+00 : f32
          %max3A_1204 = vector.broadcast %max3A_1203 : f32 to vector<16xf32>
          %max3A_1205 = arith.maximumf %sub3A_1202, %max3A_1204 : vector<16xf32>
          %sub3A_1206 = arith.subf %min3A_1201, %max3A_1195 : vector<16xf32>
          %max3A_1207 = arith.constant 0.000000e+00 : f32
          %max3A_1208 = vector.broadcast %max3A_1207 : f32 to vector<16xf32>
          %max3A_1209 = arith.maximumf %sub3A_1206, %max3A_1208 : vector<16xf32>
          %mul3A_1210 = arith.mulf %max3A_1205, %max3A_1209 : vector<16xf32>
          %get3A_1211 = arith.constant 48 : index
          %get3A_1212 = tpu.vector_load %arg15[%get3A_1211] {strides = array<i32>} : memref<128xf32, #tpu.memory_space<vmem>>, vector<16xf32>,
          %add3A_1213 = arith.addf %gather3A_1133, %get3A_1212 : vector<16xf32>
          %sub3A_1214 = arith.subf %add3A_1213, %mul3A_1210 : vector<16xf32>
          %max3A_1215 = arith.constant 9.99999971E-10 : f32
          %max3A_1216 = vector.broadcast %max3A_1215 : f32 to vector<16xf32>
          %max3A_1217 = arith.maximumf %sub3A_1214, %max3A_1216 : vector<16xf32>
          %div3A = arith.divf %mul3A_1210, %max3A_1217 : vector<16xf32>
          %gt3A_1218 = arith.constant 5.000000e-01 : f32
          %gt3A_1219 = vector.broadcast %gt3A_1218 : f32 to vector<16xf32>
          %gt3A_1220 = arith.cmpf ogt, %div3A, %gt3A_1219 : vector<16xf32>
          %gt3A_1221 = vector.broadcast %while3A_1123 : i32 to vector<16xi32>
          %gt3A_1222 = arith.cmpi sgt, %add3A_12, %gt3A_1221 : vector<16xi32>
          %and3A_1223 = arith.andi %gt3A_1220, %gt3A_1222 : vector<16xi1>
          %and3A_1224 = arith.andi %and3A_1223, %ne3A_1128 : vector<16xi1>
          %get3A_1225 = arith.constant 48 : index
          %get3A_1226 = tpu.vector_load %arg17[%get3A_1225] {strides = array<i32>} : memref<128xi32, #tpu.memory_space<vmem>>, vector<16xi32>,
          %jit3A_1227 = arith.constant 0 : i32
          %broadcast_in_dim3A_1228 = vector.broadcast %jit3A_1227 : i32 to vector<16xi32>
          %select_n3A_1229 = arith.select %and3A_1224, %broadcast_in_dim3A_1228, %get3A_1226 : vector<16xi1>, vector<16xi32>
          %swap3A_1230 = arith.constant 48 : index
          %swap3A_1231 = tpu.vector_load %arg17[%swap3A_1230] {strides = array<i32>} : memref<128xi32, #tpu.memory_space<vmem>>, vector<16xi32>,
          tpu.vector_store %arg17[%swap3A_1230], %select_n3A_1229 {strides = array<i32>} : memref<128xi32, #tpu.memory_space<vmem>>, vector<16xi32>,
        } else {
        }
        %gt3A_1166 = arith.constant 64 : i32
        %gt3A_1167 = arith.cmpi sgt, %add3A_694, %gt3A_1166 : i32
        %lt3A_1168 = arith.constant 79 : i32
        %lt3A_1169 = arith.cmpi slt, %while3A_1123, %lt3A_1168 : i32
        %and3A_1170 = arith.andi %gt3A_1167, %lt3A_1169 : i1
        %convert_element_type3A_1171 = arith.extui %and3A_1170 : i1 to i32
        %cond3A_1172 = arith.constant 0 : i32
        %cond3A_1173 = arith.cmpi ne, %convert_element_type3A_1171, %cond3A_1172 : i32
        scf.if %cond3A_1173 {
          %get3A_1190 = arith.constant 64 : index
          %get3A_1191 = tpu.vector_load %arg11[%get3A_1190] {strides = array<i32>} : memref<128xf32, #tpu.memory_space<vmem>>, vector<16xf32>,
          %max3A_1192 = arith.maximumf %get3A_1191, %gather3A_1129 : vector<16xf32>
          %get3A_1193 = arith.constant 64 : index
          %get3A_1194 = tpu.vector_load %arg12[%get3A_1193] {strides = array<i32>} : memref<128xf32, #tpu.memory_space<vmem>>, vector<16xf32>,
          %max3A_1195 = arith.maximumf %get3A_1194, %gather3A_1130 : vector<16xf32>
          %get3A_1196 = arith.constant 64 : index
          %get3A_1197 = tpu.vector_load %arg13[%get3A_1196] {strides = array<i32>} : memref<128xf32, #tpu.memory_space<vmem>>, vector<16xf32>,
          %min3A_1198 = arith.minimumf %get3A_1197, %gather3A_1131 : vector<16xf32>
          %get3A_1199 = arith.constant 64 : index
          %get3A_1200 = tpu.vector_load %arg14[%get3A_1199] {strides = array<i32>} : memref<128xf32, #tpu.memory_space<vmem>>, vector<16xf32>,
          %min3A_1201 = arith.minimumf %get3A_1200, %gather3A_1132 : vector<16xf32>
          %sub3A_1202 = arith.subf %min3A_1198, %max3A_1192 : vector<16xf32>
          %max3A_1203 = arith.constant 0.000000e+00 : f32
          %max3A_1204 = vector.broadcast %max3A_1203 : f32 to vector<16xf32>
          %max3A_1205 = arith.maximumf %sub3A_1202, %max3A_1204 : vector<16xf32>
          %sub3A_1206 = arith.subf %min3A_1201, %max3A_1195 : vector<16xf32>
          %max3A_1207 = arith.constant 0.000000e+00 : f32
          %max3A_1208 = vector.broadcast %max3A_1207 : f32 to vector<16xf32>
          %max3A_1209 = arith.maximumf %sub3A_1206, %max3A_1208 : vector<16xf32>
          %mul3A_1210 = arith.mulf %max3A_1205, %max3A_1209 : vector<16xf32>
          %get3A_1211 = arith.constant 64 : index
          %get3A_1212 = tpu.vector_load %arg15[%get3A_1211] {strides = array<i32>} : memref<128xf32, #tpu.memory_space<vmem>>, vector<16xf32>,
          %add3A_1213 = arith.addf %gather3A_1133, %get3A_1212 : vector<16xf32>
          %sub3A_1214 = arith.subf %add3A_1213, %mul3A_1210 : vector<16xf32>
          %max3A_1215 = arith.constant 9.99999971E-10 : f32
          %max3A_1216 = vector.broadcast %max3A_1215 : f32 to vector<16xf32>
          %max3A_1217 = arith.maximumf %sub3A_1214, %max3A_1216 : vector<16xf32>
          %div3A = arith.divf %mul3A_1210, %max3A_1217 : vector<16xf32>
          %gt3A_1218 = arith.constant 5.000000e-01 : f32
          %gt3A_1219 = vector.broadcast %gt3A_1218 : f32 to vector<16xf32>
          %gt3A_1220 = arith.cmpf ogt, %div3A, %gt3A_1219 : vector<16xf32>
          %gt3A_1221 = vector.broadcast %while3A_1123 : i32 to vector<16xi32>
          %gt3A_1222 = arith.cmpi sgt, %add3A_15, %gt3A_1221 : vector<16xi32>
          %and3A_1223 = arith.andi %gt3A_1220, %gt3A_1222 : vector<16xi1>
          %and3A_1224 = arith.andi %and3A_1223, %ne3A_1128 : vector<16xi1>
          %get3A_1225 = arith.constant 64 : index
          %get3A_1226 = tpu.vector_load %arg17[%get3A_1225] {strides = array<i32>} : memref<128xi32, #tpu.memory_space<vmem>>, vector<16xi32>,
          %jit3A_1227 = arith.constant 0 : i32
          %broadcast_in_dim3A_1228 = vector.broadcast %jit3A_1227 : i32 to vector<16xi32>
          %select_n3A_1229 = arith.select %and3A_1224, %broadcast_in_dim3A_1228, %get3A_1226 : vector<16xi1>, vector<16xi32>
          %swap3A_1230 = arith.constant 64 : index
          %swap3A_1231 = tpu.vector_load %arg17[%swap3A_1230] {strides = array<i32>} : memref<128xi32, #tpu.memory_space<vmem>>, vector<16xi32>,
          tpu.vector_store %arg17[%swap3A_1230], %select_n3A_1229 {strides = array<i32>} : memref<128xi32, #tpu.memory_space<vmem>>, vector<16xi32>,
        } else {
        }
        %gt3A_1174 = arith.constant 80 : i32
        %gt3A_1175 = arith.cmpi sgt, %add3A_694, %gt3A_1174 : i32
        %lt3A_1176 = arith.constant 95 : i32
        %lt3A_1177 = arith.cmpi slt, %while3A_1123, %lt3A_1176 : i32
        %and3A_1178 = arith.andi %gt3A_1175, %lt3A_1177 : i1
        %convert_element_type3A_1179 = arith.extui %and3A_1178 : i1 to i32
        %cond3A_1180 = arith.constant 0 : i32
        %cond3A_1181 = arith.cmpi ne, %convert_element_type3A_1179, %cond3A_1180 : i32
        scf.if %cond3A_1181 {
          %get3A_1190 = arith.constant 80 : index
          %get3A_1191 = tpu.vector_load %arg11[%get3A_1190] {strides = array<i32>} : memref<128xf32, #tpu.memory_space<vmem>>, vector<16xf32>,
          %max3A_1192 = arith.maximumf %get3A_1191, %gather3A_1129 : vector<16xf32>
          %get3A_1193 = arith.constant 80 : index
          %get3A_1194 = tpu.vector_load %arg12[%get3A_1193] {strides = array<i32>} : memref<128xf32, #tpu.memory_space<vmem>>, vector<16xf32>,
          %max3A_1195 = arith.maximumf %get3A_1194, %gather3A_1130 : vector<16xf32>
          %get3A_1196 = arith.constant 80 : index
          %get3A_1197 = tpu.vector_load %arg13[%get3A_1196] {strides = array<i32>} : memref<128xf32, #tpu.memory_space<vmem>>, vector<16xf32>,
          %min3A_1198 = arith.minimumf %get3A_1197, %gather3A_1131 : vector<16xf32>
          %get3A_1199 = arith.constant 80 : index
          %get3A_1200 = tpu.vector_load %arg14[%get3A_1199] {strides = array<i32>} : memref<128xf32, #tpu.memory_space<vmem>>, vector<16xf32>,
          %min3A_1201 = arith.minimumf %get3A_1200, %gather3A_1132 : vector<16xf32>
          %sub3A_1202 = arith.subf %min3A_1198, %max3A_1192 : vector<16xf32>
          %max3A_1203 = arith.constant 0.000000e+00 : f32
          %max3A_1204 = vector.broadcast %max3A_1203 : f32 to vector<16xf32>
          %max3A_1205 = arith.maximumf %sub3A_1202, %max3A_1204 : vector<16xf32>
          %sub3A_1206 = arith.subf %min3A_1201, %max3A_1195 : vector<16xf32>
          %max3A_1207 = arith.constant 0.000000e+00 : f32
          %max3A_1208 = vector.broadcast %max3A_1207 : f32 to vector<16xf32>
          %max3A_1209 = arith.maximumf %sub3A_1206, %max3A_1208 : vector<16xf32>
          %mul3A_1210 = arith.mulf %max3A_1205, %max3A_1209 : vector<16xf32>
          %get3A_1211 = arith.constant 80 : index
          %get3A_1212 = tpu.vector_load %arg15[%get3A_1211] {strides = array<i32>} : memref<128xf32, #tpu.memory_space<vmem>>, vector<16xf32>,
          %add3A_1213 = arith.addf %gather3A_1133, %get3A_1212 : vector<16xf32>
          %sub3A_1214 = arith.subf %add3A_1213, %mul3A_1210 : vector<16xf32>
          %max3A_1215 = arith.constant 9.99999971E-10 : f32
          %max3A_1216 = vector.broadcast %max3A_1215 : f32 to vector<16xf32>
          %max3A_1217 = arith.maximumf %sub3A_1214, %max3A_1216 : vector<16xf32>
          %div3A = arith.divf %mul3A_1210, %max3A_1217 : vector<16xf32>
          %gt3A_1218 = arith.constant 5.000000e-01 : f32
          %gt3A_1219 = vector.broadcast %gt3A_1218 : f32 to vector<16xf32>
          %gt3A_1220 = arith.cmpf ogt, %div3A, %gt3A_1219 : vector<16xf32>
          %gt3A_1221 = vector.broadcast %while3A_1123 : i32 to vector<16xi32>
          %gt3A_1222 = arith.cmpi sgt, %add3A_18, %gt3A_1221 : vector<16xi32>
          %and3A_1223 = arith.andi %gt3A_1220, %gt3A_1222 : vector<16xi1>
          %and3A_1224 = arith.andi %and3A_1223, %ne3A_1128 : vector<16xi1>
          %get3A_1225 = arith.constant 80 : index
          %get3A_1226 = tpu.vector_load %arg17[%get3A_1225] {strides = array<i32>} : memref<128xi32, #tpu.memory_space<vmem>>, vector<16xi32>,
          %jit3A_1227 = arith.constant 0 : i32
          %broadcast_in_dim3A_1228 = vector.broadcast %jit3A_1227 : i32 to vector<16xi32>
          %select_n3A_1229 = arith.select %and3A_1224, %broadcast_in_dim3A_1228, %get3A_1226 : vector<16xi1>, vector<16xi32>
          %swap3A_1230 = arith.constant 80 : index
          %swap3A_1231 = tpu.vector_load %arg17[%swap3A_1230] {strides = array<i32>} : memref<128xi32, #tpu.memory_space<vmem>>, vector<16xi32>,
          tpu.vector_store %arg17[%swap3A_1230], %select_n3A_1229 {strides = array<i32>} : memref<128xi32, #tpu.memory_space<vmem>>, vector<16xi32>,
        } else {
        }
        %gt3A_1182 = arith.constant 96 : i32
        %gt3A_1183 = arith.cmpi sgt, %add3A_694, %gt3A_1182 : i32
        %lt3A_1184 = arith.constant 111 : i32
        %lt3A_1185 = arith.cmpi slt, %while3A_1123, %lt3A_1184 : i32
        %and3A_1186 = arith.andi %gt3A_1183, %lt3A_1185 : i1
        %convert_element_type3A_1187 = arith.extui %and3A_1186 : i1 to i32
        %cond3A_1188 = arith.constant 0 : i32
        %cond3A_1189 = arith.cmpi ne, %convert_element_type3A_1187, %cond3A_1188 : i32
        scf.if %cond3A_1189 {
          %get3A_1190 = arith.constant 96 : index
          %get3A_1191 = tpu.vector_load %arg11[%get3A_1190] {strides = array<i32>} : memref<128xf32, #tpu.memory_space<vmem>>, vector<16xf32>,
          %max3A_1192 = arith.maximumf %get3A_1191, %gather3A_1129 : vector<16xf32>
          %get3A_1193 = arith.constant 96 : index
          %get3A_1194 = tpu.vector_load %arg12[%get3A_1193] {strides = array<i32>} : memref<128xf32, #tpu.memory_space<vmem>>, vector<16xf32>,
          %max3A_1195 = arith.maximumf %get3A_1194, %gather3A_1130 : vector<16xf32>
          %get3A_1196 = arith.constant 96 : index
          %get3A_1197 = tpu.vector_load %arg13[%get3A_1196] {strides = array<i32>} : memref<128xf32, #tpu.memory_space<vmem>>, vector<16xf32>,
          %min3A_1198 = arith.minimumf %get3A_1197, %gather3A_1131 : vector<16xf32>
          %get3A_1199 = arith.constant 96 : index
          %get3A_1200 = tpu.vector_load %arg14[%get3A_1199] {strides = array<i32>} : memref<128xf32, #tpu.memory_space<vmem>>, vector<16xf32>,
          %min3A_1201 = arith.minimumf %get3A_1200, %gather3A_1132 : vector<16xf32>
          %sub3A_1202 = arith.subf %min3A_1198, %max3A_1192 : vector<16xf32>
          %max3A_1203 = arith.constant 0.000000e+00 : f32
          %max3A_1204 = vector.broadcast %max3A_1203 : f32 to vector<16xf32>
          %max3A_1205 = arith.maximumf %sub3A_1202, %max3A_1204 : vector<16xf32>
          %sub3A_1206 = arith.subf %min3A_1201, %max3A_1195 : vector<16xf32>
          %max3A_1207 = arith.constant 0.000000e+00 : f32
          %max3A_1208 = vector.broadcast %max3A_1207 : f32 to vector<16xf32>
          %max3A_1209 = arith.maximumf %sub3A_1206, %max3A_1208 : vector<16xf32>
          %mul3A_1210 = arith.mulf %max3A_1205, %max3A_1209 : vector<16xf32>
          %get3A_1211 = arith.constant 96 : index
          %get3A_1212 = tpu.vector_load %arg15[%get3A_1211] {strides = array<i32>} : memref<128xf32, #tpu.memory_space<vmem>>, vector<16xf32>,
          %add3A_1213 = arith.addf %gather3A_1133, %get3A_1212 : vector<16xf32>
          %sub3A_1214 = arith.subf %add3A_1213, %mul3A_1210 : vector<16xf32>
          %max3A_1215 = arith.constant 9.99999971E-10 : f32
          %max3A_1216 = vector.broadcast %max3A_1215 : f32 to vector<16xf32>
          %max3A_1217 = arith.maximumf %sub3A_1214, %max3A_1216 : vector<16xf32>
          %div3A = arith.divf %mul3A_1210, %max3A_1217 : vector<16xf32>
          %gt3A_1218 = arith.constant 5.000000e-01 : f32
          %gt3A_1219 = vector.broadcast %gt3A_1218 : f32 to vector<16xf32>
          %gt3A_1220 = arith.cmpf ogt, %div3A, %gt3A_1219 : vector<16xf32>
          %gt3A_1221 = vector.broadcast %while3A_1123 : i32 to vector<16xi32>
          %gt3A_1222 = arith.cmpi sgt, %add3A_21, %gt3A_1221 : vector<16xi32>
          %and3A_1223 = arith.andi %gt3A_1220, %gt3A_1222 : vector<16xi1>
          %and3A_1224 = arith.andi %and3A_1223, %ne3A_1128 : vector<16xi1>
          %get3A_1225 = arith.constant 96 : index
          %get3A_1226 = tpu.vector_load %arg17[%get3A_1225] {strides = array<i32>} : memref<128xi32, #tpu.memory_space<vmem>>, vector<16xi32>,
          %jit3A_1227 = arith.constant 0 : i32
          %broadcast_in_dim3A_1228 = vector.broadcast %jit3A_1227 : i32 to vector<16xi32>
          %select_n3A_1229 = arith.select %and3A_1224, %broadcast_in_dim3A_1228, %get3A_1226 : vector<16xi1>, vector<16xi32>
          %swap3A_1230 = arith.constant 96 : index
          %swap3A_1231 = tpu.vector_load %arg17[%swap3A_1230] {strides = array<i32>} : memref<128xi32, #tpu.memory_space<vmem>>, vector<16xi32>,
          tpu.vector_store %arg17[%swap3A_1230], %select_n3A_1229 {strides = array<i32>} : memref<128xi32, #tpu.memory_space<vmem>>, vector<16xi32>,
        } else {
        }
      }
      %while3A_719 = arith.constant 1 : i32
      scf.for %while3A_1123 = %while3A_717 to %while3A_713 step %while3A_719  : i32 {
        %add3A_1124 = vector.broadcast %while3A_1123 : i32 to vector<16xi32>
        %add3A_1125 = arith.addi %broadcast_in_dim3A_22, %add3A_1124 : vector<16xi32>
        %gather3A_1126 = tpu.vector_load_idx %arg17[%add3A_1125] : memref<128xi32, #tpu.memory_space<vmem>>[vector<16xi32>], vector<16xi32>,
        %ne3A = arith.constant 0 : i32
        %ne3A_1127 = vector.broadcast %ne3A : i32 to vector<16xi32>
        %ne3A_1128 = arith.cmpi ne, %gather3A_1126, %ne3A_1127 : vector<16xi32>
        %gather3A_1129 = tpu.vector_load_idx %arg11[%add3A_1125] : memref<128xf32, #tpu.memory_space<vmem>>[vector<16xi32>], vector<16xf32>,
        %gather3A_1130 = tpu.vector_load_idx %arg12[%add3A_1125] : memref<128xf32, #tpu.memory_space<vmem>>[vector<16xi32>], vector<16xf32>,
        %gather3A_1131 = tpu.vector_load_idx %arg13[%add3A_1125] : memref<128xf32, #tpu.memory_space<vmem>>[vector<16xi32>], vector<16xf32>,
        %gather3A_1132 = tpu.vector_load_idx %arg14[%add3A_1125] : memref<128xf32, #tpu.memory_space<vmem>>[vector<16xi32>], vector<16xf32>,
        %gather3A_1133 = tpu.vector_load_idx %arg15[%add3A_1125] : memref<128xf32, #tpu.memory_space<vmem>>[vector<16xi32>], vector<16xf32>,
        %gt3A_1134 = arith.constant 0 : i32
        %gt3A_1135 = arith.cmpi sgt, %add3A_694, %gt3A_1134 : i32
        %lt3A_1136 = arith.constant 15 : i32
        %lt3A_1137 = arith.cmpi slt, %while3A_1123, %lt3A_1136 : i32
        %and3A_1138 = arith.andi %gt3A_1135, %lt3A_1137 : i1
        %convert_element_type3A_1139 = arith.extui %and3A_1138 : i1 to i32
        %cond3A_1140 = arith.constant 0 : i32
        %cond3A_1141 = arith.cmpi ne, %convert_element_type3A_1139, %cond3A_1140 : i32
        scf.if %cond3A_1141 {
          %get3A_1190 = arith.constant 0 : index
          %get3A_1191 = tpu.vector_load %arg11[%get3A_1190] {strides = array<i32>} : memref<128xf32, #tpu.memory_space<vmem>>, vector<16xf32>,
          %max3A_1192 = arith.maximumf %get3A_1191, %gather3A_1129 : vector<16xf32>
          %get3A_1193 = arith.constant 0 : index
          %get3A_1194 = tpu.vector_load %arg12[%get3A_1193] {strides = array<i32>} : memref<128xf32, #tpu.memory_space<vmem>>, vector<16xf32>,
          %max3A_1195 = arith.maximumf %get3A_1194, %gather3A_1130 : vector<16xf32>
          %get3A_1196 = arith.constant 0 : index
          %get3A_1197 = tpu.vector_load %arg13[%get3A_1196] {strides = array<i32>} : memref<128xf32, #tpu.memory_space<vmem>>, vector<16xf32>,
          %min3A_1198 = arith.minimumf %get3A_1197, %gather3A_1131 : vector<16xf32>
          %get3A_1199 = arith.constant 0 : index
          %get3A_1200 = tpu.vector_load %arg14[%get3A_1199] {strides = array<i32>} : memref<128xf32, #tpu.memory_space<vmem>>, vector<16xf32>,
          %min3A_1201 = arith.minimumf %get3A_1200, %gather3A_1132 : vector<16xf32>
          %sub3A_1202 = arith.subf %min3A_1198, %max3A_1192 : vector<16xf32>
          %max3A_1203 = arith.constant 0.000000e+00 : f32
          %max3A_1204 = vector.broadcast %max3A_1203 : f32 to vector<16xf32>
          %max3A_1205 = arith.maximumf %sub3A_1202, %max3A_1204 : vector<16xf32>
          %sub3A_1206 = arith.subf %min3A_1201, %max3A_1195 : vector<16xf32>
          %max3A_1207 = arith.constant 0.000000e+00 : f32
          %max3A_1208 = vector.broadcast %max3A_1207 : f32 to vector<16xf32>
          %max3A_1209 = arith.maximumf %sub3A_1206, %max3A_1208 : vector<16xf32>
          %mul3A_1210 = arith.mulf %max3A_1205, %max3A_1209 : vector<16xf32>
          %get3A_1211 = arith.constant 0 : index
          %get3A_1212 = tpu.vector_load %arg15[%get3A_1211] {strides = array<i32>} : memref<128xf32, #tpu.memory_space<vmem>>, vector<16xf32>,
          %add3A_1213 = arith.addf %gather3A_1133, %get3A_1212 : vector<16xf32>
          %sub3A_1214 = arith.subf %add3A_1213, %mul3A_1210 : vector<16xf32>
          %max3A_1215 = arith.constant 9.99999971E-10 : f32
          %max3A_1216 = vector.broadcast %max3A_1215 : f32 to vector<16xf32>
          %max3A_1217 = arith.maximumf %sub3A_1214, %max3A_1216 : vector<16xf32>
          %div3A = arith.divf %mul3A_1210, %max3A_1217 : vector<16xf32>
          %gt3A_1218 = arith.constant 5.000000e-01 : f32
          %gt3A_1219 = vector.broadcast %gt3A_1218 : f32 to vector<16xf32>
          %gt3A_1220 = arith.cmpf ogt, %div3A, %gt3A_1219 : vector<16xf32>
          %gt3A_1221 = vector.broadcast %while3A_1123 : i32 to vector<16xi32>
          %gt3A_1222 = arith.cmpi sgt, %add3A_3, %gt3A_1221 : vector<16xi32>
          %and3A_1223 = arith.andi %gt3A_1220, %gt3A_1222 : vector<16xi1>
          %and3A_1224 = arith.andi %and3A_1223, %ne3A_1128 : vector<16xi1>
          %get3A_1225 = arith.constant 0 : index
          %get3A_1226 = tpu.vector_load %arg17[%get3A_1225] {strides = array<i32>} : memref<128xi32, #tpu.memory_space<vmem>>, vector<16xi32>,
          %jit3A_1227 = arith.constant 0 : i32
          %broadcast_in_dim3A_1228 = vector.broadcast %jit3A_1227 : i32 to vector<16xi32>
          %select_n3A_1229 = arith.select %and3A_1224, %broadcast_in_dim3A_1228, %get3A_1226 : vector<16xi1>, vector<16xi32>
          %swap3A_1230 = arith.constant 0 : index
          %swap3A_1231 = tpu.vector_load %arg17[%swap3A_1230] {strides = array<i32>} : memref<128xi32, #tpu.memory_space<vmem>>, vector<16xi32>,
          tpu.vector_store %arg17[%swap3A_1230], %select_n3A_1229 {strides = array<i32>} : memref<128xi32, #tpu.memory_space<vmem>>, vector<16xi32>,
        } else {
        }
        %gt3A_1142 = arith.constant 16 : i32
        %gt3A_1143 = arith.cmpi sgt, %add3A_694, %gt3A_1142 : i32
        %lt3A_1144 = arith.constant 31 : i32
        %lt3A_1145 = arith.cmpi slt, %while3A_1123, %lt3A_1144 : i32
        %and3A_1146 = arith.andi %gt3A_1143, %lt3A_1145 : i1
        %convert_element_type3A_1147 = arith.extui %and3A_1146 : i1 to i32
        %cond3A_1148 = arith.constant 0 : i32
        %cond3A_1149 = arith.cmpi ne, %convert_element_type3A_1147, %cond3A_1148 : i32
        scf.if %cond3A_1149 {
          %get3A_1190 = arith.constant 16 : index
          %get3A_1191 = tpu.vector_load %arg11[%get3A_1190] {strides = array<i32>} : memref<128xf32, #tpu.memory_space<vmem>>, vector<16xf32>,
          %max3A_1192 = arith.maximumf %get3A_1191, %gather3A_1129 : vector<16xf32>
          %get3A_1193 = arith.constant 16 : index
          %get3A_1194 = tpu.vector_load %arg12[%get3A_1193] {strides = array<i32>} : memref<128xf32, #tpu.memory_space<vmem>>, vector<16xf32>,
          %max3A_1195 = arith.maximumf %get3A_1194, %gather3A_1130 : vector<16xf32>
          %get3A_1196 = arith.constant 16 : index
          %get3A_1197 = tpu.vector_load %arg13[%get3A_1196] {strides = array<i32>} : memref<128xf32, #tpu.memory_space<vmem>>, vector<16xf32>,
          %min3A_1198 = arith.minimumf %get3A_1197, %gather3A_1131 : vector<16xf32>
          %get3A_1199 = arith.constant 16 : index
          %get3A_1200 = tpu.vector_load %arg14[%get3A_1199] {strides = array<i32>} : memref<128xf32, #tpu.memory_space<vmem>>, vector<16xf32>,
          %min3A_1201 = arith.minimumf %get3A_1200, %gather3A_1132 : vector<16xf32>
          %sub3A_1202 = arith.subf %min3A_1198, %max3A_1192 : vector<16xf32>
          %max3A_1203 = arith.constant 0.000000e+00 : f32
          %max3A_1204 = vector.broadcast %max3A_1203 : f32 to vector<16xf32>
          %max3A_1205 = arith.maximumf %sub3A_1202, %max3A_1204 : vector<16xf32>
          %sub3A_1206 = arith.subf %min3A_1201, %max3A_1195 : vector<16xf32>
          %max3A_1207 = arith.constant 0.000000e+00 : f32
          %max3A_1208 = vector.broadcast %max3A_1207 : f32 to vector<16xf32>
          %max3A_1209 = arith.maximumf %sub3A_1206, %max3A_1208 : vector<16xf32>
          %mul3A_1210 = arith.mulf %max3A_1205, %max3A_1209 : vector<16xf32>
          %get3A_1211 = arith.constant 16 : index
          %get3A_1212 = tpu.vector_load %arg15[%get3A_1211] {strides = array<i32>} : memref<128xf32, #tpu.memory_space<vmem>>, vector<16xf32>,
          %add3A_1213 = arith.addf %gather3A_1133, %get3A_1212 : vector<16xf32>
          %sub3A_1214 = arith.subf %add3A_1213, %mul3A_1210 : vector<16xf32>
          %max3A_1215 = arith.constant 9.99999971E-10 : f32
          %max3A_1216 = vector.broadcast %max3A_1215 : f32 to vector<16xf32>
          %max3A_1217 = arith.maximumf %sub3A_1214, %max3A_1216 : vector<16xf32>
          %div3A = arith.divf %mul3A_1210, %max3A_1217 : vector<16xf32>
          %gt3A_1218 = arith.constant 5.000000e-01 : f32
          %gt3A_1219 = vector.broadcast %gt3A_1218 : f32 to vector<16xf32>
          %gt3A_1220 = arith.cmpf ogt, %div3A, %gt3A_1219 : vector<16xf32>
          %gt3A_1221 = vector.broadcast %while3A_1123 : i32 to vector<16xi32>
          %gt3A_1222 = arith.cmpi sgt, %add3A_6, %gt3A_1221 : vector<16xi32>
          %and3A_1223 = arith.andi %gt3A_1220, %gt3A_1222 : vector<16xi1>
          %and3A_1224 = arith.andi %and3A_1223, %ne3A_1128 : vector<16xi1>
          %get3A_1225 = arith.constant 16 : index
          %get3A_1226 = tpu.vector_load %arg17[%get3A_1225] {strides = array<i32>} : memref<128xi32, #tpu.memory_space<vmem>>, vector<16xi32>,
          %jit3A_1227 = arith.constant 0 : i32
          %broadcast_in_dim3A_1228 = vector.broadcast %jit3A_1227 : i32 to vector<16xi32>
          %select_n3A_1229 = arith.select %and3A_1224, %broadcast_in_dim3A_1228, %get3A_1226 : vector<16xi1>, vector<16xi32>
          %swap3A_1230 = arith.constant 16 : index
          %swap3A_1231 = tpu.vector_load %arg17[%swap3A_1230] {strides = array<i32>} : memref<128xi32, #tpu.memory_space<vmem>>, vector<16xi32>,
          tpu.vector_store %arg17[%swap3A_1230], %select_n3A_1229 {strides = array<i32>} : memref<128xi32, #tpu.memory_space<vmem>>, vector<16xi32>,
        } else {
        }
        %gt3A_1150 = arith.constant 32 : i32
        %gt3A_1151 = arith.cmpi sgt, %add3A_694, %gt3A_1150 : i32
        %lt3A_1152 = arith.constant 47 : i32
        %lt3A_1153 = arith.cmpi slt, %while3A_1123, %lt3A_1152 : i32
        %and3A_1154 = arith.andi %gt3A_1151, %lt3A_1153 : i1
        %convert_element_type3A_1155 = arith.extui %and3A_1154 : i1 to i32
        %cond3A_1156 = arith.constant 0 : i32
        %cond3A_1157 = arith.cmpi ne, %convert_element_type3A_1155, %cond3A_1156 : i32
        scf.if %cond3A_1157 {
          %get3A_1190 = arith.constant 32 : index
          %get3A_1191 = tpu.vector_load %arg11[%get3A_1190] {strides = array<i32>} : memref<128xf32, #tpu.memory_space<vmem>>, vector<16xf32>,
          %max3A_1192 = arith.maximumf %get3A_1191, %gather3A_1129 : vector<16xf32>
          %get3A_1193 = arith.constant 32 : index
          %get3A_1194 = tpu.vector_load %arg12[%get3A_1193] {strides = array<i32>} : memref<128xf32, #tpu.memory_space<vmem>>, vector<16xf32>,
          %max3A_1195 = arith.maximumf %get3A_1194, %gather3A_1130 : vector<16xf32>
          %get3A_1196 = arith.constant 32 : index
          %get3A_1197 = tpu.vector_load %arg13[%get3A_1196] {strides = array<i32>} : memref<128xf32, #tpu.memory_space<vmem>>, vector<16xf32>,
          %min3A_1198 = arith.minimumf %get3A_1197, %gather3A_1131 : vector<16xf32>
          %get3A_1199 = arith.constant 32 : index
          %get3A_1200 = tpu.vector_load %arg14[%get3A_1199] {strides = array<i32>} : memref<128xf32, #tpu.memory_space<vmem>>, vector<16xf32>,
          %min3A_1201 = arith.minimumf %get3A_1200, %gather3A_1132 : vector<16xf32>
          %sub3A_1202 = arith.subf %min3A_1198, %max3A_1192 : vector<16xf32>
          %max3A_1203 = arith.constant 0.000000e+00 : f32
          %max3A_1204 = vector.broadcast %max3A_1203 : f32 to vector<16xf32>
          %max3A_1205 = arith.maximumf %sub3A_1202, %max3A_1204 : vector<16xf32>
          %sub3A_1206 = arith.subf %min3A_1201, %max3A_1195 : vector<16xf32>
          %max3A_1207 = arith.constant 0.000000e+00 : f32
          %max3A_1208 = vector.broadcast %max3A_1207 : f32 to vector<16xf32>
          %max3A_1209 = arith.maximumf %sub3A_1206, %max3A_1208 : vector<16xf32>
          %mul3A_1210 = arith.mulf %max3A_1205, %max3A_1209 : vector<16xf32>
          %get3A_1211 = arith.constant 32 : index
          %get3A_1212 = tpu.vector_load %arg15[%get3A_1211] {strides = array<i32>} : memref<128xf32, #tpu.memory_space<vmem>>, vector<16xf32>,
          %add3A_1213 = arith.addf %gather3A_1133, %get3A_1212 : vector<16xf32>
          %sub3A_1214 = arith.subf %add3A_1213, %mul3A_1210 : vector<16xf32>
          %max3A_1215 = arith.constant 9.99999971E-10 : f32
          %max3A_1216 = vector.broadcast %max3A_1215 : f32 to vector<16xf32>
          %max3A_1217 = arith.maximumf %sub3A_1214, %max3A_1216 : vector<16xf32>
          %div3A = arith.divf %mul3A_1210, %max3A_1217 : vector<16xf32>
          %gt3A_1218 = arith.constant 5.000000e-01 : f32
          %gt3A_1219 = vector.broadcast %gt3A_1218 : f32 to vector<16xf32>
          %gt3A_1220 = arith.cmpf ogt, %div3A, %gt3A_1219 : vector<16xf32>
          %gt3A_1221 = vector.broadcast %while3A_1123 : i32 to vector<16xi32>
          %gt3A_1222 = arith.cmpi sgt, %add3A_9, %gt3A_1221 : vector<16xi32>
          %and3A_1223 = arith.andi %gt3A_1220, %gt3A_1222 : vector<16xi1>
          %and3A_1224 = arith.andi %and3A_1223, %ne3A_1128 : vector<16xi1>
          %get3A_1225 = arith.constant 32 : index
          %get3A_1226 = tpu.vector_load %arg17[%get3A_1225] {strides = array<i32>} : memref<128xi32, #tpu.memory_space<vmem>>, vector<16xi32>,
          %jit3A_1227 = arith.constant 0 : i32
          %broadcast_in_dim3A_1228 = vector.broadcast %jit3A_1227 : i32 to vector<16xi32>
          %select_n3A_1229 = arith.select %and3A_1224, %broadcast_in_dim3A_1228, %get3A_1226 : vector<16xi1>, vector<16xi32>
          %swap3A_1230 = arith.constant 32 : index
          %swap3A_1231 = tpu.vector_load %arg17[%swap3A_1230] {strides = array<i32>} : memref<128xi32, #tpu.memory_space<vmem>>, vector<16xi32>,
          tpu.vector_store %arg17[%swap3A_1230], %select_n3A_1229 {strides = array<i32>} : memref<128xi32, #tpu.memory_space<vmem>>, vector<16xi32>,
        } else {
        }
        %gt3A_1158 = arith.constant 48 : i32
        %gt3A_1159 = arith.cmpi sgt, %add3A_694, %gt3A_1158 : i32
        %lt3A_1160 = arith.constant 63 : i32
        %lt3A_1161 = arith.cmpi slt, %while3A_1123, %lt3A_1160 : i32
        %and3A_1162 = arith.andi %gt3A_1159, %lt3A_1161 : i1
        %convert_element_type3A_1163 = arith.extui %and3A_1162 : i1 to i32
        %cond3A_1164 = arith.constant 0 : i32
        %cond3A_1165 = arith.cmpi ne, %convert_element_type3A_1163, %cond3A_1164 : i32
        scf.if %cond3A_1165 {
          %get3A_1190 = arith.constant 48 : index
          %get3A_1191 = tpu.vector_load %arg11[%get3A_1190] {strides = array<i32>} : memref<128xf32, #tpu.memory_space<vmem>>, vector<16xf32>,
          %max3A_1192 = arith.maximumf %get3A_1191, %gather3A_1129 : vector<16xf32>
          %get3A_1193 = arith.constant 48 : index
          %get3A_1194 = tpu.vector_load %arg12[%get3A_1193] {strides = array<i32>} : memref<128xf32, #tpu.memory_space<vmem>>, vector<16xf32>,
          %max3A_1195 = arith.maximumf %get3A_1194, %gather3A_1130 : vector<16xf32>
          %get3A_1196 = arith.constant 48 : index
          %get3A_1197 = tpu.vector_load %arg13[%get3A_1196] {strides = array<i32>} : memref<128xf32, #tpu.memory_space<vmem>>, vector<16xf32>,
          %min3A_1198 = arith.minimumf %get3A_1197, %gather3A_1131 : vector<16xf32>
          %get3A_1199 = arith.constant 48 : index
          %get3A_1200 = tpu.vector_load %arg14[%get3A_1199] {strides = array<i32>} : memref<128xf32, #tpu.memory_space<vmem>>, vector<16xf32>,
          %min3A_1201 = arith.minimumf %get3A_1200, %gather3A_1132 : vector<16xf32>
          %sub3A_1202 = arith.subf %min3A_1198, %max3A_1192 : vector<16xf32>
          %max3A_1203 = arith.constant 0.000000e+00 : f32
          %max3A_1204 = vector.broadcast %max3A_1203 : f32 to vector<16xf32>
          %max3A_1205 = arith.maximumf %sub3A_1202, %max3A_1204 : vector<16xf32>
          %sub3A_1206 = arith.subf %min3A_1201, %max3A_1195 : vector<16xf32>
          %max3A_1207 = arith.constant 0.000000e+00 : f32
          %max3A_1208 = vector.broadcast %max3A_1207 : f32 to vector<16xf32>
          %max3A_1209 = arith.maximumf %sub3A_1206, %max3A_1208 : vector<16xf32>
          %mul3A_1210 = arith.mulf %max3A_1205, %max3A_1209 : vector<16xf32>
          %get3A_1211 = arith.constant 48 : index
          %get3A_1212 = tpu.vector_load %arg15[%get3A_1211] {strides = array<i32>} : memref<128xf32, #tpu.memory_space<vmem>>, vector<16xf32>,
          %add3A_1213 = arith.addf %gather3A_1133, %get3A_1212 : vector<16xf32>
          %sub3A_1214 = arith.subf %add3A_1213, %mul3A_1210 : vector<16xf32>
          %max3A_1215 = arith.constant 9.99999971E-10 : f32
          %max3A_1216 = vector.broadcast %max3A_1215 : f32 to vector<16xf32>
          %max3A_1217 = arith.maximumf %sub3A_1214, %max3A_1216 : vector<16xf32>
          %div3A = arith.divf %mul3A_1210, %max3A_1217 : vector<16xf32>
          %gt3A_1218 = arith.constant 5.000000e-01 : f32
          %gt3A_1219 = vector.broadcast %gt3A_1218 : f32 to vector<16xf32>
          %gt3A_1220 = arith.cmpf ogt, %div3A, %gt3A_1219 : vector<16xf32>
          %gt3A_1221 = vector.broadcast %while3A_1123 : i32 to vector<16xi32>
          %gt3A_1222 = arith.cmpi sgt, %add3A_12, %gt3A_1221 : vector<16xi32>
          %and3A_1223 = arith.andi %gt3A_1220, %gt3A_1222 : vector<16xi1>
          %and3A_1224 = arith.andi %and3A_1223, %ne3A_1128 : vector<16xi1>
          %get3A_1225 = arith.constant 48 : index
          %get3A_1226 = tpu.vector_load %arg17[%get3A_1225] {strides = array<i32>} : memref<128xi32, #tpu.memory_space<vmem>>, vector<16xi32>,
          %jit3A_1227 = arith.constant 0 : i32
          %broadcast_in_dim3A_1228 = vector.broadcast %jit3A_1227 : i32 to vector<16xi32>
          %select_n3A_1229 = arith.select %and3A_1224, %broadcast_in_dim3A_1228, %get3A_1226 : vector<16xi1>, vector<16xi32>
          %swap3A_1230 = arith.constant 48 : index
          %swap3A_1231 = tpu.vector_load %arg17[%swap3A_1230] {strides = array<i32>} : memref<128xi32, #tpu.memory_space<vmem>>, vector<16xi32>,
          tpu.vector_store %arg17[%swap3A_1230], %select_n3A_1229 {strides = array<i32>} : memref<128xi32, #tpu.memory_space<vmem>>, vector<16xi32>,
        } else {
        }
        %gt3A_1166 = arith.constant 64 : i32
        %gt3A_1167 = arith.cmpi sgt, %add3A_694, %gt3A_1166 : i32
        %lt3A_1168 = arith.constant 79 : i32
        %lt3A_1169 = arith.cmpi slt, %while3A_1123, %lt3A_1168 : i32
        %and3A_1170 = arith.andi %gt3A_1167, %lt3A_1169 : i1
        %convert_element_type3A_1171 = arith.extui %and3A_1170 : i1 to i32
        %cond3A_1172 = arith.constant 0 : i32
        %cond3A_1173 = arith.cmpi ne, %convert_element_type3A_1171, %cond3A_1172 : i32
        scf.if %cond3A_1173 {
          %get3A_1190 = arith.constant 64 : index
          %get3A_1191 = tpu.vector_load %arg11[%get3A_1190] {strides = array<i32>} : memref<128xf32, #tpu.memory_space<vmem>>, vector<16xf32>,
          %max3A_1192 = arith.maximumf %get3A_1191, %gather3A_1129 : vector<16xf32>
          %get3A_1193 = arith.constant 64 : index
          %get3A_1194 = tpu.vector_load %arg12[%get3A_1193] {strides = array<i32>} : memref<128xf32, #tpu.memory_space<vmem>>, vector<16xf32>,
          %max3A_1195 = arith.maximumf %get3A_1194, %gather3A_1130 : vector<16xf32>
          %get3A_1196 = arith.constant 64 : index
          %get3A_1197 = tpu.vector_load %arg13[%get3A_1196] {strides = array<i32>} : memref<128xf32, #tpu.memory_space<vmem>>, vector<16xf32>,
          %min3A_1198 = arith.minimumf %get3A_1197, %gather3A_1131 : vector<16xf32>
          %get3A_1199 = arith.constant 64 : index
          %get3A_1200 = tpu.vector_load %arg14[%get3A_1199] {strides = array<i32>} : memref<128xf32, #tpu.memory_space<vmem>>, vector<16xf32>,
          %min3A_1201 = arith.minimumf %get3A_1200, %gather3A_1132 : vector<16xf32>
          %sub3A_1202 = arith.subf %min3A_1198, %max3A_1192 : vector<16xf32>
          %max3A_1203 = arith.constant 0.000000e+00 : f32
          %max3A_1204 = vector.broadcast %max3A_1203 : f32 to vector<16xf32>
          %max3A_1205 = arith.maximumf %sub3A_1202, %max3A_1204 : vector<16xf32>
          %sub3A_1206 = arith.subf %min3A_1201, %max3A_1195 : vector<16xf32>
          %max3A_1207 = arith.constant 0.000000e+00 : f32
          %max3A_1208 = vector.broadcast %max3A_1207 : f32 to vector<16xf32>
          %max3A_1209 = arith.maximumf %sub3A_1206, %max3A_1208 : vector<16xf32>
          %mul3A_1210 = arith.mulf %max3A_1205, %max3A_1209 : vector<16xf32>
          %get3A_1211 = arith.constant 64 : index
          %get3A_1212 = tpu.vector_load %arg15[%get3A_1211] {strides = array<i32>} : memref<128xf32, #tpu.memory_space<vmem>>, vector<16xf32>,
          %add3A_1213 = arith.addf %gather3A_1133, %get3A_1212 : vector<16xf32>
          %sub3A_1214 = arith.subf %add3A_1213, %mul3A_1210 : vector<16xf32>
          %max3A_1215 = arith.constant 9.99999971E-10 : f32
          %max3A_1216 = vector.broadcast %max3A_1215 : f32 to vector<16xf32>
          %max3A_1217 = arith.maximumf %sub3A_1214, %max3A_1216 : vector<16xf32>
          %div3A = arith.divf %mul3A_1210, %max3A_1217 : vector<16xf32>
          %gt3A_1218 = arith.constant 5.000000e-01 : f32
          %gt3A_1219 = vector.broadcast %gt3A_1218 : f32 to vector<16xf32>
          %gt3A_1220 = arith.cmpf ogt, %div3A, %gt3A_1219 : vector<16xf32>
          %gt3A_1221 = vector.broadcast %while3A_1123 : i32 to vector<16xi32>
          %gt3A_1222 = arith.cmpi sgt, %add3A_15, %gt3A_1221 : vector<16xi32>
          %and3A_1223 = arith.andi %gt3A_1220, %gt3A_1222 : vector<16xi1>
          %and3A_1224 = arith.andi %and3A_1223, %ne3A_1128 : vector<16xi1>
          %get3A_1225 = arith.constant 64 : index
          %get3A_1226 = tpu.vector_load %arg17[%get3A_1225] {strides = array<i32>} : memref<128xi32, #tpu.memory_space<vmem>>, vector<16xi32>,
          %jit3A_1227 = arith.constant 0 : i32
          %broadcast_in_dim3A_1228 = vector.broadcast %jit3A_1227 : i32 to vector<16xi32>
          %select_n3A_1229 = arith.select %and3A_1224, %broadcast_in_dim3A_1228, %get3A_1226 : vector<16xi1>, vector<16xi32>
          %swap3A_1230 = arith.constant 64 : index
          %swap3A_1231 = tpu.vector_load %arg17[%swap3A_1230] {strides = array<i32>} : memref<128xi32, #tpu.memory_space<vmem>>, vector<16xi32>,
          tpu.vector_store %arg17[%swap3A_1230], %select_n3A_1229 {strides = array<i32>} : memref<128xi32, #tpu.memory_space<vmem>>, vector<16xi32>,
        } else {
        }
        %gt3A_1174 = arith.constant 80 : i32
        %gt3A_1175 = arith.cmpi sgt, %add3A_694, %gt3A_1174 : i32
        %lt3A_1176 = arith.constant 95 : i32
        %lt3A_1177 = arith.cmpi slt, %while3A_1123, %lt3A_1176 : i32
        %and3A_1178 = arith.andi %gt3A_1175, %lt3A_1177 : i1
        %convert_element_type3A_1179 = arith.extui %and3A_1178 : i1 to i32
        %cond3A_1180 = arith.constant 0 : i32
        %cond3A_1181 = arith.cmpi ne, %convert_element_type3A_1179, %cond3A_1180 : i32
        scf.if %cond3A_1181 {
          %get3A_1190 = arith.constant 80 : index
          %get3A_1191 = tpu.vector_load %arg11[%get3A_1190] {strides = array<i32>} : memref<128xf32, #tpu.memory_space<vmem>>, vector<16xf32>,
          %max3A_1192 = arith.maximumf %get3A_1191, %gather3A_1129 : vector<16xf32>
          %get3A_1193 = arith.constant 80 : index
          %get3A_1194 = tpu.vector_load %arg12[%get3A_1193] {strides = array<i32>} : memref<128xf32, #tpu.memory_space<vmem>>, vector<16xf32>,
          %max3A_1195 = arith.maximumf %get3A_1194, %gather3A_1130 : vector<16xf32>
          %get3A_1196 = arith.constant 80 : index
          %get3A_1197 = tpu.vector_load %arg13[%get3A_1196] {strides = array<i32>} : memref<128xf32, #tpu.memory_space<vmem>>, vector<16xf32>,
          %min3A_1198 = arith.minimumf %get3A_1197, %gather3A_1131 : vector<16xf32>
          %get3A_1199 = arith.constant 80 : index
          %get3A_1200 = tpu.vector_load %arg14[%get3A_1199] {strides = array<i32>} : memref<128xf32, #tpu.memory_space<vmem>>, vector<16xf32>,
          %min3A_1201 = arith.minimumf %get3A_1200, %gather3A_1132 : vector<16xf32>
          %sub3A_1202 = arith.subf %min3A_1198, %max3A_1192 : vector<16xf32>
          %max3A_1203 = arith.constant 0.000000e+00 : f32
          %max3A_1204 = vector.broadcast %max3A_1203 : f32 to vector<16xf32>
          %max3A_1205 = arith.maximumf %sub3A_1202, %max3A_1204 : vector<16xf32>
          %sub3A_1206 = arith.subf %min3A_1201, %max3A_1195 : vector<16xf32>
          %max3A_1207 = arith.constant 0.000000e+00 : f32
          %max3A_1208 = vector.broadcast %max3A_1207 : f32 to vector<16xf32>
          %max3A_1209 = arith.maximumf %sub3A_1206, %max3A_1208 : vector<16xf32>
          %mul3A_1210 = arith.mulf %max3A_1205, %max3A_1209 : vector<16xf32>
          %get3A_1211 = arith.constant 80 : index
          %get3A_1212 = tpu.vector_load %arg15[%get3A_1211] {strides = array<i32>} : memref<128xf32, #tpu.memory_space<vmem>>, vector<16xf32>,
          %add3A_1213 = arith.addf %gather3A_1133, %get3A_1212 : vector<16xf32>
          %sub3A_1214 = arith.subf %add3A_1213, %mul3A_1210 : vector<16xf32>
          %max3A_1215 = arith.constant 9.99999971E-10 : f32
          %max3A_1216 = vector.broadcast %max3A_1215 : f32 to vector<16xf32>
          %max3A_1217 = arith.maximumf %sub3A_1214, %max3A_1216 : vector<16xf32>
          %div3A = arith.divf %mul3A_1210, %max3A_1217 : vector<16xf32>
          %gt3A_1218 = arith.constant 5.000000e-01 : f32
          %gt3A_1219 = vector.broadcast %gt3A_1218 : f32 to vector<16xf32>
          %gt3A_1220 = arith.cmpf ogt, %div3A, %gt3A_1219 : vector<16xf32>
          %gt3A_1221 = vector.broadcast %while3A_1123 : i32 to vector<16xi32>
          %gt3A_1222 = arith.cmpi sgt, %add3A_18, %gt3A_1221 : vector<16xi32>
          %and3A_1223 = arith.andi %gt3A_1220, %gt3A_1222 : vector<16xi1>
          %and3A_1224 = arith.andi %and3A_1223, %ne3A_1128 : vector<16xi1>
          %get3A_1225 = arith.constant 80 : index
          %get3A_1226 = tpu.vector_load %arg17[%get3A_1225] {strides = array<i32>} : memref<128xi32, #tpu.memory_space<vmem>>, vector<16xi32>,
          %jit3A_1227 = arith.constant 0 : i32
          %broadcast_in_dim3A_1228 = vector.broadcast %jit3A_1227 : i32 to vector<16xi32>
          %select_n3A_1229 = arith.select %and3A_1224, %broadcast_in_dim3A_1228, %get3A_1226 : vector<16xi1>, vector<16xi32>
          %swap3A_1230 = arith.constant 80 : index
          %swap3A_1231 = tpu.vector_load %arg17[%swap3A_1230] {strides = array<i32>} : memref<128xi32, #tpu.memory_space<vmem>>, vector<16xi32>,
          tpu.vector_store %arg17[%swap3A_1230], %select_n3A_1229 {strides = array<i32>} : memref<128xi32, #tpu.memory_space<vmem>>, vector<16xi32>,
        } else {
        }
        %gt3A_1182 = arith.constant 96 : i32
        %gt3A_1183 = arith.cmpi sgt, %add3A_694, %gt3A_1182 : i32
        %lt3A_1184 = arith.constant 111 : i32
        %lt3A_1185 = arith.cmpi slt, %while3A_1123, %lt3A_1184 : i32
        %and3A_1186 = arith.andi %gt3A_1183, %lt3A_1185 : i1
        %convert_element_type3A_1187 = arith.extui %and3A_1186 : i1 to i32
        %cond3A_1188 = arith.constant 0 : i32
        %cond3A_1189 = arith.cmpi ne, %convert_element_type3A_1187, %cond3A_1188 : i32
        scf.if %cond3A_1189 {
          %get3A_1190 = arith.constant 96 : index
          %get3A_1191 = tpu.vector_load %arg11[%get3A_1190] {strides = array<i32>} : memref<128xf32, #tpu.memory_space<vmem>>, vector<16xf32>,
          %max3A_1192 = arith.maximumf %get3A_1191, %gather3A_1129 : vector<16xf32>
          %get3A_1193 = arith.constant 96 : index
          %get3A_1194 = tpu.vector_load %arg12[%get3A_1193] {strides = array<i32>} : memref<128xf32, #tpu.memory_space<vmem>>, vector<16xf32>,
          %max3A_1195 = arith.maximumf %get3A_1194, %gather3A_1130 : vector<16xf32>
          %get3A_1196 = arith.constant 96 : index
          %get3A_1197 = tpu.vector_load %arg13[%get3A_1196] {strides = array<i32>} : memref<128xf32, #tpu.memory_space<vmem>>, vector<16xf32>,
          %min3A_1198 = arith.minimumf %get3A_1197, %gather3A_1131 : vector<16xf32>
          %get3A_1199 = arith.constant 96 : index
          %get3A_1200 = tpu.vector_load %arg14[%get3A_1199] {strides = array<i32>} : memref<128xf32, #tpu.memory_space<vmem>>, vector<16xf32>,
          %min3A_1201 = arith.minimumf %get3A_1200, %gather3A_1132 : vector<16xf32>
          %sub3A_1202 = arith.subf %min3A_1198, %max3A_1192 : vector<16xf32>
          %max3A_1203 = arith.constant 0.000000e+00 : f32
          %max3A_1204 = vector.broadcast %max3A_1203 : f32 to vector<16xf32>
          %max3A_1205 = arith.maximumf %sub3A_1202, %max3A_1204 : vector<16xf32>
          %sub3A_1206 = arith.subf %min3A_1201, %max3A_1195 : vector<16xf32>
          %max3A_1207 = arith.constant 0.000000e+00 : f32
          %max3A_1208 = vector.broadcast %max3A_1207 : f32 to vector<16xf32>
          %max3A_1209 = arith.maximumf %sub3A_1206, %max3A_1208 : vector<16xf32>
          %mul3A_1210 = arith.mulf %max3A_1205, %max3A_1209 : vector<16xf32>
          %get3A_1211 = arith.constant 96 : index
          %get3A_1212 = tpu.vector_load %arg15[%get3A_1211] {strides = array<i32>} : memref<128xf32, #tpu.memory_space<vmem>>, vector<16xf32>,
          %add3A_1213 = arith.addf %gather3A_1133, %get3A_1212 : vector<16xf32>
          %sub3A_1214 = arith.subf %add3A_1213, %mul3A_1210 : vector<16xf32>
          %max3A_1215 = arith.constant 9.99999971E-10 : f32
          %max3A_1216 = vector.broadcast %max3A_1215 : f32 to vector<16xf32>
          %max3A_1217 = arith.maximumf %sub3A_1214, %max3A_1216 : vector<16xf32>
          %div3A = arith.divf %mul3A_1210, %max3A_1217 : vector<16xf32>
          %gt3A_1218 = arith.constant 5.000000e-01 : f32
          %gt3A_1219 = vector.broadcast %gt3A_1218 : f32 to vector<16xf32>
          %gt3A_1220 = arith.cmpf ogt, %div3A, %gt3A_1219 : vector<16xf32>
          %gt3A_1221 = vector.broadcast %while3A_1123 : i32 to vector<16xi32>
          %gt3A_1222 = arith.cmpi sgt, %add3A_21, %gt3A_1221 : vector<16xi32>
          %and3A_1223 = arith.andi %gt3A_1220, %gt3A_1222 : vector<16xi1>
          %and3A_1224 = arith.andi %and3A_1223, %ne3A_1128 : vector<16xi1>
          %get3A_1225 = arith.constant 96 : index
          %get3A_1226 = tpu.vector_load %arg17[%get3A_1225] {strides = array<i32>} : memref<128xi32, #tpu.memory_space<vmem>>, vector<16xi32>,
          %jit3A_1227 = arith.constant 0 : i32
          %broadcast_in_dim3A_1228 = vector.broadcast %jit3A_1227 : i32 to vector<16xi32>
          %select_n3A_1229 = arith.select %and3A_1224, %broadcast_in_dim3A_1228, %get3A_1226 : vector<16xi1>, vector<16xi32>
          %swap3A_1230 = arith.constant 96 : index
          %swap3A_1231 = tpu.vector_load %arg17[%swap3A_1230] {strides = array<i32>} : memref<128xi32, #tpu.memory_space<vmem>>, vector<16xi32>,
          tpu.vector_store %arg17[%swap3A_1230], %select_n3A_1229 {strides = array<i32>} : memref<128xi32, #tpu.memory_space<vmem>>, vector<16xi32>,
        } else {
        }
      }
      %gt3A_720 = arith.constant 0 : i32
      %gt3A_721 = arith.cmpi sgt, %add3A_694, %gt3A_720 : i32
      %convert_element_type3A_722 = arith.extui %gt3A_721 : i1 to i32
      %cond3A_723 = arith.constant 0 : i32
      %cond3A_724 = arith.cmpi ne, %convert_element_type3A_722, %cond3A_723 : i32
      scf.if %cond3A_724 {
        %get3A_1123 = arith.constant 0 : index
        %get3A_1124 = tpu.vector_load %arg16[%get3A_1123] {strides = array<i32>} : memref<128xi32, #tpu.memory_space<vmem>>, vector<16xi32>,
        %get3A_1125 = arith.constant 0 : index
        %get3A_1126 = tpu.vector_load %arg17[%get3A_1125] {strides = array<i32>} : memref<128xi32, #tpu.memory_space<vmem>>, vector<16xi32>,
        %lt3A_1127 = vector.broadcast %add3A_694 : i32 to vector<16xi32>
        %lt3A_1128 = arith.cmpi slt, %add3A_3, %lt3A_1127 : vector<16xi32>
        tpu.vector_store_idx %arg10[%get3A_1124], %get3A_1126 masked %lt3A_1128 : memref<112xi32, #tpu.memory_space<vmem>>[vector<16xi32>], vector<16xi32>, vector<16xi1>
      } else {
      }
      %gt3A_725 = arith.constant 16 : i32
      %gt3A_726 = arith.cmpi sgt, %add3A_694, %gt3A_725 : i32
      %convert_element_type3A_727 = arith.extui %gt3A_726 : i1 to i32
      %cond3A_728 = arith.constant 0 : i32
      %cond3A_729 = arith.cmpi ne, %convert_element_type3A_727, %cond3A_728 : i32
      scf.if %cond3A_729 {
        %get3A_1123 = arith.constant 16 : index
        %get3A_1124 = tpu.vector_load %arg16[%get3A_1123] {strides = array<i32>} : memref<128xi32, #tpu.memory_space<vmem>>, vector<16xi32>,
        %get3A_1125 = arith.constant 16 : index
        %get3A_1126 = tpu.vector_load %arg17[%get3A_1125] {strides = array<i32>} : memref<128xi32, #tpu.memory_space<vmem>>, vector<16xi32>,
        %lt3A_1127 = vector.broadcast %add3A_694 : i32 to vector<16xi32>
        %lt3A_1128 = arith.cmpi slt, %add3A_6, %lt3A_1127 : vector<16xi32>
        tpu.vector_store_idx %arg10[%get3A_1124], %get3A_1126 masked %lt3A_1128 : memref<112xi32, #tpu.memory_space<vmem>>[vector<16xi32>], vector<16xi32>, vector<16xi1>
      } else {
      }
      %gt3A_730 = arith.constant 32 : i32
      %gt3A_731 = arith.cmpi sgt, %add3A_694, %gt3A_730 : i32
      %convert_element_type3A_732 = arith.extui %gt3A_731 : i1 to i32
      %cond3A_733 = arith.constant 0 : i32
      %cond3A_734 = arith.cmpi ne, %convert_element_type3A_732, %cond3A_733 : i32
      scf.if %cond3A_734 {
        %get3A_1123 = arith.constant 32 : index
        %get3A_1124 = tpu.vector_load %arg16[%get3A_1123] {strides = array<i32>} : memref<128xi32, #tpu.memory_space<vmem>>, vector<16xi32>,
        %get3A_1125 = arith.constant 32 : index
        %get3A_1126 = tpu.vector_load %arg17[%get3A_1125] {strides = array<i32>} : memref<128xi32, #tpu.memory_space<vmem>>, vector<16xi32>,
        %lt3A_1127 = vector.broadcast %add3A_694 : i32 to vector<16xi32>
        %lt3A_1128 = arith.cmpi slt, %add3A_9, %lt3A_1127 : vector<16xi32>
        tpu.vector_store_idx %arg10[%get3A_1124], %get3A_1126 masked %lt3A_1128 : memref<112xi32, #tpu.memory_space<vmem>>[vector<16xi32>], vector<16xi32>, vector<16xi1>
      } else {
      }
      %gt3A_735 = arith.constant 48 : i32
      %gt3A_736 = arith.cmpi sgt, %add3A_694, %gt3A_735 : i32
      %convert_element_type3A_737 = arith.extui %gt3A_736 : i1 to i32
      %cond3A_738 = arith.constant 0 : i32
      %cond3A_739 = arith.cmpi ne, %convert_element_type3A_737, %cond3A_738 : i32
      scf.if %cond3A_739 {
        %get3A_1123 = arith.constant 48 : index
        %get3A_1124 = tpu.vector_load %arg16[%get3A_1123] {strides = array<i32>} : memref<128xi32, #tpu.memory_space<vmem>>, vector<16xi32>,
        %get3A_1125 = arith.constant 48 : index
        %get3A_1126 = tpu.vector_load %arg17[%get3A_1125] {strides = array<i32>} : memref<128xi32, #tpu.memory_space<vmem>>, vector<16xi32>,
        %lt3A_1127 = vector.broadcast %add3A_694 : i32 to vector<16xi32>
        %lt3A_1128 = arith.cmpi slt, %add3A_12, %lt3A_1127 : vector<16xi32>
        tpu.vector_store_idx %arg10[%get3A_1124], %get3A_1126 masked %lt3A_1128 : memref<112xi32, #tpu.memory_space<vmem>>[vector<16xi32>], vector<16xi32>, vector<16xi1>
      } else {
      }
      %gt3A_740 = arith.constant 64 : i32
      %gt3A_741 = arith.cmpi sgt, %add3A_694, %gt3A_740 : i32
      %convert_element_type3A_742 = arith.extui %gt3A_741 : i1 to i32
      %cond3A_743 = arith.constant 0 : i32
      %cond3A_744 = arith.cmpi ne, %convert_element_type3A_742, %cond3A_743 : i32
      scf.if %cond3A_744 {
        %get3A_1123 = arith.constant 64 : index
        %get3A_1124 = tpu.vector_load %arg16[%get3A_1123] {strides = array<i32>} : memref<128xi32, #tpu.memory_space<vmem>>, vector<16xi32>,
        %get3A_1125 = arith.constant 64 : index
        %get3A_1126 = tpu.vector_load %arg17[%get3A_1125] {strides = array<i32>} : memref<128xi32, #tpu.memory_space<vmem>>, vector<16xi32>,
        %lt3A_1127 = vector.broadcast %add3A_694 : i32 to vector<16xi32>
        %lt3A_1128 = arith.cmpi slt, %add3A_15, %lt3A_1127 : vector<16xi32>
        tpu.vector_store_idx %arg10[%get3A_1124], %get3A_1126 masked %lt3A_1128 : memref<112xi32, #tpu.memory_space<vmem>>[vector<16xi32>], vector<16xi32>, vector<16xi1>
      } else {
      }
      %gt3A_745 = arith.constant 80 : i32
      %gt3A_746 = arith.cmpi sgt, %add3A_694, %gt3A_745 : i32
      %convert_element_type3A_747 = arith.extui %gt3A_746 : i1 to i32
      %cond3A_748 = arith.constant 0 : i32
      %cond3A_749 = arith.cmpi ne, %convert_element_type3A_747, %cond3A_748 : i32
      scf.if %cond3A_749 {
        %get3A_1123 = arith.constant 80 : index
        %get3A_1124 = tpu.vector_load %arg16[%get3A_1123] {strides = array<i32>} : memref<128xi32, #tpu.memory_space<vmem>>, vector<16xi32>,
        %get3A_1125 = arith.constant 80 : index
        %get3A_1126 = tpu.vector_load %arg17[%get3A_1125] {strides = array<i32>} : memref<128xi32, #tpu.memory_space<vmem>>, vector<16xi32>,
        %lt3A_1127 = vector.broadcast %add3A_694 : i32 to vector<16xi32>
        %lt3A_1128 = arith.cmpi slt, %add3A_18, %lt3A_1127 : vector<16xi32>
        tpu.vector_store_idx %arg10[%get3A_1124], %get3A_1126 masked %lt3A_1128 : memref<112xi32, #tpu.memory_space<vmem>>[vector<16xi32>], vector<16xi32>, vector<16xi1>
      } else {
      }
      %gt3A_750 = arith.constant 96 : i32
      %gt3A_751 = arith.cmpi sgt, %add3A_694, %gt3A_750 : i32
      %convert_element_type3A_752 = arith.extui %gt3A_751 : i1 to i32
      %cond3A_753 = arith.constant 0 : i32
      %cond3A_754 = arith.cmpi ne, %convert_element_type3A_752, %cond3A_753 : i32
      scf.if %cond3A_754 {
        %get3A_1123 = arith.constant 96 : index
        %get3A_1124 = tpu.vector_load %arg16[%get3A_1123] {strides = array<i32>} : memref<128xi32, #tpu.memory_space<vmem>>, vector<16xi32>,
        %get3A_1125 = arith.constant 96 : index
        %get3A_1126 = tpu.vector_load %arg17[%get3A_1125] {strides = array<i32>} : memref<128xi32, #tpu.memory_space<vmem>>, vector<16xi32>,
        %lt3A_1127 = vector.broadcast %add3A_694 : i32 to vector<16xi32>
        %lt3A_1128 = arith.cmpi slt, %add3A_21, %lt3A_1127 : vector<16xi32>
        tpu.vector_store_idx %arg10[%get3A_1124], %get3A_1126 masked %lt3A_1128 : memref<112xi32, #tpu.memory_space<vmem>>[vector<16xi32>], vector<16xi32>, vector<16xi1>
      } else {
      }
      %get3A_755 = arith.constant 0 : index
      %get3A_756 = tpu.vector_load %arg10[%get3A_755] {strides = array<i32>} : memref<112xi32, #tpu.memory_space<vmem>>, vector<16xi32>,
      %lt3A_757 = arith.constant 100 : i32
      %lt3A_758 = vector.broadcast %lt3A_757 : i32 to vector<16xi32>
      %lt3A_759 = arith.cmpi slt, %add3A_3, %lt3A_758 : vector<16xi32>
      %convert_element_type3A_760 = arith.extui %lt3A_759 : vector<16xi1> to vector<16xi32>
      %mul3A_761 = arith.muli %get3A_756, %convert_element_type3A_760 : vector<16xi32>
      %reduce_sum3A_762 = arith.constant true
      %reduce_sum3A_763 = vector.broadcast %reduce_sum3A_762 : i1 to vector<16xi1>
      %reduce_sum3A_764 = tpu.scan <sum>, %mul3A_761 masked %reduce_sum3A_763 : vector<16xi32>, vector<16xi1> -> vector<16xi32>
      %reduce_sum3A_765 = vector.extract %reduce_sum3A_764[15] : i32 from vector<16xi32>
      %add3A_766 = arith.constant 0 : i32
      %add3A_767 = arith.addi %add3A_766, %reduce_sum3A_765 : i32
      %convert_element_type3A_768 = arith.sitofp %get3A_756 : vector<16xi32> to vector<16xf32>
      %get3A_769 = arith.constant 0 : index
      %get3A_770 = tpu.vector_load %arg8[%get3A_769] {strides = array<i32>} : memref<560xf32, #tpu.memory_space<vmem>>, vector<16xf32>,
      %mul3A_771 = arith.mulf %get3A_770, %convert_element_type3A_768 : vector<16xf32>
      %swap3A_772 = arith.constant 0 : index
      %swap3A_773 = tpu.vector_load %arg18[%swap3A_772] {strides = array<i32>} : memref<112xf32, #tpu.memory_space<vmem>>, vector<16xf32>,
      tpu.vector_store %arg18[%swap3A_772], %mul3A_771 {strides = array<i32>} : memref<112xf32, #tpu.memory_space<vmem>>, vector<16xf32>,
      %min3A_774 = arith.constant 99 : i32
      %min3A_775 = vector.broadcast %min3A_774 : i32 to vector<16xi32>
      %min3A_776 = arith.minsi %add3A_3, %min3A_775 : vector<16xi32>
      %mul3A_777 = arith.constant 4 : i32
      %mul3A_778 = vector.broadcast %mul3A_777 : i32 to vector<16xi32>
      %mul3A_779 = arith.muli %min3A_776, %mul3A_778 : vector<16xi32>
      %lt3A_780 = arith.constant 100 : i32
      %lt3A_781 = vector.broadcast %lt3A_780 : i32 to vector<16xi32>
      %lt3A_782 = arith.cmpi slt, %add3A_3, %lt3A_781 : vector<16xi32>
      %get3A_783 = arith.constant 112 : index
      %get3A_784 = tpu.vector_load %arg8[%get3A_783] {strides = array<i32>} : memref<560xf32, #tpu.memory_space<vmem>>, vector<16xf32>,
      %mul3A_785 = arith.mulf %get3A_784, %convert_element_type3A_768 : vector<16xf32>
      %add3A_786 = arith.constant 0 : i32
      %add3A_787 = vector.broadcast %add3A_786 : i32 to vector<16xi32>
      %add3A_788 = arith.addi %mul3A_779, %add3A_787 : vector<16xi32>
      tpu.vector_store_idx %arg19[%add3A_788], %mul3A_785 masked %lt3A_782 : memref<400xf32, #tpu.memory_space<vmem>>[vector<16xi32>], vector<16xf32>, vector<16xi1>
      %get3A_789 = arith.constant 224 : index
      %get3A_790 = tpu.vector_load %arg8[%get3A_789] {strides = array<i32>} : memref<560xf32, #tpu.memory_space<vmem>>, vector<16xf32>,
      %mul3A_791 = arith.mulf %get3A_790, %convert_element_type3A_768 : vector<16xf32>
      %add3A_792 = arith.constant 1 : i32
      %add3A_793 = vector.broadcast %add3A_792 : i32 to vector<16xi32>
      %add3A_794 = arith.addi %mul3A_779, %add3A_793 : vector<16xi32>
      tpu.vector_store_idx %arg19[%add3A_794], %mul3A_791 masked %lt3A_782 : memref<400xf32, #tpu.memory_space<vmem>>[vector<16xi32>], vector<16xf32>, vector<16xi1>
      %get3A_795 = arith.constant 336 : index
      %get3A_796 = tpu.vector_load %arg8[%get3A_795] {strides = array<i32>} : memref<560xf32, #tpu.memory_space<vmem>>, vector<16xf32>,
      %mul3A_797 = arith.mulf %get3A_796, %convert_element_type3A_768 : vector<16xf32>
      %add3A_798 = arith.constant 2 : i32
      %add3A_799 = vector.broadcast %add3A_798 : i32 to vector<16xi32>
      %add3A_800 = arith.addi %mul3A_779, %add3A_799 : vector<16xi32>
      tpu.vector_store_idx %arg19[%add3A_800], %mul3A_797 masked %lt3A_782 : memref<400xf32, #tpu.memory_space<vmem>>[vector<16xi32>], vector<16xf32>, vector<16xi1>
      %get3A_801 = arith.constant 448 : index
      %get3A_802 = tpu.vector_load %arg8[%get3A_801] {strides = array<i32>} : memref<560xf32, #tpu.memory_space<vmem>>, vector<16xf32>,
      %mul3A_803 = arith.mulf %get3A_802, %convert_element_type3A_768 : vector<16xf32>
      %add3A_804 = arith.constant 3 : i32
      %add3A_805 = vector.broadcast %add3A_804 : i32 to vector<16xi32>
      %add3A_806 = arith.addi %mul3A_779, %add3A_805 : vector<16xi32>
      tpu.vector_store_idx %arg19[%add3A_806], %mul3A_803 masked %lt3A_782 : memref<400xf32, #tpu.memory_space<vmem>>[vector<16xi32>], vector<16xf32>, vector<16xi1>
      %get3A_807 = arith.constant 16 : index
      %get3A_808 = tpu.vector_load %arg10[%get3A_807] {strides = array<i32>} : memref<112xi32, #tpu.memory_space<vmem>>, vector<16xi32>,
      %lt3A_809 = arith.constant 100 : i32
      %lt3A_810 = vector.broadcast %lt3A_809 : i32 to vector<16xi32>
      %lt3A_811 = arith.cmpi slt, %add3A_6, %lt3A_810 : vector<16xi32>
      %convert_element_type3A_812 = arith.extui %lt3A_811 : vector<16xi1> to vector<16xi32>
      %mul3A_813 = arith.muli %get3A_808, %convert_element_type3A_812 : vector<16xi32>
      %reduce_sum3A_814 = arith.constant true
      %reduce_sum3A_815 = vector.broadcast %reduce_sum3A_814 : i1 to vector<16xi1>
      %reduce_sum3A_816 = tpu.scan <sum>, %mul3A_813 masked %reduce_sum3A_815 : vector<16xi32>, vector<16xi1> -> vector<16xi32>
      %reduce_sum3A_817 = vector.extract %reduce_sum3A_816[15] : i32 from vector<16xi32>
      %add3A_818 = arith.addi %add3A_767, %reduce_sum3A_817 : i32
      %convert_element_type3A_819 = arith.sitofp %get3A_808 : vector<16xi32> to vector<16xf32>
      %get3A_820 = arith.constant 16 : index
      %get3A_821 = tpu.vector_load %arg8[%get3A_820] {strides = array<i32>} : memref<560xf32, #tpu.memory_space<vmem>>, vector<16xf32>,
      %mul3A_822 = arith.mulf %get3A_821, %convert_element_type3A_819 : vector<16xf32>
      %swap3A_823 = arith.constant 16 : index
      %swap3A_824 = tpu.vector_load %arg18[%swap3A_823] {strides = array<i32>} : memref<112xf32, #tpu.memory_space<vmem>>, vector<16xf32>,
      tpu.vector_store %arg18[%swap3A_823], %mul3A_822 {strides = array<i32>} : memref<112xf32, #tpu.memory_space<vmem>>, vector<16xf32>,
      %min3A_825 = arith.constant 99 : i32
      %min3A_826 = vector.broadcast %min3A_825 : i32 to vector<16xi32>
      %min3A_827 = arith.minsi %add3A_6, %min3A_826 : vector<16xi32>
      %mul3A_828 = arith.constant 4 : i32
      %mul3A_829 = vector.broadcast %mul3A_828 : i32 to vector<16xi32>
      %mul3A_830 = arith.muli %min3A_827, %mul3A_829 : vector<16xi32>
      %lt3A_831 = arith.constant 100 : i32
      %lt3A_832 = vector.broadcast %lt3A_831 : i32 to vector<16xi32>
      %lt3A_833 = arith.cmpi slt, %add3A_6, %lt3A_832 : vector<16xi32>
      %get3A_834 = arith.constant 128 : index
      %get3A_835 = tpu.vector_load %arg8[%get3A_834] {strides = array<i32>} : memref<560xf32, #tpu.memory_space<vmem>>, vector<16xf32>,
      %mul3A_836 = arith.mulf %get3A_835, %convert_element_type3A_819 : vector<16xf32>
      %add3A_837 = arith.constant 0 : i32
      %add3A_838 = vector.broadcast %add3A_837 : i32 to vector<16xi32>
      %add3A_839 = arith.addi %mul3A_830, %add3A_838 : vector<16xi32>
      tpu.vector_store_idx %arg19[%add3A_839], %mul3A_836 masked %lt3A_833 : memref<400xf32, #tpu.memory_space<vmem>>[vector<16xi32>], vector<16xf32>, vector<16xi1>
      %get3A_840 = arith.constant 240 : index
      %get3A_841 = tpu.vector_load %arg8[%get3A_840] {strides = array<i32>} : memref<560xf32, #tpu.memory_space<vmem>>, vector<16xf32>,
      %mul3A_842 = arith.mulf %get3A_841, %convert_element_type3A_819 : vector<16xf32>
      %add3A_843 = arith.constant 1 : i32
      %add3A_844 = vector.broadcast %add3A_843 : i32 to vector<16xi32>
      %add3A_845 = arith.addi %mul3A_830, %add3A_844 : vector<16xi32>
      tpu.vector_store_idx %arg19[%add3A_845], %mul3A_842 masked %lt3A_833 : memref<400xf32, #tpu.memory_space<vmem>>[vector<16xi32>], vector<16xf32>, vector<16xi1>
      %get3A_846 = arith.constant 352 : index
      %get3A_847 = tpu.vector_load %arg8[%get3A_846] {strides = array<i32>} : memref<560xf32, #tpu.memory_space<vmem>>, vector<16xf32>,
      %mul3A_848 = arith.mulf %get3A_847, %convert_element_type3A_819 : vector<16xf32>
      %add3A_849 = arith.constant 2 : i32
      %add3A_850 = vector.broadcast %add3A_849 : i32 to vector<16xi32>
      %add3A_851 = arith.addi %mul3A_830, %add3A_850 : vector<16xi32>
      tpu.vector_store_idx %arg19[%add3A_851], %mul3A_848 masked %lt3A_833 : memref<400xf32, #tpu.memory_space<vmem>>[vector<16xi32>], vector<16xf32>, vector<16xi1>
      %get3A_852 = arith.constant 464 : index
      %get3A_853 = tpu.vector_load %arg8[%get3A_852] {strides = array<i32>} : memref<560xf32, #tpu.memory_space<vmem>>, vector<16xf32>,
      %mul3A_854 = arith.mulf %get3A_853, %convert_element_type3A_819 : vector<16xf32>
      %add3A_855 = arith.constant 3 : i32
      %add3A_856 = vector.broadcast %add3A_855 : i32 to vector<16xi32>
      %add3A_857 = arith.addi %mul3A_830, %add3A_856 : vector<16xi32>
      tpu.vector_store_idx %arg19[%add3A_857], %mul3A_854 masked %lt3A_833 : memref<400xf32, #tpu.memory_space<vmem>>[vector<16xi32>], vector<16xf32>, vector<16xi1>
      %get3A_858 = arith.constant 32 : index
      %get3A_859 = tpu.vector_load %arg10[%get3A_858] {strides = array<i32>} : memref<112xi32, #tpu.memory_space<vmem>>, vector<16xi32>,
      %lt3A_860 = arith.constant 100 : i32
      %lt3A_861 = vector.broadcast %lt3A_860 : i32 to vector<16xi32>
      %lt3A_862 = arith.cmpi slt, %add3A_9, %lt3A_861 : vector<16xi32>
      %convert_element_type3A_863 = arith.extui %lt3A_862 : vector<16xi1> to vector<16xi32>
      %mul3A_864 = arith.muli %get3A_859, %convert_element_type3A_863 : vector<16xi32>
      %reduce_sum3A_865 = arith.constant true
      %reduce_sum3A_866 = vector.broadcast %reduce_sum3A_865 : i1 to vector<16xi1>
      %reduce_sum3A_867 = tpu.scan <sum>, %mul3A_864 masked %reduce_sum3A_866 : vector<16xi32>, vector<16xi1> -> vector<16xi32>
      %reduce_sum3A_868 = vector.extract %reduce_sum3A_867[15] : i32 from vector<16xi32>
      %add3A_869 = arith.addi %add3A_818, %reduce_sum3A_868 : i32
      %convert_element_type3A_870 = arith.sitofp %get3A_859 : vector<16xi32> to vector<16xf32>
      %get3A_871 = arith.constant 32 : index
      %get3A_872 = tpu.vector_load %arg8[%get3A_871] {strides = array<i32>} : memref<560xf32, #tpu.memory_space<vmem>>, vector<16xf32>,
      %mul3A_873 = arith.mulf %get3A_872, %convert_element_type3A_870 : vector<16xf32>
      %swap3A_874 = arith.constant 32 : index
      %swap3A_875 = tpu.vector_load %arg18[%swap3A_874] {strides = array<i32>} : memref<112xf32, #tpu.memory_space<vmem>>, vector<16xf32>,
      tpu.vector_store %arg18[%swap3A_874], %mul3A_873 {strides = array<i32>} : memref<112xf32, #tpu.memory_space<vmem>>, vector<16xf32>,
      %min3A_876 = arith.constant 99 : i32
      %min3A_877 = vector.broadcast %min3A_876 : i32 to vector<16xi32>
      %min3A_878 = arith.minsi %add3A_9, %min3A_877 : vector<16xi32>
      %mul3A_879 = arith.constant 4 : i32
      %mul3A_880 = vector.broadcast %mul3A_879 : i32 to vector<16xi32>
      %mul3A_881 = arith.muli %min3A_878, %mul3A_880 : vector<16xi32>
      %lt3A_882 = arith.constant 100 : i32
      %lt3A_883 = vector.broadcast %lt3A_882 : i32 to vector<16xi32>
      %lt3A_884 = arith.cmpi slt, %add3A_9, %lt3A_883 : vector<16xi32>
      %get3A_885 = arith.constant 144 : index
      %get3A_886 = tpu.vector_load %arg8[%get3A_885] {strides = array<i32>} : memref<560xf32, #tpu.memory_space<vmem>>, vector<16xf32>,
      %mul3A_887 = arith.mulf %get3A_886, %convert_element_type3A_870 : vector<16xf32>
      %add3A_888 = arith.constant 0 : i32
      %add3A_889 = vector.broadcast %add3A_888 : i32 to vector<16xi32>
      %add3A_890 = arith.addi %mul3A_881, %add3A_889 : vector<16xi32>
      tpu.vector_store_idx %arg19[%add3A_890], %mul3A_887 masked %lt3A_884 : memref<400xf32, #tpu.memory_space<vmem>>[vector<16xi32>], vector<16xf32>, vector<16xi1>
      %get3A_891 = arith.constant 256 : index
      %get3A_892 = tpu.vector_load %arg8[%get3A_891] {strides = array<i32>} : memref<560xf32, #tpu.memory_space<vmem>>, vector<16xf32>,
      %mul3A_893 = arith.mulf %get3A_892, %convert_element_type3A_870 : vector<16xf32>
      %add3A_894 = arith.constant 1 : i32
      %add3A_895 = vector.broadcast %add3A_894 : i32 to vector<16xi32>
      %add3A_896 = arith.addi %mul3A_881, %add3A_895 : vector<16xi32>
      tpu.vector_store_idx %arg19[%add3A_896], %mul3A_893 masked %lt3A_884 : memref<400xf32, #tpu.memory_space<vmem>>[vector<16xi32>], vector<16xf32>, vector<16xi1>
      %get3A_897 = arith.constant 368 : index
      %get3A_898 = tpu.vector_load %arg8[%get3A_897] {strides = array<i32>} : memref<560xf32, #tpu.memory_space<vmem>>, vector<16xf32>,
      %mul3A_899 = arith.mulf %get3A_898, %convert_element_type3A_870 : vector<16xf32>
      %add3A_900 = arith.constant 2 : i32
      %add3A_901 = vector.broadcast %add3A_900 : i32 to vector<16xi32>
      %add3A_902 = arith.addi %mul3A_881, %add3A_901 : vector<16xi32>
      tpu.vector_store_idx %arg19[%add3A_902], %mul3A_899 masked %lt3A_884 : memref<400xf32, #tpu.memory_space<vmem>>[vector<16xi32>], vector<16xf32>, vector<16xi1>
      %get3A_903 = arith.constant 480 : index
      %get3A_904 = tpu.vector_load %arg8[%get3A_903] {strides = array<i32>} : memref<560xf32, #tpu.memory_space<vmem>>, vector<16xf32>,
      %mul3A_905 = arith.mulf %get3A_904, %convert_element_type3A_870 : vector<16xf32>
      %add3A_906 = arith.constant 3 : i32
      %add3A_907 = vector.broadcast %add3A_906 : i32 to vector<16xi32>
      %add3A_908 = arith.addi %mul3A_881, %add3A_907 : vector<16xi32>
      tpu.vector_store_idx %arg19[%add3A_908], %mul3A_905 masked %lt3A_884 : memref<400xf32, #tpu.memory_space<vmem>>[vector<16xi32>], vector<16xf32>, vector<16xi1>
      %get3A_909 = arith.constant 48 : index
      %get3A_910 = tpu.vector_load %arg10[%get3A_909] {strides = array<i32>} : memref<112xi32, #tpu.memory_space<vmem>>, vector<16xi32>,
      %lt3A_911 = arith.constant 100 : i32
      %lt3A_912 = vector.broadcast %lt3A_911 : i32 to vector<16xi32>
      %lt3A_913 = arith.cmpi slt, %add3A_12, %lt3A_912 : vector<16xi32>
      %convert_element_type3A_914 = arith.extui %lt3A_913 : vector<16xi1> to vector<16xi32>
      %mul3A_915 = arith.muli %get3A_910, %convert_element_type3A_914 : vector<16xi32>
      %reduce_sum3A_916 = arith.constant true
      %reduce_sum3A_917 = vector.broadcast %reduce_sum3A_916 : i1 to vector<16xi1>
      %reduce_sum3A_918 = tpu.scan <sum>, %mul3A_915 masked %reduce_sum3A_917 : vector<16xi32>, vector<16xi1> -> vector<16xi32>
      %reduce_sum3A_919 = vector.extract %reduce_sum3A_918[15] : i32 from vector<16xi32>
      %add3A_920 = arith.addi %add3A_869, %reduce_sum3A_919 : i32
      %convert_element_type3A_921 = arith.sitofp %get3A_910 : vector<16xi32> to vector<16xf32>
      %get3A_922 = arith.constant 48 : index
      %get3A_923 = tpu.vector_load %arg8[%get3A_922] {strides = array<i32>} : memref<560xf32, #tpu.memory_space<vmem>>, vector<16xf32>,
      %mul3A_924 = arith.mulf %get3A_923, %convert_element_type3A_921 : vector<16xf32>
      %swap3A_925 = arith.constant 48 : index
      %swap3A_926 = tpu.vector_load %arg18[%swap3A_925] {strides = array<i32>} : memref<112xf32, #tpu.memory_space<vmem>>, vector<16xf32>,
      tpu.vector_store %arg18[%swap3A_925], %mul3A_924 {strides = array<i32>} : memref<112xf32, #tpu.memory_space<vmem>>, vector<16xf32>,
      %min3A_927 = arith.constant 99 : i32
      %min3A_928 = vector.broadcast %min3A_927 : i32 to vector<16xi32>
      %min3A_929 = arith.minsi %add3A_12, %min3A_928 : vector<16xi32>
      %mul3A_930 = arith.constant 4 : i32
      %mul3A_931 = vector.broadcast %mul3A_930 : i32 to vector<16xi32>
      %mul3A_932 = arith.muli %min3A_929, %mul3A_931 : vector<16xi32>
      %lt3A_933 = arith.constant 100 : i32
      %lt3A_934 = vector.broadcast %lt3A_933 : i32 to vector<16xi32>
      %lt3A_935 = arith.cmpi slt, %add3A_12, %lt3A_934 : vector<16xi32>
      %get3A_936 = arith.constant 160 : index
      %get3A_937 = tpu.vector_load %arg8[%get3A_936] {strides = array<i32>} : memref<560xf32, #tpu.memory_space<vmem>>, vector<16xf32>,
      %mul3A_938 = arith.mulf %get3A_937, %convert_element_type3A_921 : vector<16xf32>
      %add3A_939 = arith.constant 0 : i32
      %add3A_940 = vector.broadcast %add3A_939 : i32 to vector<16xi32>
      %add3A_941 = arith.addi %mul3A_932, %add3A_940 : vector<16xi32>
      tpu.vector_store_idx %arg19[%add3A_941], %mul3A_938 masked %lt3A_935 : memref<400xf32, #tpu.memory_space<vmem>>[vector<16xi32>], vector<16xf32>, vector<16xi1>
      %get3A_942 = arith.constant 272 : index
      %get3A_943 = tpu.vector_load %arg8[%get3A_942] {strides = array<i32>} : memref<560xf32, #tpu.memory_space<vmem>>, vector<16xf32>,
      %mul3A_944 = arith.mulf %get3A_943, %convert_element_type3A_921 : vector<16xf32>
      %add3A_945 = arith.constant 1 : i32
      %add3A_946 = vector.broadcast %add3A_945 : i32 to vector<16xi32>
      %add3A_947 = arith.addi %mul3A_932, %add3A_946 : vector<16xi32>
      tpu.vector_store_idx %arg19[%add3A_947], %mul3A_944 masked %lt3A_935 : memref<400xf32, #tpu.memory_space<vmem>>[vector<16xi32>], vector<16xf32>, vector<16xi1>
      %get3A_948 = arith.constant 384 : index
      %get3A_949 = tpu.vector_load %arg8[%get3A_948] {strides = array<i32>} : memref<560xf32, #tpu.memory_space<vmem>>, vector<16xf32>,
      %mul3A_950 = arith.mulf %get3A_949, %convert_element_type3A_921 : vector<16xf32>
      %add3A_951 = arith.constant 2 : i32
      %add3A_952 = vector.broadcast %add3A_951 : i32 to vector<16xi32>
      %add3A_953 = arith.addi %mul3A_932, %add3A_952 : vector<16xi32>
      tpu.vector_store_idx %arg19[%add3A_953], %mul3A_950 masked %lt3A_935 : memref<400xf32, #tpu.memory_space<vmem>>[vector<16xi32>], vector<16xf32>, vector<16xi1>
      %get3A_954 = arith.constant 496 : index
      %get3A_955 = tpu.vector_load %arg8[%get3A_954] {strides = array<i32>} : memref<560xf32, #tpu.memory_space<vmem>>, vector<16xf32>,
      %mul3A_956 = arith.mulf %get3A_955, %convert_element_type3A_921 : vector<16xf32>
      %add3A_957 = arith.constant 3 : i32
      %add3A_958 = vector.broadcast %add3A_957 : i32 to vector<16xi32>
      %add3A_959 = arith.addi %mul3A_932, %add3A_958 : vector<16xi32>
      tpu.vector_store_idx %arg19[%add3A_959], %mul3A_956 masked %lt3A_935 : memref<400xf32, #tpu.memory_space<vmem>>[vector<16xi32>], vector<16xf32>, vector<16xi1>
      %get3A_960 = arith.constant 64 : index
      %get3A_961 = tpu.vector_load %arg10[%get3A_960] {strides = array<i32>} : memref<112xi32, #tpu.memory_space<vmem>>, vector<16xi32>,
      %lt3A_962 = arith.constant 100 : i32
      %lt3A_963 = vector.broadcast %lt3A_962 : i32 to vector<16xi32>
      %lt3A_964 = arith.cmpi slt, %add3A_15, %lt3A_963 : vector<16xi32>
      %convert_element_type3A_965 = arith.extui %lt3A_964 : vector<16xi1> to vector<16xi32>
      %mul3A_966 = arith.muli %get3A_961, %convert_element_type3A_965 : vector<16xi32>
      %reduce_sum3A_967 = arith.constant true
      %reduce_sum3A_968 = vector.broadcast %reduce_sum3A_967 : i1 to vector<16xi1>
      %reduce_sum3A_969 = tpu.scan <sum>, %mul3A_966 masked %reduce_sum3A_968 : vector<16xi32>, vector<16xi1> -> vector<16xi32>
      %reduce_sum3A_970 = vector.extract %reduce_sum3A_969[15] : i32 from vector<16xi32>
      %add3A_971 = arith.addi %add3A_920, %reduce_sum3A_970 : i32
      %convert_element_type3A_972 = arith.sitofp %get3A_961 : vector<16xi32> to vector<16xf32>
      %get3A_973 = arith.constant 64 : index
      %get3A_974 = tpu.vector_load %arg8[%get3A_973] {strides = array<i32>} : memref<560xf32, #tpu.memory_space<vmem>>, vector<16xf32>,
      %mul3A_975 = arith.mulf %get3A_974, %convert_element_type3A_972 : vector<16xf32>
      %swap3A_976 = arith.constant 64 : index
      %swap3A_977 = tpu.vector_load %arg18[%swap3A_976] {strides = array<i32>} : memref<112xf32, #tpu.memory_space<vmem>>, vector<16xf32>,
      tpu.vector_store %arg18[%swap3A_976], %mul3A_975 {strides = array<i32>} : memref<112xf32, #tpu.memory_space<vmem>>, vector<16xf32>,
      %min3A_978 = arith.constant 99 : i32
      %min3A_979 = vector.broadcast %min3A_978 : i32 to vector<16xi32>
      %min3A_980 = arith.minsi %add3A_15, %min3A_979 : vector<16xi32>
      %mul3A_981 = arith.constant 4 : i32
      %mul3A_982 = vector.broadcast %mul3A_981 : i32 to vector<16xi32>
      %mul3A_983 = arith.muli %min3A_980, %mul3A_982 : vector<16xi32>
      %lt3A_984 = arith.constant 100 : i32
      %lt3A_985 = vector.broadcast %lt3A_984 : i32 to vector<16xi32>
      %lt3A_986 = arith.cmpi slt, %add3A_15, %lt3A_985 : vector<16xi32>
      %get3A_987 = arith.constant 176 : index
      %get3A_988 = tpu.vector_load %arg8[%get3A_987] {strides = array<i32>} : memref<560xf32, #tpu.memory_space<vmem>>, vector<16xf32>,
      %mul3A_989 = arith.mulf %get3A_988, %convert_element_type3A_972 : vector<16xf32>
      %add3A_990 = arith.constant 0 : i32
      %add3A_991 = vector.broadcast %add3A_990 : i32 to vector<16xi32>
      %add3A_992 = arith.addi %mul3A_983, %add3A_991 : vector<16xi32>
      tpu.vector_store_idx %arg19[%add3A_992], %mul3A_989 masked %lt3A_986 : memref<400xf32, #tpu.memory_space<vmem>>[vector<16xi32>], vector<16xf32>, vector<16xi1>
      %get3A_993 = arith.constant 288 : index
      %get3A_994 = tpu.vector_load %arg8[%get3A_993] {strides = array<i32>} : memref<560xf32, #tpu.memory_space<vmem>>, vector<16xf32>,
      %mul3A_995 = arith.mulf %get3A_994, %convert_element_type3A_972 : vector<16xf32>
      %add3A_996 = arith.constant 1 : i32
      %add3A_997 = vector.broadcast %add3A_996 : i32 to vector<16xi32>
      %add3A_998 = arith.addi %mul3A_983, %add3A_997 : vector<16xi32>
      tpu.vector_store_idx %arg19[%add3A_998], %mul3A_995 masked %lt3A_986 : memref<400xf32, #tpu.memory_space<vmem>>[vector<16xi32>], vector<16xf32>, vector<16xi1>
      %get3A_999 = arith.constant 400 : index
      %get3A_1000 = tpu.vector_load %arg8[%get3A_999] {strides = array<i32>} : memref<560xf32, #tpu.memory_space<vmem>>, vector<16xf32>,
      %mul3A_1001 = arith.mulf %get3A_1000, %convert_element_type3A_972 : vector<16xf32>
      %add3A_1002 = arith.constant 2 : i32
      %add3A_1003 = vector.broadcast %add3A_1002 : i32 to vector<16xi32>
      %add3A_1004 = arith.addi %mul3A_983, %add3A_1003 : vector<16xi32>
      tpu.vector_store_idx %arg19[%add3A_1004], %mul3A_1001 masked %lt3A_986 : memref<400xf32, #tpu.memory_space<vmem>>[vector<16xi32>], vector<16xf32>, vector<16xi1>
      %get3A_1005 = arith.constant 512 : index
      %get3A_1006 = tpu.vector_load %arg8[%get3A_1005] {strides = array<i32>} : memref<560xf32, #tpu.memory_space<vmem>>, vector<16xf32>,
      %mul3A_1007 = arith.mulf %get3A_1006, %convert_element_type3A_972 : vector<16xf32>
      %add3A_1008 = arith.constant 3 : i32
      %add3A_1009 = vector.broadcast %add3A_1008 : i32 to vector<16xi32>
      %add3A_1010 = arith.addi %mul3A_983, %add3A_1009 : vector<16xi32>
      tpu.vector_store_idx %arg19[%add3A_1010], %mul3A_1007 masked %lt3A_986 : memref<400xf32, #tpu.memory_space<vmem>>[vector<16xi32>], vector<16xf32>, vector<16xi1>
      %get3A_1011 = arith.constant 80 : index
      %get3A_1012 = tpu.vector_load %arg10[%get3A_1011] {strides = array<i32>} : memref<112xi32, #tpu.memory_space<vmem>>, vector<16xi32>,
      %lt3A_1013 = arith.constant 100 : i32
      %lt3A_1014 = vector.broadcast %lt3A_1013 : i32 to vector<16xi32>
      %lt3A_1015 = arith.cmpi slt, %add3A_18, %lt3A_1014 : vector<16xi32>
      %convert_element_type3A_1016 = arith.extui %lt3A_1015 : vector<16xi1> to vector<16xi32>
      %mul3A_1017 = arith.muli %get3A_1012, %convert_element_type3A_1016 : vector<16xi32>
      %reduce_sum3A_1018 = arith.constant true
      %reduce_sum3A_1019 = vector.broadcast %reduce_sum3A_1018 : i1 to vector<16xi1>
      %reduce_sum3A_1020 = tpu.scan <sum>, %mul3A_1017 masked %reduce_sum3A_1019 : vector<16xi32>, vector<16xi1> -> vector<16xi32>
      %reduce_sum3A_1021 = vector.extract %reduce_sum3A_1020[15] : i32 from vector<16xi32>
      %add3A_1022 = arith.addi %add3A_971, %reduce_sum3A_1021 : i32
      %convert_element_type3A_1023 = arith.sitofp %get3A_1012 : vector<16xi32> to vector<16xf32>
      %get3A_1024 = arith.constant 80 : index
      %get3A_1025 = tpu.vector_load %arg8[%get3A_1024] {strides = array<i32>} : memref<560xf32, #tpu.memory_space<vmem>>, vector<16xf32>,
      %mul3A_1026 = arith.mulf %get3A_1025, %convert_element_type3A_1023 : vector<16xf32>
      %swap3A_1027 = arith.constant 80 : index
      %swap3A_1028 = tpu.vector_load %arg18[%swap3A_1027] {strides = array<i32>} : memref<112xf32, #tpu.memory_space<vmem>>, vector<16xf32>,
      tpu.vector_store %arg18[%swap3A_1027], %mul3A_1026 {strides = array<i32>} : memref<112xf32, #tpu.memory_space<vmem>>, vector<16xf32>,
      %min3A_1029 = arith.constant 99 : i32
      %min3A_1030 = vector.broadcast %min3A_1029 : i32 to vector<16xi32>
      %min3A_1031 = arith.minsi %add3A_18, %min3A_1030 : vector<16xi32>
      %mul3A_1032 = arith.constant 4 : i32
      %mul3A_1033 = vector.broadcast %mul3A_1032 : i32 to vector<16xi32>
      %mul3A_1034 = arith.muli %min3A_1031, %mul3A_1033 : vector<16xi32>
      %lt3A_1035 = arith.constant 100 : i32
      %lt3A_1036 = vector.broadcast %lt3A_1035 : i32 to vector<16xi32>
      %lt3A_1037 = arith.cmpi slt, %add3A_18, %lt3A_1036 : vector<16xi32>
      %get3A_1038 = arith.constant 192 : index
      %get3A_1039 = tpu.vector_load %arg8[%get3A_1038] {strides = array<i32>} : memref<560xf32, #tpu.memory_space<vmem>>, vector<16xf32>,
      %mul3A_1040 = arith.mulf %get3A_1039, %convert_element_type3A_1023 : vector<16xf32>
      %add3A_1041 = arith.constant 0 : i32
      %add3A_1042 = vector.broadcast %add3A_1041 : i32 to vector<16xi32>
      %add3A_1043 = arith.addi %mul3A_1034, %add3A_1042 : vector<16xi32>
      tpu.vector_store_idx %arg19[%add3A_1043], %mul3A_1040 masked %lt3A_1037 : memref<400xf32, #tpu.memory_space<vmem>>[vector<16xi32>], vector<16xf32>, vector<16xi1>
      %get3A_1044 = arith.constant 304 : index
      %get3A_1045 = tpu.vector_load %arg8[%get3A_1044] {strides = array<i32>} : memref<560xf32, #tpu.memory_space<vmem>>, vector<16xf32>,
      %mul3A_1046 = arith.mulf %get3A_1045, %convert_element_type3A_1023 : vector<16xf32>
      %add3A_1047 = arith.constant 1 : i32
      %add3A_1048 = vector.broadcast %add3A_1047 : i32 to vector<16xi32>
      %add3A_1049 = arith.addi %mul3A_1034, %add3A_1048 : vector<16xi32>
      tpu.vector_store_idx %arg19[%add3A_1049], %mul3A_1046 masked %lt3A_1037 : memref<400xf32, #tpu.memory_space<vmem>>[vector<16xi32>], vector<16xf32>, vector<16xi1>
      %get3A_1050 = arith.constant 416 : index
      %get3A_1051 = tpu.vector_load %arg8[%get3A_1050] {strides = array<i32>} : memref<560xf32, #tpu.memory_space<vmem>>, vector<16xf32>,
      %mul3A_1052 = arith.mulf %get3A_1051, %convert_element_type3A_1023 : vector<16xf32>
      %add3A_1053 = arith.constant 2 : i32
      %add3A_1054 = vector.broadcast %add3A_1053 : i32 to vector<16xi32>
      %add3A_1055 = arith.addi %mul3A_1034, %add3A_1054 : vector<16xi32>
      tpu.vector_store_idx %arg19[%add3A_1055], %mul3A_1052 masked %lt3A_1037 : memref<400xf32, #tpu.memory_space<vmem>>[vector<16xi32>], vector<16xf32>, vector<16xi1>
      %get3A_1056 = arith.constant 528 : index
      %get3A_1057 = tpu.vector_load %arg8[%get3A_1056] {strides = array<i32>} : memref<560xf32, #tpu.memory_space<vmem>>, vector<16xf32>,
      %mul3A_1058 = arith.mulf %get3A_1057, %convert_element_type3A_1023 : vector<16xf32>
      %add3A_1059 = arith.constant 3 : i32
      %add3A_1060 = vector.broadcast %add3A_1059 : i32 to vector<16xi32>
      %add3A_1061 = arith.addi %mul3A_1034, %add3A_1060 : vector<16xi32>
      tpu.vector_store_idx %arg19[%add3A_1061], %mul3A_1058 masked %lt3A_1037 : memref<400xf32, #tpu.memory_space<vmem>>[vector<16xi32>], vector<16xf32>, vector<16xi1>
      %get3A_1062 = arith.constant 96 : index
      %get3A_1063 = tpu.vector_load %arg10[%get3A_1062] {strides = array<i32>} : memref<112xi32, #tpu.memory_space<vmem>>, vector<16xi32>,
      %lt3A_1064 = arith.constant 100 : i32
      %lt3A_1065 = vector.broadcast %lt3A_1064 : i32 to vector<16xi32>
      %lt3A_1066 = arith.cmpi slt, %add3A_21, %lt3A_1065 : vector<16xi32>
      %convert_element_type3A_1067 = arith.extui %lt3A_1066 : vector<16xi1> to vector<16xi32>
      %mul3A_1068 = arith.muli %get3A_1063, %convert_element_type3A_1067 : vector<16xi32>
      %reduce_sum3A_1069 = arith.constant true
      %reduce_sum3A_1070 = vector.broadcast %reduce_sum3A_1069 : i1 to vector<16xi1>
      %reduce_sum3A_1071 = tpu.scan <sum>, %mul3A_1068 masked %reduce_sum3A_1070 : vector<16xi32>, vector<16xi1> -> vector<16xi32>
      %reduce_sum3A_1072 = vector.extract %reduce_sum3A_1071[15] : i32 from vector<16xi32>
      %add3A_1073 = arith.addi %add3A_1022, %reduce_sum3A_1072 : i32
      %convert_element_type3A_1074 = arith.sitofp %get3A_1063 : vector<16xi32> to vector<16xf32>
      %get3A_1075 = arith.constant 96 : index
      %get3A_1076 = tpu.vector_load %arg8[%get3A_1075] {strides = array<i32>} : memref<560xf32, #tpu.memory_space<vmem>>, vector<16xf32>,
      %mul3A_1077 = arith.mulf %get3A_1076, %convert_element_type3A_1074 : vector<16xf32>
      %swap3A_1078 = arith.constant 96 : index
      %swap3A_1079 = tpu.vector_load %arg18[%swap3A_1078] {strides = array<i32>} : memref<112xf32, #tpu.memory_space<vmem>>, vector<16xf32>,
      tpu.vector_store %arg18[%swap3A_1078], %mul3A_1077 {strides = array<i32>} : memref<112xf32, #tpu.memory_space<vmem>>, vector<16xf32>,
      %min3A_1080 = arith.constant 99 : i32
      %min3A_1081 = vector.broadcast %min3A_1080 : i32 to vector<16xi32>
      %min3A_1082 = arith.minsi %add3A_21, %min3A_1081 : vector<16xi32>
      %mul3A_1083 = arith.constant 4 : i32
      %mul3A_1084 = vector.broadcast %mul3A_1083 : i32 to vector<16xi32>
      %mul3A_1085 = arith.muli %min3A_1082, %mul3A_1084 : vector<16xi32>
      %lt3A_1086 = arith.constant 100 : i32
      %lt3A_1087 = vector.broadcast %lt3A_1086 : i32 to vector<16xi32>
      %lt3A_1088 = arith.cmpi slt, %add3A_21, %lt3A_1087 : vector<16xi32>
      %get3A_1089 = arith.constant 208 : index
      %get3A_1090 = tpu.vector_load %arg8[%get3A_1089] {strides = array<i32>} : memref<560xf32, #tpu.memory_space<vmem>>, vector<16xf32>,
      %mul3A_1091 = arith.mulf %get3A_1090, %convert_element_type3A_1074 : vector<16xf32>
      %add3A_1092 = arith.constant 0 : i32
      %add3A_1093 = vector.broadcast %add3A_1092 : i32 to vector<16xi32>
      %add3A_1094 = arith.addi %mul3A_1085, %add3A_1093 : vector<16xi32>
      tpu.vector_store_idx %arg19[%add3A_1094], %mul3A_1091 masked %lt3A_1088 : memref<400xf32, #tpu.memory_space<vmem>>[vector<16xi32>], vector<16xf32>, vector<16xi1>
      %get3A_1095 = arith.constant 320 : index
      %get3A_1096 = tpu.vector_load %arg8[%get3A_1095] {strides = array<i32>} : memref<560xf32, #tpu.memory_space<vmem>>, vector<16xf32>,
      %mul3A_1097 = arith.mulf %get3A_1096, %convert_element_type3A_1074 : vector<16xf32>
      %add3A_1098 = arith.constant 1 : i32
      %add3A_1099 = vector.broadcast %add3A_1098 : i32 to vector<16xi32>
      %add3A_1100 = arith.addi %mul3A_1085, %add3A_1099 : vector<16xi32>
      tpu.vector_store_idx %arg19[%add3A_1100], %mul3A_1097 masked %lt3A_1088 : memref<400xf32, #tpu.memory_space<vmem>>[vector<16xi32>], vector<16xf32>, vector<16xi1>
      %get3A_1101 = arith.constant 432 : index
      %get3A_1102 = tpu.vector_load %arg8[%get3A_1101] {strides = array<i32>} : memref<560xf32, #tpu.memory_space<vmem>>, vector<16xf32>,
      %mul3A_1103 = arith.mulf %get3A_1102, %convert_element_type3A_1074 : vector<16xf32>
      %add3A_1104 = arith.constant 2 : i32
      %add3A_1105 = vector.broadcast %add3A_1104 : i32 to vector<16xi32>
      %add3A_1106 = arith.addi %mul3A_1085, %add3A_1105 : vector<16xi32>
      tpu.vector_store_idx %arg19[%add3A_1106], %mul3A_1103 masked %lt3A_1088 : memref<400xf32, #tpu.memory_space<vmem>>[vector<16xi32>], vector<16xf32>, vector<16xi1>
      %get3A_1107 = arith.constant 544 : index
      %get3A_1108 = tpu.vector_load %arg8[%get3A_1107] {strides = array<i32>} : memref<560xf32, #tpu.memory_space<vmem>>, vector<16xf32>,
      %mul3A_1109 = arith.mulf %get3A_1108, %convert_element_type3A_1074 : vector<16xf32>
      %add3A_1110 = arith.constant 3 : i32
      %add3A_1111 = vector.broadcast %add3A_1110 : i32 to vector<16xi32>
      %add3A_1112 = arith.addi %mul3A_1085, %add3A_1111 : vector<16xi32>
      tpu.vector_store_idx %arg19[%add3A_1112], %mul3A_1109 masked %lt3A_1088 : memref<400xf32, #tpu.memory_space<vmem>>[vector<16xi32>], vector<16xf32>, vector<16xi1>
      %get3A_1113 = arith.constant 96 : index
      %get3A_1114 = tpu.vector_load %arg18[%get3A_1113] {strides = array<i32>} : memref<112xf32, #tpu.memory_space<vmem>>, vector<16xf32>,
      %lt3A_1115 = arith.constant 100 : i32
      %lt3A_1116 = vector.broadcast %lt3A_1115 : i32 to vector<16xi32>
      %lt3A_1117 = arith.cmpi slt, %add3A_21, %lt3A_1116 : vector<16xi32>
      %convert_element_type3A_1118 = arith.sitofp %add3A_1073 : i32 to f32
      %broadcast_in_dim3A_1119 = vector.broadcast %convert_element_type3A_1118 : f32 to vector<16xf32>
      %select_n3A_1120 = arith.select %lt3A_1117, %get3A_1114, %broadcast_in_dim3A_1119 : vector<16xi1>, vector<16xf32>
      %swap3A_1121 = arith.constant 96 : index
      %swap3A_1122 = tpu.vector_load %arg18[%swap3A_1121] {strides = array<i32>} : memref<112xf32, #tpu.memory_space<vmem>>, vector<16xf32>,
      tpu.vector_store %arg18[%swap3A_1121], %select_n3A_1120 {strides = array<i32>} : memref<112xf32, #tpu.memory_space<vmem>>, vector<16xf32>,
      "tpu.region"() ({
        %run_scoped3A = tpu.sem_alloc : memref<!tpu.dma_semaphore, #tpu.memory_space<semaphore_mem>>
        %dma_start3A = arith.constant 0 : i32
        %dma_start3A_1123 = tpu.memref_slice %arg4[%arg1, %dma_start3A] : memref<8x400xf32, #tpu.memory_space<hbm>> -> memref<1x400xf32, #tpu.memory_space<hbm>>
        %dma_start3A_1124 = tpu.memref_squeeze %dma_start3A_1123 : memref<1x400xf32, #tpu.memory_space<hbm>> -> memref<400xf32, #tpu.memory_space<hbm>>
        %dma_start3A_1125 = arith.constant 0 : i32
        %dma_start3A_1126 = tpu.memref_slice %arg4[%arg1, %dma_start3A_1125] : memref<8x400xf32, #tpu.memory_space<hbm>> -> memref<1x400xf32, #tpu.memory_space<hbm>>
        %dma_start3A_1127 = tpu.memref_squeeze %dma_start3A_1126 : memref<1x400xf32, #tpu.memory_space<hbm>> -> memref<400xf32, #tpu.memory_space<hbm>>
        tpu.enqueue_dma source(%arg19 : memref<400xf32, #tpu.memory_space<vmem>>) target(%dma_start3A_1127 : memref<400xf32, #tpu.memory_space<hbm>>) target_semaphore(%run_scoped3A : memref<!tpu.dma_semaphore, #tpu.memory_space<semaphore_mem>>)
        %dma_wait3A = arith.constant 0 : i32
        %dma_wait3A_1128 = tpu.memref_slice %arg4[%arg1, %dma_wait3A] : memref<8x400xf32, #tpu.memory_space<hbm>> -> memref<1x400xf32, #tpu.memory_space<hbm>>
        %dma_wait3A_1129 = tpu.memref_squeeze %dma_wait3A_1128 : memref<1x400xf32, #tpu.memory_space<hbm>> -> memref<400xf32, #tpu.memory_space<hbm>>
        %dma_wait3A_1130 = arith.constant 0 : i32
        %dma_wait3A_1131 = tpu.memref_slice %arg4[%arg1, %dma_wait3A_1130] : memref<8x400xf32, #tpu.memory_space<hbm>> -> memref<1x400xf32, #tpu.memory_space<hbm>>
        %dma_wait3A_1132 = tpu.memref_squeeze %dma_wait3A_1131 : memref<1x400xf32, #tpu.memory_space<hbm>> -> memref<400xf32, #tpu.memory_space<hbm>>
        tpu.wait_dma2 semaphore(%run_scoped3A : memref<!tpu.dma_semaphore, #tpu.memory_space<semaphore_mem>>) src(%arg19 : memref<400xf32, #tpu.memory_space<vmem>>) dst(%dma_wait3A_1132 : memref<400xf32, #tpu.memory_space<hbm>>)
        tpu.yield
      }) : () -> ()
      "tpu.region"() ({
        %run_scoped3A = tpu.sem_alloc : memref<!tpu.dma_semaphore, #tpu.memory_space<semaphore_mem>>
        %dma_start3A = arith.constant 0 : i32
        %dma_start3A_1123 = tpu.memref_slice %arg5[%arg1, %dma_start3A] : memref<8x112xf32, #tpu.memory_space<hbm>> -> memref<1x112xf32, #tpu.memory_space<hbm>>
        %dma_start3A_1124 = tpu.memref_squeeze %dma_start3A_1123 : memref<1x112xf32, #tpu.memory_space<hbm>> -> memref<112xf32, #tpu.memory_space<hbm>>
        %dma_start3A_1125 = arith.constant 0 : i32
        %dma_start3A_1126 = tpu.memref_slice %arg5[%arg1, %dma_start3A_1125] : memref<8x112xf32, #tpu.memory_space<hbm>> -> memref<1x112xf32, #tpu.memory_space<hbm>>
        %dma_start3A_1127 = tpu.memref_squeeze %dma_start3A_1126 : memref<1x112xf32, #tpu.memory_space<hbm>> -> memref<112xf32, #tpu.memory_space<hbm>>
        tpu.enqueue_dma source(%arg18 : memref<112xf32, #tpu.memory_space<vmem>>) target(%dma_start3A_1127 : memref<112xf32, #tpu.memory_space<hbm>>) target_semaphore(%run_scoped3A : memref<!tpu.dma_semaphore, #tpu.memory_space<semaphore_mem>>)
        %dma_wait3A = arith.constant 0 : i32
        %dma_wait3A_1128 = tpu.memref_slice %arg5[%arg1, %dma_wait3A] : memref<8x112xf32, #tpu.memory_space<hbm>> -> memref<1x112xf32, #tpu.memory_space<hbm>>
        %dma_wait3A_1129 = tpu.memref_squeeze %dma_wait3A_1128 : memref<1x112xf32, #tpu.memory_space<hbm>> -> memref<112xf32, #tpu.memory_space<hbm>>
        %dma_wait3A_1130 = arith.constant 0 : i32
        %dma_wait3A_1131 = tpu.memref_slice %arg5[%arg1, %dma_wait3A_1130] : memref<8x112xf32, #tpu.memory_space<hbm>> -> memref<1x112xf32, #tpu.memory_space<hbm>>
        %dma_wait3A_1132 = tpu.memref_squeeze %dma_wait3A_1131 : memref<1x112xf32, #tpu.memory_space<hbm>> -> memref<112xf32, #tpu.memory_space<hbm>>
        tpu.wait_dma2 semaphore(%run_scoped3A : memref<!tpu.dma_semaphore, #tpu.memory_space<semaphore_mem>>) src(%arg18 : memref<112xf32, #tpu.memory_space<vmem>>) dst(%dma_wait3A_1132 : memref<112xf32, #tpu.memory_space<hbm>>)
        tpu.yield
      }) : () -> ()
    } else {
    }
    return
  }
}

</mosaic_0001>

<sc_bundles>
// kernel: kernel.3.cloned.1.call-start
scs
__scs_entry_jumppad:
0x0: {  	(pc) =	sbr.rel $0x88, $3  }
0x1: {  	(tag) =	ssettag $0x0;
	lr =	simm.s32 $0x1  }
0x2: {  	[smem:$0x3F9F] =	sst lr;
	_ =	strace $0xD0000000  }
0x3: {  	_ = 	snop  }
0x4: {  	_ = 	snop  }
0x5: {  	_ = 	snop  }
0x6: {  	_ = 	snop  }
0x7: {  	_ = 	snop  }
__scs_overlays_trampoline_lowered:
0x8: {  	[smem:$0x3FAE] =	sst s0  }
0x9: {  	[smem:$0x3FAF] =	sst s1  }
0xa: {  	[smem:$0x3FB0] =	sst s2  }
0xb: {  	[smem:$0x3FB1] =	sst s3  }
0xc: {  	[smem:$0x3FB2] =	sst s4  }
0xd: {  	[smem:$0x3FB3] =	sst s5  }
0xe: {  	[smem:$0x3FB4] =	sst s6  }
0xf: {  	[smem:$0x3FB5] =	sst s7  }
0x10: {  	[smem:$0x3FB6] =	sst s8  }
0x11: {  	[smem:$0x3FB7] =	sst s9;
	s0 =	simm.s32 @!p0 $0x0  }
0x12: {  	s1 =	sld [smem:$0x3F9D];
	s0 =	simm.s32 @p0 $0x1  }
0x13: {  	[smem:$0x3FB8] =	sst s0;
	s0 =	simm.s32 @!p1 $0x0  }
0x14: {  	s2 =	sld [smem:$0x3F9C];
	s0 =	simm.s32 @p1 $0x1  }
0x15: {  	[smem:$0x3FB9] =	sst s0;
	s0 =	simm.s32 @!p2 $0x0  }
0x16: {  	s3 =	sld [smem:$0x3FDB];
	s0 =	simm.s32 @p2 $0x1  }
0x17: {  	s4 =	simm.s32 $0x1BF5;
	[smem:$0x3FBB] =	sst s0  }
0x18: {  	s0 =	sld [smem:$0x3F9E];
	_ =	swait.ge [sflag:s4], $0x0  }
0x19: {  	s7 =	sld [smem:$0x3F9F]  }
0x1a: {  	s8 =	sadd.s32 $0xFFFFE003, lr  }
0x1b: {  	s9 =	sadd.s32 $0xFFFFFEF7, lr;
	s5 =	simm.s32 $0xFFFFFFFF;
	p2 =	slt.u32 s8, $0xFFFFF086  }
0x1c: {  	p1 =	slt.u32 s9, $0xF7A;
	s5 =	simm.s32 @!p2 $0x0  }
0x1d: {  	s5 =	simm.s32 @p1 $0x1;
	p0 =	seq.s32 s7, s2  }
0x1e: {  	s7 =	smul.u32 @!p0 $0xF7A, s2;
	p2 =	seq.s32 @!p0 s5, $0x0  }
0x1f: {  	s9 =	smul.u32 $0xF7A, s1;
	s8 =	simm.s32 @!p0 $0x1BF5;
	p2 =	por !p2, p0  }
0x20: {  	[sflag:s8] =	ssyncset.s32 @!p0 $0xFFFFF086;
	s6 =	sadd.s32 @!p0 s3, s7;
	s7 =	simm.s32 @!p0 $0x108  }
0x21: {  	s3 =	sadd.s32 s3, s9;
	s6 =	sadd.s32 @!p0 $0x88, s6;
	s7 =	simm.s32 @p2 $0x1082  }
0x22: {  	[simem:s7], [sflag:s8] =	dma.local @!p0 [hbm:s6], $0xF7A  }
0x23: {  	s9 =	sor.u32 $0xD0000000, s2;
	s6 =	simm.s32 $0x108;
	_ =	swait.ge @!p0 [sflag:s8], $0x0  }
0x24: {  	s3 =	sadd.s32 $0x88, s3;
	s6 =	simm.s32 @!p1 $0x1082;
	[sflag:s4] =	ssyncset.s32 $0xFFFFF086  }
0x25: {  	[simem:s6], [sflag:s4] =	dma.local [hbm:s3], $0xF7A  }
0x26: {  	[smem:$0x3F9F] =	sst s1;
	(tag) =	ssettag s2;
	_ =	strace s9  }
0x27: {  	s1 =	sld [smem:$0x3FAF]  }
0x28: {  	s2 =	sld [smem:$0x3FB0]  }
0x29: {  	s4 =	sld [smem:$0x3FB2]  }
0x2a: {  	p0 =	seq.s32 s5, $0x0;
	s5 =	sld [smem:$0x3FB3]  }
0x2b: {  	s6 =	sld [smem:$0x3FB4]  }
0x2c: {  	s7 =	sld [smem:$0x3FB5]  }
0x2d: {  	s3 =	simm.s32 $0x108;
	s8 =	sld [smem:$0x3FB6]  }
0x2e: {  	s3 =	simm.s32 @!p0 $0x1082;
	s9 =	sld [smem:$0x3FB7]  }
0x2f: {  	lr =	sadd.s32 s0, s3;
	s0 =	sld [smem:$0x3FAE]  }
0x30: {  	s3 =	sld [smem:$0x3FB1]  }
0x31: {  	[smem:$0x3FBA] =	sst s10  }
0x32: {  	s10 =	sld [smem:$0x3FB8];
	_ =	sdelay $0x3  }
0x33: {  	p0 =	seq.s32 s10, $0x1;
	s10 =	sld [smem:$0x3FBA];
	_ =	sdelay $0x3  }
0x34: {  	[smem:$0x3FBA] =	sst s10  }
0x35: {  	s10 =	sld [smem:$0x3FB9];
	_ =	sdelay $0x3  }
0x36: {  	p1 =	seq.s32 s10, $0x1;
	s10 =	sld [smem:$0x3FBA];
	_ =	sdelay $0x3  }
0x37: {  	[smem:$0x3FBA] =	sst s10  }
0x38: {  	s10 =	sld [smem:$0x3FBB]  }
0x39: {  	_ = 	snop;
	(pc) =	sbr.ind lr, $3  }
0x3a: {  	_ = 	snop  }
0x3b: {  	_ = 	snop  }
0x3c: {  	p2 =	seq.s32 s10, $0x1;
	s10 =	sld [smem:$0x3FBA]  }
0x3d: {  	_ =	shalt  }
0x3e: {  	_ =	shalt  }
0x3f: {  	_ =	shalt  }
0x40: {  	_ =	shalt  }
0x41: {  	_ =	shalt  }
0x42: {  	_ =	shalt  }
0x43: {  	_ =	shalt  }
0x44: {  	_ =	shalt  }
0x45: {  	_ =	shalt  }
0x46: {  	_ =	shalt  }
0x47: {  	_ =	shalt  }
0x48: {  	_ =	shalt  }
0x49: {  	_ =	shalt  }
0x4a: {  	_ =	shalt  }
0x4b: {  	_ =	shalt  }
0x4c: {  	_ =	shalt  }
0x4d: {  	_ =	shalt  }
0x4e: {  	_ =	shalt  }
0x4f: {  	_ =	shalt  }
0x50: {  	_ =	shalt  }
0x51: {  	_ =	shalt  }
0x52: {  	_ =	shalt  }
0x53: {  	_ =	shalt  }
0x54: {  	_ =	shalt  }
0x55: {  	_ =	shalt  }
0x56: {  	_ =	shalt  }
0x57: {  	_ =	shalt  }
0x58: {  	_ =	shalt  }
0x59: {  	_ =	shalt  }
0x5a: {  	_ =	shalt  }
0x5b: {  	_ =	shalt  }
0x5c: {  	_ =	shalt  }
0x5d: {  	_ =	shalt  }
0x5e: {  	_ =	shalt  }
0x5f: {  	_ =	shalt  }
0x60: {  	_ =	shalt  }
0x61: {  	_ =	shalt  }
0x62: {  	_ =	shalt  }
0x63: {  	_ =	shalt  }
0x64: {  	_ =	shalt  }
0x65: {  	_ =	shalt  }
0x66: {  	_ =	shalt  }
0x67: {  	_ =	shalt  }
0x68: {  	_ =	shalt  }
0x69: {  	_ =	shalt  }
0x6a: {  	_ =	shalt  }
0x6b: {  	_ =	shalt  }
0x6c: {  	_ =	shalt  }
0x6d: {  	_ =	shalt  }
0x6e: {  	_ =	shalt  }
0x6f: {  	_ =	shalt  }
0x70: {  	_ =	shalt  }
0x71: {  	_ =	shalt  }
0x72: {  	_ =	shalt  }
0x73: {  	_ =	shalt  }
0x74: {  	_ =	shalt  }
0x75: {  	_ =	shalt  }
0x76: {  	_ =	shalt  }
0x77: {  	_ =	shalt  }
0x78: {  	_ =	shalt  }
0x79: {  	_ =	shalt  }
0x7a: {  	_ =	shalt  }
0x7b: {  	_ =	shalt  }
0x7c: {  	_ =	shalt  }
0x7d: {  	_ =	shalt  }
0x7e: {  	_ =	shalt  }
0x7f: {  	_ =	shalt  }
0x80: {  	_ =	shalt  }
0x81: {  	_ =	shalt  }
0x82: {  	_ =	shalt  }
0x83: {  	_ =	shalt  }
0x84: {  	_ =	shalt  }
0x85: {  	_ =	shalt  }
0x86: {  	_ =	shalt  }
0x87: {  	_ =	shalt  }
.Lfunc_end0:
.L_simem_size_0:
called_computation_lowered:
.L_overlay_start_0:
0x88: {  	s0 =	sld [smem:$0x3FD9]  }
0x89: {  	s1 =	sld [smem:$0x3FFE];
	_ =	sdelay $0x3  }
0x8a: {  	s0 =	sadd.s32 s1, s0  }
0x8b: {  	[smem:$0x3FC6] =	sst s0  }
0x8c: {  	_ = 	snop  }
0x8d: {  	s0 =	sld [smem:$0x3FD0];
	_ =	sdelay $0x2  }
0x8e: {  	s2 =	simm.s32 $0xA;
	s3 =	simm.s32 $0x10;
	s13 =	sld [smem:$0x3FC8]  }
0x8f: {  	[smem:s3], [sflag:s2] =	dma.local [hbm:s0], $0x1  }
0x90: {  	_ =	swait.eq [sflag:s2], $0x1  }
0x91: {  	[sflag:s2] =	ssyncset.done $0x0  }
0x92: {  	s14 =	sld [smem:$0x10];
	[sflag:s2] =	ssyncadd.s32 $0xFFFFFFFF  }
0x93: {  	s15 =	sld [smem:$0x11];
	(tm) =	ssettm $0x1  }
0x94: {  	s16 =	sld [smem:$0x3FFB];
	_ =	sdelay $0x3  }
0x95: {  	_ =	strace s16  }
0x96: {  	s3 =	sld [smem:$0x3FFC];
	_ =	sdelay $0x3  }
0x97: {  	_ =	strace s3  }
0x98: {  	s3 =	sld [smem:$0x3FFD];
	_ =	sdelay $0x3  }
0x99: {  	_ =	strace s3  }
0x9a: {  	_ =	strace $0x8FFFFFFF  }
0x9b: {  	s17 =	sld [smem:$0x3FDB];
	_ =	sdelay $0x1  }
0x9c: {  	s4 =	simm.s32 $_scs_section_size  }
0x9d: {  	s5 =	simm.s32 $_size__tile_overlayer_lowered;
	s6 =	simm.s32 $_tile_overlayer_lowered  }
0x9e: {  	s20 =	simm.s32 $0x1BFF;
	s19 =	sshll.u32 s6, $0x1;
	s3 =	sadd.s32 s4, s17  }
0x9f: {  	s7 =	simm.s32 $0x0;
	s18 =	sshll.u32 s5, $0x1;
	s5 =	sadd.s32 s19, s3  }
0xa0: {  	[timem:s7], [sflag:s20] =	dma.local [hbm:s5], s18  }
0xa1: {  	_ =	swait.ge [sflag:s20], s18  }
0xa2: {  	s4 =	ssub.s32 $0x0, s18;
	[sflag:s20] =	ssyncset.done $0x0  }
0xa3: {  	[sflag:s20] =	ssyncadd.s32 s4;
	_ =	sdelay $0x1  }
0xa4: {  	s21 =	simm.s32 $0x1B8B  }
0xa5: {  	_ =	swait.ge [sflag:s21], $0x1  }
0xa6: {  	[sflag:s21] =	ssyncset.done $0x0  }
0xa7: {  	s23 =	simm.s32 $0x1B8E;
	s22 =	sld [smem:$0x3FFE];
	[sflag:s21] =	ssyncadd.s32 $0xFFFFFFFF  }
0xa8: {  	s24 =	simm.s32 $execute0_lowered;
	[smem:$0x3FD2] =	sst s23  }
0xa9: {  	s5 =	sshll.u32 s24, $0x1;
	_ =	strace $0x80000046;
	[dreg:$0x1] =	wrdreg $0xFFFFFFFF  }
0xaa: {  	s25 =	simm.s32 $_size_execute0_lowered;
	s3 =	sadd.s32 s3, s5;
	[dreg:$0x0] =	wrdreg $0x0  }
0xab: {  	s5 =	sshll.u32 s25, $0x1;
	[dreg:$0x2] =	wrdreg s3  }
0xac: {  	[dreg:$0x3] =	wrdreg s5  }
0xad: {  	[dreg:$0x4] =	wrdreg $0xC0  }
0xae: {  	_ =	task [dreg:s7], $0x5FFFF  }
0xaf: {  	[dreg:$0x1] =	wrdreg $0xFFFFFFFF  }
0xb0: {  	[dreg:$0x0] =	wrdreg $0x60  }
0xb1: {  	[dreg:$0x2] =	wrdreg s13  }
0xb2: {  	[dreg:$0x3] =	wrdreg s14  }
0xb3: {  	[dreg:$0x4] =	wrdreg s22  }
0xb4: {  	[dreg:$0x5] =	wrdreg s15  }
0xb5: {  	[dreg:$0x6] =	wrdreg $0x9  }
0xb6: {  	_ =	task.clear_ibuf [dreg:s7], $0x7FFFF;
	_ =	strace $0x90000046  }
0xb7: {  	s26 =	simm.s32 $0x9;
	_ =	strace $0x80000048  }
0xb8: {  	_ =	swait.ge [sflag:s26], $0x1  }
0xb9: {  	[sflag:s26] =	ssyncadd.s32 $0xFFFFFFFF  }
0xba: {  	_ =	strace $0x90000048  }
0xbb: {  	_ =	sfence  }
0xbc: {  	s28 =	sld [smem:$0x0];
	_ =	sdelay $0x1  }
0xbd: {  	s29 =	srdreg.scid  }
0xbe: {  	s30 =	sshll.u32 s29, $0xD;
	s31 =	sshrl.u32 s29, $0x2  }
0xbf: {  	s1 =	sand.u32 $0x1, s29;
	s2 =	sand.u32 $0x4000, s30;
	s0 =	sadd.s32 s31, s28  }
0xc0: {  	s1 =	sor.u32 s2, s1;
	s0 =	sshll.u32 s0, $0x11  }
0xc1: {  	s0 =	sor.u32 s0, s1  }
0xc2: {  	s0 =	sadd.s32 $0x8F2B, s0  }
0xc3: {  	[sflag:s0] =	ssyncadd.remote.s32 $0x1  }
0xc4: {  	_ =	sfence.sel $0xFFFF  }
0xc5: {  	[dreg:$0x0] =	wrdreg $0xFFFFFFFF;
	(pc) =	sbr.abs _section_cstart, $3  }
0xc6: {  	[dreg:$0x1] =	wrdreg $0xFFFFFFFF  }
0xc7: {  	_ =	task.clear_ibuf [dreg:s7], $0x2FFFF;
	_ =	strace $0x9FFFFFFF  }
0xc8: {  	(tm) =	ssettm $0x7FFFFFFF  }
0xc9: {  	_ =	shalt  }
tec
execute0_lowered:
.L_overlay_start_1:
0x0: {  	(tag) =	ssettag $0x1  }
0x1: {  	s1 =	stileid.u32  }
0x2: {  	s6 =	rddreg [dreg:$0x0];
	p0 =	sgt.u32 s1, $0x7  }
.Ltmp0:
0x3: {  	s5 =	rddreg [dreg:$0x1];
	(pc) =	sbr.rel @p0 .LBB2_9-.Ltmp0, $4  }
0x4: {  	s3 =	rddreg [dreg:$0x2]  }
0x5: {  	s2 =	rddreg [dreg:$0x3];
	s4 =	simm.s32 $0x0  }
0x6: {  	[smem:$0x7FF] =	sst s4  }
0x7: {  	s0 =	rddreg [dreg:$0x4];
	_ =	strace $0x80000047  }
0x8: {  	[tilespmem:s4], [sflag:$0x1] =	stream.linear.gather [hbm4b:s6+s4], $0x400, $0x38;
	[tilespmem:$0xF80] =	vst v63  }
0x9: {  	s7 =	simm.s32 $0x1  }
0xa: {  	s31 =	sshll.u32 s1, $0x4;
	_ =	swait.ge [sflag:s7], $0x400  }
0xb: {  	s8 =	sshll.u32 s1, $0x7;
	s9 =	simm.s32 $0x80;
	[sflag:s7] =	ssyncset.done $0x0  }
0xc: {  	s10 =	simm.s32 $0x400;
	s5 =	sadd.s32 s5, s31;
	[sflag:s7] =	ssyncadd.s32 $0xFFFFFC00  }
0xd: {  	v0 =	vimm.s32 $0x63626160;
	[tilespmem:s10], [sflag:$0x1] =	stream.strided.gather [hbm4b:s5+s9], $0x200, s10, s9, $0x38;
	[tilespmem:$0xF80] =	vst v63  }
0xe: {  	v1 =	vunpack.c.0.s8.s32 v0;
	v0 =	vmov s8;
	_ =	swait.ge [sflag:s7], $0x200  }
0xf: {  	vm0 =	vcmask $0xF00;
	v3 =	vor.u32 s4, v0;
	[sflag:s7] =	ssyncset.done $0x0  }
0x10: {  	v1 =	vnsel vm0, $0x63, v1;
	[sflag:s7] =	ssyncadd.s32 $0xFFFFFE00  }
0x11: {  	v2 =	vor.u32 v1, v0;
	v1 =	vld [tilespmem:s8+$0x0]  }
0x12: {  	v5 =	vld [tilespmem:s8+$0x10]  }
0x13: {  	v9 =	vld [tilespmem:s8+$0x20]  }
0x14: {  	vm1 =	vmmov $0xf;
	v24 =	vimm.s32 $0x0;
	v20 =	vld.idx.msk [tilespmem:v3+s4+$0x0], $0xffff  }
0x15: {  	v10 =	vimm.s32 $0x0;
	v14 =	vimm.s32 $0x0;
	v18 =	vimm.s32 $0x0;
	s5 =	simm.s32 $0x1;
	v13 =	vld [tilespmem:s8+$0x30]  }
0x16: {  	v26 =	vimm.s32 $0x0;
	v7 =	vor.u32 s5, v0;
	v4 =	vld.idx.msk [tilespmem:v2+s4+$0x0], $0xffff;
	v2 =	vlaneseq.u32  }
0x17: {  	v3 =	vmov s4;
	v8 =	vor.u32 $0x20, v2;
	v12 =	vor.u32 $0x30, v2  }
0x18: {  	v16 =	vor.u32 $0x40, v2;
	v22 =	vor.u32 $0x50, v2;
	v25 =	vor.u32 $0x60, v2  }
0x19: {  	v17 =	vld [tilespmem:s8+$0x40];
	vm12 =	vlt.u32 v3, v2;
	vm4 =	vlt.u32 v3, v25;
	vm9 =	vlt.u32 v3, v8  }
0x1a: {  	v21 =	vld [tilespmem:s8+$0x50];
	vm7 =	vlt.u32 v3, v12;
	vm3 =	veq.f32 v20, v1;
	vm10 =	veq.f32 v20, v5  }
0x1b: {  	vm8 =	veq.f32 v20, v9;
	vm6 =	veq.f32 v20, v13;
	v23 =	vnsel vm1, $0xBF800000, v4  }
0x1c: {  	v4 =	vor.u32 $0x10, v2;
	vm12 =	vmand vm12, vm3;
	vm2 =	veq.f32 v20, v23  }
0x1d: {  	vm3 =	vlt.u32 v3, v22;
	vm5 =	vgt.f32 v20, v23;
	vm2 =	vmand vm4, vm2  }
0x1e: {  	vm11 =	vlt.u32 v3, v4;
	vm4 =	veq.f32 v20, v17;
	vm5 =	vmor vm5, vm2  }
0x1f: {  	s3 =	sadd.s32 s31, s3;
	vm2 =	veq.f32 v20, v21;
	v6 =	vsel vm5, $0x1, v24;
	vm5 =	vlt.u32 v3, v16  }
0x20: {  	s6 =	simm.s32 $0x2;
	s2 =	sadd.s32 s2, s31;
	s3 =	sadd.s32 $0x600, s3;
	v3 =	vimm.s32 $0x0;
	v27 =	vadd.s32 v6, v24;
	v6 =	vimm.s32 $0x0  }
.LBB2_2:
0x21: {  	p0 =	sne.s32 s6, $0x63;
	vm10 =	vmand vm11, vm10;
	vm8 =	vmand vm9, vm8;
	vm6 =	vmand vm7, vm6  }
0x22: {  	vm7 =	vgt.f32 v20, v1;
	vm4 =	vmand vm5, vm4;
	vm2 =	vmand vm3, vm2  }
0x23: {  	vm3 =	vgt.f32 v20, v5;
	vm5 =	vgt.f32 v20, v9;
	vm9 =	vgt.f32 v20, v13  }
0x24: {  	vm11 =	vgt.f32 v20, v17;
	vm7 =	vmor vm7, vm12;
	vm12 =	vgt.f32 v20, v21  }
0x25: {  	vm3 =	vmor vm3, vm10;
	vm5 =	vmor vm5, vm8;
	vm6 =	vmor vm9, vm6;
	v20 =	vld.idx.msk [tilespmem:v7+s4+$0x0], $0xffff  }
0x26: {  	vm4 =	vmor vm11, vm4;
	vm2 =	vmor vm12, vm2;
	v7 =	vsel vm7, $0x1, v24  }
0x27: {  	v11 =	vsel vm3, $0x1, v24;
	v15 =	vsel vm5, $0x1, v24;
	v19 =	vsel vm6, $0x1, v24  }
0x28: {  	v28 =	vsel vm2, $0x1, v24;
	v3 =	vadd.s32 v7, v3;
	v7 =	vsel vm4, $0x1, v24  }
0x29: {  	v6 =	vadd.s32 v11, v6;
	v10 =	vadd.s32 v15, v10;
	v14 =	vadd.s32 v19, v14  }
0x2a: {  	v11 =	vmov s5;
	s5 =	smov.u32 s6;
	v26 =	vadd.s32 v28, v26;
	v18 =	vadd.s32 v7, v18  }
0x2b: {  	vm4 =	vlt.u32 v11, v25;
	vm3 =	veq.f32 v20, v1;
	vm2 =	veq.f32 v20, v23  }
0x2c: {  	vm10 =	veq.f32 v20, v5;
	vm5 =	vgt.f32 v20, v23;
	vm2 =	vmand vm4, vm2  }
.Ltmp1:
0x2d: {  	vm8 =	veq.f32 v20, v9;
	vm6 =	veq.f32 v20, v13;
	vm5 =	vmor vm5, vm2;
	(pc) =	sbr.rel @p0 .LBB2_2-.Ltmp1, $4  }
0x2e: {  	vm4 =	veq.f32 v20, v17;
	vm2 =	veq.f32 v20, v21;
	v7 =	vsel vm5, $0x1, v24  }
0x2f: {  	vm12 =	vlt.u32 v11, v2;
	vm11 =	vlt.u32 v11, v4;
	v27 =	vadd.s32 v7, v27  }
0x30: {  	vm9 =	vlt.u32 v11, v8;
	vm7 =	vlt.u32 v11, v12;
	vm5 =	vlt.u32 v11, v16  }
0x31: {  	s6 =	sadd.s32 $0x1, s6;
	vm12 =	vmand vm12, vm3;
	vm3 =	vlt.u32 v11, v22;
	v7 =	vor.u32 s5, v0  }
0x32: {  	_ =	sdelay $0x3  }
0x33: {  	v28 =	vld.idx.msk [tilespmem:v7+s4+$0x0], $0xffff;
	_ =	sdelay $0x3  }
0x34: {  	v29 =	vmov s5  }
0x35: {  	vm13 =	vgt.f32 v20, v1;
	vm15 =	vlt.u32 v29, v2;
	vm14 =	veq.f32 v28, v1  }
0x36: {  	vm12 =	vmor vm13, vm12;
	vm13 =	vmand vm15, vm14;
	vm14 =	vgt.f32 v28, v1  }
0x37: {  	v0 =	vsel vm12, $0x1, v24;
	vm12 =	vmor vm14, vm13  }
0x38: {  	v30 =	vlaneseq.u32;
	v0 =	vadd.s32 v0, v3;
	v2 =	vsel vm12, $0x1, v24  }
0x39: {  	v7 =	vadd.s32 v2, v0;
	v0 =	vmul.u32 $0x4, v30;
	_ =	sdelay $0x3  }
0x3a: {  	s24 =	simm.s32 $0x600  }
0x3b: {  	s4 =	simm.s32 $0x400;
	[tilespmem:v7+s24+$0x0] =	vst.idx.msk $0xffff, v1  }
0x3c: {  	v3 =	vadd.s32 $0x70, v7;
	v2 =	vld.idx.msk [tilespmem:v0+s4+$0x0], $0xffff  }
0x3d: {  	v1 =	vor.u32 $0x1, v0;
	_ =	sdelay $0x3  }
0x3e: {  	[tilespmem:v3+s24+$0x0] =	vst.idx.msk $0xffff, v2  }
0x3f: {  	v11 =	vadd.s32 $0xE0, v7;
	v3 =	vld.idx.msk [tilespmem:v1+s4+$0x0], $0xffff  }
0x40: {  	v2 =	vor.u32 $0x2, v0;
	_ =	sdelay $0x3  }
0x41: {  	[tilespmem:v11+s24+$0x0] =	vst.idx.msk $0xffff, v3  }
0x42: {  	v15 =	vadd.s32 $0x150, v7;
	v11 =	vld.idx.msk [tilespmem:v2+s4+$0x0], $0xffff  }
0x43: {  	v3 =	vor.u32 $0x3, v0  }
0x44: {  	vm10 =	vmand vm11, vm10  }
0x45: {  	vm11 =	vgt.f32 v20, v5;
	vm13 =	vlt.u32 v29, v4;
	vm12 =	veq.f32 v28, v5  }
0x46: {  	vm10 =	vmor vm11, vm10;
	vm11 =	vmand vm13, vm12;
	vm12 =	vgt.f32 v28, v5  }
0x47: {  	v4 =	vsel vm10, $0x1, v24;
	vm12 =	vmor vm12, vm11;
	[tilespmem:v15+s24+$0x0] =	vst.idx.msk $0xffff, v11  }
0x48: {  	v4 =	vadd.s32 v4, v6;
	v6 =	vsel vm12, $0x1, v24;
	v7 =	vadd.s32 $0x1C0, v7;
	v11 =	vld.idx.msk [tilespmem:v3+s4+$0x0], $0xffff  }
0x49: {  	v15 =	vadd.s32 v6, v4  }
0x4a: {  	v4 =	vor.u32 $0x40, v0;
	_ =	sdelay $0x2  }
0x4b: {  	[tilespmem:v7+s24+$0x0] =	vst.idx.msk $0xffff, v11  }
0x4c: {  	[tilespmem:v15+s24+$0x0] =	vst.idx.msk $0xffff, v5  }
0x4d: {  	v7 =	vadd.s32 $0x70, v15;
	v6 =	vld.idx.msk [tilespmem:v4+s4+$0x0], $0xffff  }
0x4e: {  	v5 =	vor.u32 $0x41, v0;
	_ =	sdelay $0x3  }
0x4f: {  	[tilespmem:v7+s24+$0x0] =	vst.idx.msk $0xffff, v6  }
0x50: {  	v11 =	vadd.s32 $0xE0, v15;
	v7 =	vld.idx.msk [tilespmem:v5+s4+$0x0], $0xffff  }
0x51: {  	v6 =	vor.u32 $0x42, v0;
	_ =	sdelay $0x3  }
0x52: {  	[tilespmem:v11+s24+$0x0] =	vst.idx.msk $0xffff, v7  }
0x53: {  	v19 =	vadd.s32 $0x150, v15;
	v11 =	vld.idx.msk [tilespmem:v6+s4+$0x0], $0xffff  }
0x54: {  	v7 =	vor.u32 $0x43, v0  }
0x55: {  	vm8 =	vmand vm9, vm8  }
0x56: {  	vm15 =	vlt.u32 v29, v8;
	vm14 =	veq.f32 v28, v9;
	vm13 =	vgt.f32 v20, v9  }
0x57: {  	vm8 =	vmor vm13, vm8;
	vm13 =	vgt.f32 v28, v9;
	vm12 =	vmand vm15, vm14  }
0x58: {  	v8 =	vsel vm8, $0x1, v24;
	vm14 =	vmor vm13, vm12;
	[tilespmem:v19+s24+$0x0] =	vst.idx.msk $0xffff, v11  }
0x59: {  	v8 =	vadd.s32 v8, v10;
	v10 =	vsel vm14, $0x1, v24;
	v15 =	vadd.s32 $0x1C0, v15;
	v11 =	vld.idx.msk [tilespmem:v7+s4+$0x0], $0xffff  }
0x5a: {  	v19 =	vadd.s32 v10, v8  }
0x5b: {  	v8 =	vor.u32 $0x80, v0;
	_ =	sdelay $0x2  }
0x5c: {  	[tilespmem:v15+s24+$0x0] =	vst.idx.msk $0xffff, v11  }
0x5d: {  	[tilespmem:v19+s24+$0x0] =	vst.idx.msk $0xffff, v9  }
0x5e: {  	v11 =	vadd.s32 $0x70, v19;
	v10 =	vld.idx.msk [tilespmem:v8+s4+$0x0], $0xffff  }
0x5f: {  	v9 =	vor.u32 $0x81, v0;
	_ =	sdelay $0x3  }
0x60: {  	[tilespmem:v11+s24+$0x0] =	vst.idx.msk $0xffff, v10  }
0x61: {  	v15 =	vadd.s32 $0xE0, v19;
	v11 =	vld.idx.msk [tilespmem:v9+s4+$0x0], $0xffff  }
0x62: {  	v10 =	vor.u32 $0x82, v0;
	_ =	sdelay $0x3  }
0x63: {  	[tilespmem:v15+s24+$0x0] =	vst.idx.msk $0xffff, v11  }
0x64: {  	v31 =	vadd.s32 $0x150, v19;
	v15 =	vld.idx.msk [tilespmem:v10+s4+$0x0], $0xffff  }
0x65: {  	v11 =	vor.u32 $0x83, v0  }
0x66: {  	vm6 =	vmand vm7, vm6  }
0x67: {  	vm15 =	vgt.f32 v20, v13;
	vm12 =	veq.f32 v28, v13;
	vm13 =	vlt.u32 v29, v12  }
0x68: {  	vm6 =	vmor vm15, vm6;
	vm15 =	vgt.f32 v28, v13;
	vm14 =	vmand vm13, vm12  }
0x69: {  	v12 =	vsel vm6, $0x1, v24;
	vm11 =	vmor vm15, vm14;
	[tilespmem:v31+s24+$0x0] =	vst.idx.msk $0xffff, v15  }
0x6a: {  	v12 =	vadd.s32 v12, v14;
	v14 =	vsel vm11, $0x1, v24;
	v19 =	vadd.s32 $0x1C0, v19;
	v15 =	vld.idx.msk [tilespmem:v11+s4+$0x0], $0xffff  }
0x6b: {  	v31 =	vadd.s32 v14, v12  }
0x6c: {  	v12 =	vor.u32 $0xC0, v0;
	_ =	sdelay $0x2  }
0x6d: {  	[tilespmem:v19+s24+$0x0] =	vst.idx.msk $0xffff, v15  }
0x6e: {  	[tilespmem:v31+s24+$0x0] =	vst.idx.msk $0xffff, v13  }
0x6f: {  	v15 =	vadd.s32 $0x70, v31;
	v14 =	vld.idx.msk [tilespmem:v12+s4+$0x0], $0xffff  }
0x70: {  	v13 =	vor.u32 $0xC1, v0;
	_ =	sdelay $0x3  }
0x71: {  	[tilespmem:v15+s24+$0x0] =	vst.idx.msk $0xffff, v14  }
0x72: {  	v19 =	vadd.s32 $0xE0, v31;
	v15 =	vld.idx.msk [tilespmem:v13+s4+$0x0], $0xffff  }
0x73: {  	v14 =	vor.u32 $0xC2, v0;
	_ =	sdelay $0x3  }
0x74: {  	[tilespmem:v19+s24+$0x0] =	vst.idx.msk $0xffff, v15  }
0x75: {  	v32 =	vadd.s32 $0x150, v31;
	v19 =	vld.idx.msk [tilespmem:v14+s4+$0x0], $0xffff  }
0x76: {  	v15 =	vor.u32 $0xC3, v0  }
0x77: {  	vm4 =	vmand vm5, vm4  }
0x78: {  	vm12 =	vgt.f32 v20, v17;
	vm13 =	veq.f32 v28, v17;
	vm14 =	vlt.u32 v29, v16  }
0x79: {  	vm9 =	vgt.f32 v28, v17;
	vm4 =	vmor vm12, vm4;
	vm15 =	vmand vm14, vm13  }
0x7a: {  	v16 =	vsel vm4, $0x1, v24;
	vm10 =	vmor vm9, vm15;
	[tilespmem:v32+s24+$0x0] =	vst.idx.msk $0xffff, v19  }
0x7b: {  	v16 =	vadd.s32 v16, v18;
	v18 =	vsel vm10, $0x1, v24;
	v31 =	vadd.s32 $0x1C0, v31;
	v19 =	vld.idx.msk [tilespmem:v15+s4+$0x0], $0xffff  }
0x7c: {  	v59 =	vadd.s32 v18, v16  }
0x7d: {  	v16 =	vor.u32 $0x100, v0;
	_ =	sdelay $0x2  }
0x7e: {  	[tilespmem:v31+s24+$0x0] =	vst.idx.msk $0xffff, v19  }
0x7f: {  	[tilespmem:v59+s24+$0x0] =	vst.idx.msk $0xffff, v17  }
0x80: {  	v19 =	vadd.s32 $0x70, v59;
	v18 =	vld.idx.msk [tilespmem:v16+s4+$0x0], $0xffff  }
0x81: {  	v17 =	vor.u32 $0x101, v0;
	_ =	sdelay $0x3  }
0x82: {  	[tilespmem:v19+s24+$0x0] =	vst.idx.msk $0xffff, v18  }
0x83: {  	v31 =	vadd.s32 $0xE0, v59;
	v19 =	vld.idx.msk [tilespmem:v17+s4+$0x0], $0xffff  }
0x84: {  	v18 =	vor.u32 $0x102, v0;
	_ =	sdelay $0x3  }
0x85: {  	[tilespmem:v31+s24+$0x0] =	vst.idx.msk $0xffff, v19  }
0x86: {  	v33 =	vadd.s32 $0x150, v59;
	v31 =	vld.idx.msk [tilespmem:v18+s4+$0x0], $0xffff  }
0x87: {  	v19 =	vor.u32 $0x103, v0  }
0x88: {  	vm2 =	vmand vm3, vm2  }
0x89: {  	vm3 =	vgt.f32 v20, v21;
	vm12 =	vlt.u32 v29, v22;
	vm11 =	veq.f32 v28, v21  }
0x8a: {  	vm2 =	vmor vm3, vm2;
	vm13 =	vgt.f32 v28, v21;
	vm3 =	vmand vm12, vm11  }
0x8b: {  	v20 =	vsel vm2, $0x1, v24;
	vm2 =	vmor vm13, vm3;
	[tilespmem:v33+s24+$0x0] =	vst.idx.msk $0xffff, v31  }
0x8c: {  	v20 =	vadd.s32 v20, v26;
	v22 =	vsel vm2, $0x1, v24;
	v31 =	vadd.s32 $0x1C0, v59;
	v26 =	vld.idx.msk [tilespmem:v19+s4+$0x0], $0xffff  }
0x8d: {  	v60 =	vadd.s32 v22, v20  }
0x8e: {  	v20 =	vor.u32 $0x140, v0;
	_ =	sdelay $0x2  }
0x8f: {  	[tilespmem:v31+s24+$0x0] =	vst.idx.msk $0xffff, v26  }
0x90: {  	[tilespmem:v60+s24+$0x0] =	vst.idx.msk $0xffff, v21  }
0x91: {  	v26 =	vadd.s32 $0x70, v60;
	v22 =	vld.idx.msk [tilespmem:v20+s4+$0x0], $0xffff  }
0x92: {  	v21 =	vor.u32 $0x141, v0;
	_ =	sdelay $0x3  }
0x93: {  	[tilespmem:v26+s24+$0x0] =	vst.idx.msk $0xffff, v22  }
0x94: {  	v31 =	vadd.s32 $0xE0, v60;
	v26 =	vld.idx.msk [tilespmem:v21+s4+$0x0], $0xffff  }
0x95: {  	v22 =	vor.u32 $0x142, v0;
	_ =	sdelay $0x3  }
0x96: {  	v61 =	vimm.s32 $0x67666564;
	vm14 =	vgt.f32 v28, v23;
	vm3 =	vlt.u32 v29, v25;
	[tilespmem:v31+s24+$0x0] =	vst.idx.msk $0xffff, v26  }
0x97: {  	v29 =	vimm.s32 $0x6B6A6968;
	vm2 =	veq.f32 v28, v23;
	v28 =	vadd.s32 $0x150, v60;
	v25 =	vld.idx.msk [tilespmem:v22+s4+$0x0], $0xffff  }
0x98: {  	vm2 =	vmand vm3, vm2;
	v31 =	vimm.s32 $0x6F6E6D6C;
	v26 =	vor.u32 $0x143, v0  }
0x99: {  	v29 =	vunpack.c.0.s8.s32 v29;
	vm2 =	vmor vm14, vm2;
	v31 =	vunpack.c.0.s8.s32 v31  }
0x9a: {  	v24 =	vsel vm2, $0x1, v24;
	vm2 =	vcmask $0x1F10;
	v33 =	vunpack.c.0.s8.s32 v61  }
0x9b: {  	v24 =	vadd.s32 v24, v27;
	v27 =	vsel vm2, v31, v29  }
0x9c: {  	vm2 =	vcmask $0x300;
	v27 =	vcombine.low v33, v27;
	[tilespmem:v28+s24+$0x0] =	vst.idx.msk $0xffff, v25;
	v25 =	vimm.s32 $0x18C  }
0x9d: {  	vm3 =	vcmask $0x704;
	v29 =	vadd.s32 $0x1C0, v60;
	v28 =	vld.idx.msk [tilespmem:v26+s4+$0x0], $0xffff;
	v25 =	vsel vm2, $0x180, v25  }
0x9e: {  	vm15 =	vcmask $0xB08;
	v31 =	vsel vm1, v24, v27;
	v24 =	vsel vm3, $0x184, v25  }
0x9f: {  	v27 =	vsel vm15, $0x188, v24;
	_ =	sdelay $0x2  }
0xa0: {  	[tilespmem:v29+s24+$0x0] =	vst.idx.msk $0xffff, v28  }
0xa1: {  	[tilespmem:v31+s24+$0x0] =	vst.idx.msk $0xffff, v23;
	v23 =	vimm.s32 $0x18D  }
0xa2: {  	v25 =	vld.idx.msk [tilespmem:v27+s4+$0x0], $0xffff;
	v23 =	vsel vm2, $0x181, v23  }
0xa3: {  	v28 =	vadd.s32 $0x70, v31;
	v23 =	vsel vm3, $0x185, v23  }
0xa4: {  	v24 =	vsel vm15, $0x189, v23;
	_ =	sdelay $0x2  }
0xa5: {  	v23 =	vnsel vm1, $0x0, v25  }
0xa6: {  	[tilespmem:v28+s24+$0x0] =	vst.idx.msk $0xffff, v23;
	v23 =	vimm.s32 $0x18E  }
0xa7: {  	v28 =	vld.idx.msk [tilespmem:v24+s4+$0x0], $0xffff;
	v23 =	vsel vm2, $0x182, v23  }
0xa8: {  	v29 =	vadd.s32 $0xE0, v31;
	v23 =	vsel vm3, $0x186, v23  }
0xa9: {  	v25 =	vsel vm15, $0x18A, v23;
	_ =	sdelay $0x2  }
0xaa: {  	v23 =	vnsel vm1, $0x0, v28  }
0xab: {  	[tilespmem:v29+s24+$0x0] =	vst.idx.msk $0xffff, v23;
	v23 =	vimm.s32 $0x18F  }
0xac: {  	v28 =	vld.idx.msk [tilespmem:v25+s4+$0x0], $0xffff;
	v23 =	vsel vm2, $0x183, v23  }
0xad: {  	v29 =	vadd.s32 $0x150, v31;
	v23 =	vsel vm3, $0x187, v23  }
0xae: {  	v23 =	vsel vm15, $0x18B, v23;
	_ =	sdelay $0x2  }
0xaf: {  	v28 =	vnsel vm1, $0x0, v28  }
0xb0: {  	[tilespmem:v29+s24+$0x0] =	vst.idx.msk $0xffff, v28  }
0xb1: {  	v28 =	vld.idx.msk [tilespmem:v23+s4+$0x0], $0xffff  }
0xb2: {  	v29 =	vadd.s32 $0x1C0, v31;
	_ =	sdelay $0x3  }
0xb3: {  	v28 =	vnsel vm1, $0x0, v28  }
0xb4: {  	[tilespmem:v29+s24+$0x0] =	vst.idx.msk $0xffff, v28  }
0xb5: {  	v31 =	vld [tilespmem:$0x670]  }
0xb6: {  	v62 =	vld [tilespmem:$0x6E0]  }
0xb7: {  	v63 =	vld [tilespmem:$0x750]  }
0xb8: {  	v34 =	vld [tilespmem:$0x7C0];
	_ =	sdelay $0x4  }
0xb9: {  	v28 =	vsub.f32 v63, v31;
	v29 =	vsub.f32 v34, v62  }
0xba: {  	vm1 =	vgt.f32 v63, v31  }
0xbb: {  	vm2 =	vgt.f32 v34, v62;
	v28 =	vmax.f32 v28, $0.0e+00;
	v29 =	vmax.f32 v29, $0.0e+00  }
0xbc: {  	vm1 =	vmand vm1, vm2;
	v35 =	vmul.f32 v29, v28;
	v28 =	vimm.s32 $0x0  }
0xbd: {  	v36 =	vsel vm1, $0x1, v28  }
0xbe: {  	v29 =	vimm.s32 $0x1;
	(xrf0) =	vadd.scan.msk.s32 $0xffff, v36  }
0xbf: {  	[tilespmem:$0x900] =	vst v29  }
0xc0: {  	s5 =	simm.s32 $0x980;
	[tilespmem:$0x880] =	vst v35  }
0xc1: {  	s6 =	simm.s32 $0xA00;
	[tilespmem:s5+$0x0] =	vst.msk vm1, v31  }
0xc2: {  	s7 =	simm.s32 $0xA80;
	[tilespmem:s6+$0x0] =	vst.msk vm1, v62  }
0xc3: {  	s8 =	simm.s32 $0xB00;
	[tilespmem:s7+$0x0] =	vst.msk vm1, v63  }
0xc4: {  	s9 =	simm.s32 $0xB80;
	[tilespmem:s8+$0x0] =	vst.msk vm1, v34;
	v31, _, _ =	vpop (xrf0)  }
0xc5: {  	s10 =	simm.s32 $0xC00;
	[tilespmem:s9+$0x0] =	vst.msk vm1, v35;
	(v2sf) =	vpush v31, $0xF  }
0xc6: {  	[tilespmem:s10+$0x0] =	vst.msk vm1, v30  }
0xc7: {  	v31 =	vld [tilespmem:$0x680]  }
0xc8: {  	v32 =	vld [tilespmem:$0x6F0]  }
0xc9: {  	v33 =	vld [tilespmem:$0x760]  }
0xca: {  	v34 =	vld [tilespmem:$0x7D0];
	_ =	sdelay $0x3  }
0xcb: {  	v40 =	vsub.f32 v33, v31  }
0xcc: {  	v41 =	vsub.f32 v34, v32;
	vm1 =	vgt.f32 v33, v31;
	vm2 =	vgt.f32 v34, v32  }
0xcd: {  	vm1 =	vmand vm1, vm2  }
0xce: {  	v35 =	vmax.f32 v40, $0.0e+00;
	v36 =	vmax.f32 v41, $0.0e+00;
	v42 =	vsel vm1, $0x1, v28  }
0xcf: {  	v35 =	vmul.f32 v36, v35;
	(xrf0) =	vadd.scan.msk.s32 $0xffff, v42  }
0xd0: {  	[tilespmem:$0x910] =	vst v29  }
0xd1: {  	[tilespmem:$0x890] =	vst v35;
	s25 =	spop (v2sf)  }
0xd2: {  	[tilespmem:s25+$0x980] =	vst.msk vm1, v31  }
0xd3: {  	[tilespmem:s25+$0xA00] =	vst.msk vm1, v32  }
0xd4: {  	[tilespmem:s25+$0xA80] =	vst.msk vm1, v33  }
0xd5: {  	v31, _, _ =	vpop (xrf0);
	[tilespmem:s25+$0xB00] =	vst.msk vm1, v34  }
0xd6: {  	v43 =	vor.u32 $0x10, v30;
	(v2sf) =	vpush v31, $0xF;
	[tilespmem:s25+$0xB80] =	vst.msk vm1, v35  }
0xd7: {  	[tilespmem:s25+$0xC00] =	vst.msk vm1, v43  }
0xd8: {  	v31 =	vld [tilespmem:$0x690]  }
0xd9: {  	v32 =	vld [tilespmem:$0x700]  }
0xda: {  	v33 =	vld [tilespmem:$0x770]  }
0xdb: {  	v34 =	vld [tilespmem:$0x7E0];
	_ =	sdelay $0x4  }
0xdc: {  	vm1 =	vgt.f32 v33, v31;
	vm2 =	vgt.f32 v34, v32  }
0xdd: {  	v44 =	vsub.f32 v33, v31;
	v45 =	vsub.f32 v34, v32;
	vm1 =	vmand vm1, vm2  }
0xde: {  	v46 =	vsel vm1, $0x1, v28  }
0xdf: {  	v35 =	vmax.f32 v44, $0.0e+00;
	v36 =	vmax.f32 v45, $0.0e+00;
	(xrf0) =	vadd.scan.msk.s32 $0xffff, v46  }
0xe0: {  	v35 =	vmul.f32 v36, v35  }
0xe1: {  	[tilespmem:$0x920] =	vst v29;
	s11 =	spop (v2sf)  }
0xe2: {  	[tilespmem:$0x8A0] =	vst v35;
	s10 =	sadd.s32 s25, s11  }
0xe3: {  	[tilespmem:s10+$0x980] =	vst.msk vm1, v31  }
0xe4: {  	[tilespmem:s10+$0xA00] =	vst.msk vm1, v32  }
0xe5: {  	[tilespmem:s10+$0xA80] =	vst.msk vm1, v33;
	v31, _, _ =	vpop (xrf0)  }
0xe6: {  	[tilespmem:s10+$0xB00] =	vst.msk vm1, v34;
	(v2sf) =	vpush v31, $0xF  }
0xe7: {  	v47 =	vor.u32 $0x20, v30;
	[tilespmem:s10+$0xB80] =	vst.msk vm1, v35  }
0xe8: {  	[tilespmem:s10+$0xC00] =	vst.msk vm1, v47  }
0xe9: {  	v31 =	vld [tilespmem:$0x6A0]  }
0xea: {  	v32 =	vld [tilespmem:$0x710]  }
0xeb: {  	v33 =	vld [tilespmem:$0x780]  }
0xec: {  	v34 =	vld [tilespmem:$0x7F0];
	_ =	sdelay $0x3  }
0xed: {  	v48 =	vsub.f32 v33, v31  }
0xee: {  	v49 =	vsub.f32 v34, v32;
	vm1 =	vgt.f32 v33, v31;
	vm2 =	vgt.f32 v34, v32  }
0xef: {  	vm1 =	vmand vm1, vm2  }
0xf0: {  	v35 =	vmax.f32 v48, $0.0e+00;
	v36 =	vmax.f32 v49, $0.0e+00;
	v50 =	vsel vm1, $0x1, v28  }
0xf1: {  	v35 =	vmul.f32 v36, v35;
	(xrf0) =	vadd.scan.msk.s32 $0xffff, v50  }
0xf2: {  	[tilespmem:$0x930] =	vst v29;
	s26 =	spop (v2sf)  }
0xf3: {  	[tilespmem:$0x8B0] =	vst v35;
	s10 =	sadd.s32 s10, s26  }
0xf4: {  	[tilespmem:s10+$0x980] =	vst.msk vm1, v31  }
0xf5: {  	[tilespmem:s10+$0xA00] =	vst.msk vm1, v32  }
0xf6: {  	[tilespmem:s10+$0xA80] =	vst.msk vm1, v33  }
0xf7: {  	v31, _, _ =	vpop (xrf0);
	[tilespmem:s10+$0xB00] =	vst.msk vm1, v34  }
0xf8: {  	v51 =	vor.u32 $0x30, v30;
	(v2sf) =	vpush v31, $0xF;
	[tilespmem:s10+$0xB80] =	vst.msk vm1, v35  }
0xf9: {  	[tilespmem:s10+$0xC00] =	vst.msk vm1, v51  }
0xfa: {  	v31 =	vld [tilespmem:$0x6B0]  }
0xfb: {  	v32 =	vld [tilespmem:$0x720]  }
0xfc: {  	v33 =	vld [tilespmem:$0x790]  }
0xfd: {  	v34 =	vld [tilespmem:$0x800];
	_ =	sdelay $0x4  }
0xfe: {  	vm1 =	vgt.f32 v33, v31;
	vm2 =	vgt.f32 v34, v32  }
0xff: {  	v52 =	vsub.f32 v33, v31;
	v53 =	vsub.f32 v34, v32;
	vm1 =	vmand vm1, vm2  }
0x100: {  	v54 =	vsel vm1, $0x1, v28  }
0x101: {  	v35 =	vmax.f32 v52, $0.0e+00;
	v36 =	vmax.f32 v53, $0.0e+00;
	(xrf0) =	vadd.scan.msk.s32 $0xffff, v54  }
0x102: {  	v35 =	vmul.f32 v36, v35  }
0x103: {  	[tilespmem:$0x940] =	vst v29;
	s28 =	spop (v2sf)  }
0x104: {  	[tilespmem:$0x8C0] =	vst v35;
	s10 =	sadd.s32 s10, s28  }
0x105: {  	[tilespmem:s10+$0x980] =	vst.msk vm1, v31  }
0x106: {  	[tilespmem:s10+$0xA00] =	vst.msk vm1, v32  }
0x107: {  	[tilespmem:s10+$0xA80] =	vst.msk vm1, v33;
	v31, _, _ =	vpop (xrf0)  }
0x108: {  	[tilespmem:s10+$0xB00] =	vst.msk vm1, v34;
	(v2sf) =	vpush v31, $0xF  }
0x109: {  	v55 =	vor.u32 $0x40, v30;
	[tilespmem:s10+$0xB80] =	vst.msk vm1, v35  }
0x10a: {  	[tilespmem:s10+$0xC00] =	vst.msk vm1, v55  }
0x10b: {  	v31 =	vld [tilespmem:$0x6C0]  }
0x10c: {  	v32 =	vld [tilespmem:$0x730]  }
0x10d: {  	v33 =	vld [tilespmem:$0x7A0]  }
0x10e: {  	v34 =	vld [tilespmem:$0x810];
	_ =	sdelay $0x4  }
0x10f: {  	v56 =	vsub.f32 v33, v31;
	v57 =	vsub.f32 v34, v32;
	_ =	sdelay $0x1  }
0x110: {  	v35 =	vmax.f32 v56, $0.0e+00;
	v36 =	vmax.f32 v57, $0.0e+00  }
0x111: {  	v35 =	vmul.f32 v36, v35  }
0x112: {  	[tilespmem:$0x950] =	vst v29;
	vm1 =	vgt.f32 v33, v31;
	vm2 =	vgt.f32 v34, v32;
	s29 =	spop (v2sf)  }
0x113: {  	vm1 =	vmand vm1, vm2;
	[tilespmem:$0x8D0] =	vst v35;
	s10 =	sadd.s32 s10, s29  }
0x114: {  	[tilespmem:s10+$0x980] =	vst.msk vm1, v31  }
0x115: {  	[tilespmem:s10+$0xA00] =	vst.msk vm1, v32  }
0x116: {  	[tilespmem:s10+$0xA80] =	vst.msk vm1, v33  }
0x117: {  	[tilespmem:s10+$0xB00] =	vst.msk vm1, v34  }
0x118: {  	v31 =	vor.u32 $0x50, v30;
	[tilespmem:s10+$0xB80] =	vst.msk vm1, v35  }
0x119: {  	[tilespmem:s10+$0xC00] =	vst.msk vm1, v31  }
0x11a: {  	v31 =	vld [tilespmem:$0x6D0]  }
0x11b: {  	v59 =	vld [tilespmem:$0x740]  }
0x11c: {  	v58 =	vsel vm1, $0x1, v28;
	v33 =	vld [tilespmem:$0x7B0]  }
0x11d: {  	(xrf0) =	vadd.scan.msk.s32 $0xffff, v58;
	v34 =	vld [tilespmem:$0x820];
	_ =	sdelay $0x4  }
0x11e: {  	vm1 =	vgt.f32 v33, v31;
	vm2 =	vgt.f32 v34, v59  }
0x11f: {  	v60, _, _ =	vpop (xrf0);
	vm1 =	vmand vm1, vm2  }
0x120: {  	(v2sf) =	vpush v60, $0xF;
	v61 =	vsel vm1, $0x1, v28  }
0x121: {  	(xrf0) =	vadd.scan.msk.s32 $0xffff, v61;
	_ =	sdelay $0x5  }
0x122: {  	v37, _, _ =	vpop (xrf0)  }
0x123: {  	(v2sf) =	vpush v37, $0xF;
	_ =	sdelay $0x2  }
0x124: {  	v62 =	vsub.f32 v33, v31;
	v63 =	vsub.f32 v34, v59;
	_ =	sdelay $0x1  }
0x125: {  	v35 =	vmax.f32 v62, $0.0e+00;
	v36 =	vmax.f32 v63, $0.0e+00  }
0x126: {  	v35 =	vmul.f32 v36, v35  }
0x127: {  	[tilespmem:$0x960] =	vst v29;
	s30 =	spop (v2sf)  }
0x128: {  	[tilespmem:$0x8E0] =	vst v35;
	s10 =	sadd.s32 s10, s30  }
0x129: {  	[tilespmem:s10+$0x980] =	vst.msk vm1, v31  }
0x12a: {  	[tilespmem:s10+$0xA00] =	vst.msk vm1, v59  }
0x12b: {  	[tilespmem:s10+$0xA80] =	vst.msk vm1, v33  }
0x12c: {  	[tilespmem:s10+$0xB00] =	vst.msk vm1, v34  }
0x12d: {  	v30 =	vor.u32 $0x60, v30;
	[tilespmem:s10+$0xB80] =	vst.msk vm1, v35  }
0x12e: {  	[tilespmem:s10+$0xC00] =	vst.msk vm1, v30  }
0x12f: {  	[tilespmem:$0xC80] =	vst v29;
	s31 =	spop (v2sf)  }
0x130: {  	[tilespmem:$0xC90] =	vst v29;
	s10 =	sadd.s32 s10, s31  }
0x131: {  	[tilespmem:$0xCA0] =	vst v29;
	p0 =	slt.s32 s10, $0x1  }
.Ltmp2:
0x132: {  	[tilespmem:$0xCB0] =	vst v29;
	(pc) =	sbr.rel @p0 .LBB2_8-.Ltmp2, $4  }
0x133: {  	[tilespmem:$0xCC0] =	vst v29  }
0x134: {  	[tilespmem:$0xCD0] =	vst v29  }
0x135: {  	[tilespmem:$0xCE0] =	vst v29  }
0x136: {  	[tilespmem:$0xCF0] =	vst v29  }
0x137: {  	p0 =	slt.u32 s10, $0x11  }
0x138: {  	s13 =	simm.s32 @!p0 $0x0  }
0x139: {  	s13 =	simm.s32 @p0 $0x1;
	p0 =	slt.u32 s10, $0x21  }
0x13a: {  	[smem:$0x7F8] =	sst s13;
	s13 =	simm.s32 @!p0 $0x0  }
0x13b: {  	s13 =	simm.s32 @p0 $0x1;
	p0 =	slt.u32 s10, $0x41  }
0x13c: {  	[smem:$0x7F9] =	sst s13;
	s13 =	simm.s32 @!p0 $0x0  }
0x13d: {  	s13 =	simm.s32 @p0 $0x1;
	p0 =	slt.u32 s10, $0x51  }
0x13e: {  	[smem:$0x7FA] =	sst s13;
	s13 =	simm.s32 @!p0 $0x0  }
0x13f: {  	s13 =	simm.s32 @p0 $0x1;
	p0 =	slt.u32 s10, $0x61  }
0x140: {  	[smem:$0x7FB] =	sst s13;
	s13 =	simm.s32 @!p0 $0x0  }
0x141: {  	p3 =	slt.u32 s10, $0x31;
	s13 =	simm.s32 @p0 $0x1  }
0x142: {  	[smem:$0x7FC] =	sst s13;
	s13 =	simm.s32 @!p3 $0x0  }
0x143: {  	v30 =	vimm.s32 $0x1;
	v31 =	vimm.s32 $0x1;
	v33 =	vimm.s32 $0x1;
	s13 =	simm.s32 @p3 $0x1  }
0x144: {  	s11 =	simm.s32 $0x0;
	s12 =	simm.s32 $0xC80;
	v34 =	vimm.s32 $0x1;
	v35 =	vimm.s32 $0x1;
	v32 =	vimm.s32 $0x1;
	[smem:$0x7FD] =	sst s13  }
.LBB2_5:
0x145: {  	v36 =	vmov s11;
	p6 =	sgt.u32 s11, $0xE  }
0x146: {  	v37 =	vld @!p6 [tilespmem:$0x980]  }
0x147: {  	v43 =	vld @!p6 [tilespmem:$0xA00]  }
0x148: {  	s13 =	sld [smem:$0x7F8];
	v39 =	vld @!p6 [tilespmem:$0xA80]  }
0x149: {  	v44 =	vld @!p6 [tilespmem:$0xB00]  }
0x14a: {  	v41 =	vld.idx.msk [tilespmem:v36+s5+$0x0], $0xffff  }
0x14b: {  	p0 =	seq.s32 s13, $0x1;
	v42 =	vld.idx.msk [tilespmem:v36+s6+$0x0], $0xffff  }
0x14c: {  	p2 =	por p3, p3;
	p3 =	sgt.u32 @!p0 s11, $0x1E;
	v40 =	vld.idx.msk [tilespmem:v36+s7+$0x0], $0xffff  }
0x14d: {  	v38 =	vld.idx.msk [tilespmem:v36+s8+$0x0], $0xffff;
	p5 =	por p3, p0  }
0x14e: {  	v45 =	vld @!p5 [tilespmem:$0x990]  }
0x14f: {  	v46 =	vld @!p5 [tilespmem:$0xA10]  }
0x150: {  	v47 =	vld @!p5 [tilespmem:$0xA90]  }
0x151: {  	s26 =	sld [smem:$0x7F9];
	v48 =	vld @!p5 [tilespmem:$0xB10];
	_ =	sdelay $0x1  }
0x152: {  	v37 =	vmax.f32 @!p6 v37, v41  }
0x153: {  	s13 =	simm.s32 @!p3 $0x0;
	p0 =	seq.s32 s26, $0x1;
	v49 =	vmin.f32 @!p6 v39, v40;
	v39 =	vld.idx.msk [tilespmem:v36+s9+$0x0], $0xffff;
	v43 =	vmax.f32 @!p6 v43, v42;
	v44 =	vmin.f32 @!p6 v44, v38  }
0x154: {  	s13 =	simm.s32 @p3 $0x1;
	p3 =	sgt.u32 @!p0 s11, $0x2E;
	v37 =	vsub.f32 @!p6 v49, v37;
	v49 =	vld @!p6 [tilespmem:$0xB80];
	v43 =	vsub.f32 @!p6 v44, v43;
	v44 =	vmax.f32 @!p5 v45, v41  }
0x155: {  	[smem:$0x7F0] =	sst s13;
	s13 =	simm.s32 @!p3 $0x0;
	v45 =	vld @!p5 [tilespmem:$0xB90];
	v46 =	vmax.f32 @!p5 v46, v42;
	v47 =	vmin.f32 @!p5 v47, v40;
	v48 =	vmin.f32 @!p5 v48, v38  }
0x156: {  	s13 =	simm.s32 @p3 $0x1;
	p3 =	por p3, p0;
	v44 =	vsub.f32 @!p5 v47, v44;
	v46 =	vsub.f32 @!p5 v48, v46  }
0x157: {  	v48 =	vld @!p3 [tilespmem:$0xA20];
	v37 =	vmax.f32 @!p6 v37, $0.0e+00;
	v43 =	vmax.f32 @!p6 v43, $0.0e+00  }
0x158: {  	v37 =	vmul.f32 @!p6 v43, v37;
	v43 =	vld @!p3 [tilespmem:$0x9A0];
	v44 =	vmax.f32 @!p5 v44, $0.0e+00;
	v46 =	vmax.f32 @!p5 v46, $0.0e+00  }
0x159: {  	v44 =	vmul.f32 @!p5 v46, v44;
	v46 =	vld @!p3 [tilespmem:$0xAA0];
	v47 =	vadd.f32 @!p6 v49, v39  }
0x15a: {  	v45 =	vadd.f32 @!p5 v45, v39;
	v49 =	vld @!p3 [tilespmem:$0xB20]  }
0x15b: {  	s28 =	sld [smem:$0x7FA];
	p0 =	sgt.u32 @!p2 s11, $0x3E;
	v47 =	vsub.f32 @!p6 v47, v37  }
0x15c: {  	v50 =	vld @!p3 [tilespmem:$0xBA0];
	p2 =	por p0, p2;
	v45 =	vsub.f32 @!p5 v45, v44  }
0x15d: {  	[smem:$0x7F1] =	sst s13;
	s13 =	simm.s32 @!p0 $0x0;
	v51 =	vld @!p2 [tilespmem:$0xAB0];
	v48 =	vmax.f32 @!p3 v48, v42;
	v47 =	vmax.f32 @!p6 v47, $9.999999710e-10  }
0x15e: {  	s13 =	simm.s32 @p0 $0x1;
	p0 =	seq.s32 s28, $0x1;
	v43 =	vmax.f32 @!p3 v43, v41;
	v45 =	vmax.f32 @!p5 v45, $9.999999710e-10;
	(erf) = vrcp.f32 @!p6 v47;
	v47 =	vld @!p2 [tilespmem:$0x9B0]  }
0x15f: {  	p1 =	sgt.u32 @!p0 s11, $0x4E;
	v46 =	vmin.f32 @!p3 v46, v40;
	v49 =	vmin.f32 @!p3 v49, v38;
	(erf) = vrcp.f32 @!p5 v45;
	v45 =	vld @!p2 [tilespmem:$0xA30]  }
0x160: {  	p4 =	por p1, p0;
	v43 =	vsub.f32 @!p3 v46, v43;
	v46 =	vsub.f32 @!p3 v49, v48;
	v48 =	vld @!p2 [tilespmem:$0xB30]  }
0x161: {  	s29 =	sld [smem:$0x7FB];
	v52 =	vld @!p4 [tilespmem:$0x9C0]  }
0x162: {  	[smem:$0x7F2] =	sst s13;
	s13 =	simm.s32 @!p6 $0x0;
	v53 =	vld @!p4 [tilespmem:$0xAC0];
	v43 =	vmax.f32 @!p3 v43, $0.0e+00;
	v46 =	vmax.f32 @!p3 v46, $0.0e+00  }
0x163: {  	s13 =	simm.s32 @p6 $0x1;
	v54 =	vld @!p4 [tilespmem:$0xB40];
	v43 =	vmul.f32 @!p3 v46, v43;
	v46 =	vadd.f32 @!p3 v50, v39  }
0x164: {  	p0 =	seq.s32 s29, $0x1;
	[smem:$0x7F3] =	sst s13;
	s13 =	simm.s32 @!p1 $0x0;
	v51 =	vmin.f32 @!p2 v51, v40;
	v49 =	vld @!p2 [tilespmem:$0xBB0];
	v47 =	vmax.f32 @!p2 v47, v41  }
0x165: {  	s13 =	simm.s32 @p1 $0x1;
	p1 =	sgt.u32 @!p0 s11, $0x5E;
	v50 =	vld @!p4 [tilespmem:$0xA40];
	v46 =	vsub.f32 @!p3 v46, v43;
	v45 =	vmax.f32 @!p2 v45, v42;
	v48 =	vmin.f32 @!p2 v48, v38  }
0x166: {  	[smem:$0x7F5] =	sst s13;
	s13 =	simm.s32 @!p1 $0x0;
	v47 =	vsub.f32 @!p2 v51, v47;
	v45 =	vsub.f32 @!p2 v48, v45  }
0x167: {  	s13 =	simm.s32 @p1 $0x1;
	p1 =	por p1, p0;
	v52 =	vmax.f32 @!p4 v52, v41;
	v46 =	vmax.f32 @!p3 v46, $9.999999710e-10;
	v55 =	vpop @!p6 (erf)  }
0x168: {  	s30 =	sld [smem:$0x7FC];
	v57 =	vld @!p1 [tilespmem:$0xB50];
	(erf) = vrcp.f32 @!p3 v46;
	v46 =	vmax.f32 @!p2 v47, $0.0e+00;
	v45 =	vmax.f32 @!p2 v45, $0.0e+00;
	v56 =	vpop @!p5 (erf)  }
0x169: {  	v51 =	vld @!p4 [tilespmem:$0xBC0];
	v49 =	vadd.f32 @!p2 v49, v39;
	v45 =	vmul.f32 @!p2 v45, v46;
	v44 =	vmul.f32 @!p5 v56, v44  }
0x16a: {  	v53 =	vmin.f32 @!p4 v53, v40;
	v54 =	vmin.f32 @!p4 v54, v38;
	v48 =	vld @!p1 [tilespmem:$0x9D0];
	v50 =	vmax.f32 @!p4 v50, v42  }
0x16b: {  	p6 =	por p5, p5;
	v56 =	vld @!p1 [tilespmem:$0xAD0];
	v49 =	vsub.f32 @!p2 v49, v45;
	vm1 =	vgt.f32 @!p5 v44, $5.000000000e-01;
	v44 =	vlaneseq.u32 @!p5;
	p5 =	seq.s32 s30, $0x1  }
0x16c: {  	v47 =	vld @!p1 [tilespmem:$0xA50];
	v46 =	vsub.f32 @!p4 v53, v52;
	v50 =	vsub.f32 @!p4 v54, v50;
	p0 =	sgt.u32 @!p5 s11, $0x6E;
	v44 =	vor.u32 @!p6 $0x10, v44  }
0x16d: {  	[smem:$0x7F6] =	sst s13;
	v52 =	vld @!p1 [tilespmem:$0xBD0];
	s13 =	simm.s32 @!p0 $0x0;
	vm2 =	vlt.u32 @!p6 v36, v44;
	v44 =	vmax.f32 @!p2 v49, $9.999999710e-10  }
0x16e: {  	v46 =	vmax.f32 @!p4 v46, $0.0e+00;
	v50 =	vmax.f32 @!p4 v50, $0.0e+00;
	s13 =	simm.s32 @p0 $0x1;
	p0 =	por p0, p5;
	(erf) = vrcp.f32 @!p2 v44;
	v44 =	vld.idx.msk [tilespmem:v36+s12+$0x0], $0xffff  }
0x16f: {  	v46 =	vmul.f32 @!p4 v50, v46;
	v50 =	vadd.f32 @!p4 v51, v39;
	v51 =	vld @!p0 [tilespmem:$0x9E0]  }
0x170: {  	v48 =	vmax.f32 @!p1 v48, v41;
	v53 =	vmin.f32 @!p1 v56, v40;
	v56 =	vld @!p0 [tilespmem:$0xA60]  }
0x171: {  	v54 =	vmin.f32 @!p1 v57, v38;
	v47 =	vmax.f32 @!p1 v47, v42;
	v48 =	vsub.f32 @!p1 v53, v48;
	v53 =	vld @!p0 [tilespmem:$0xAE0]  }
0x172: {  	v47 =	vsub.f32 @!p1 v54, v47;
	v49 =	vsub.f32 @!p4 v50, v46;
	v50 =	vld @!p0 [tilespmem:$0xB60]  }
0x173: {  	v48 =	vmax.f32 @!p1 v48, $0.0e+00  }
0x174: {  	v52 =	vadd.f32 @!p1 v52, v39;
	v47 =	vmax.f32 @!p1 v47, $0.0e+00  }
0x175: {  	vm1 =	vmand @!p6 vm2, vm1;
	v49 =	vmax.f32 @!p4 v49, $9.999999710e-10;
	v47 =	vmul.f32 @!p1 v47, v48  }
0x176: {  	s31 =	sld [smem:$0x7F8];
	vm2 =	vne.s32 @!p6 v44, $0x0;
	v48 =	vpop @!p3 (erf);
	(erf) = vrcp.f32 @!p4 v49;
	v41 =	vmax.f32 @!p0 v51, v41  }
0x177: {  	s14 =	sld [smem:$0x7F0];
	v42 =	vmax.f32 @!p0 v56, v42;
	v40 =	vmin.f32 @!p0 v53, v40;
	v38 =	vmin.f32 @!p0 v50, v38  }
0x178: {  	v49 =	vld @!p0 [tilespmem:$0xBE0];
	v43 =	vmul.f32 @!p3 v48, v43;
	v48 =	vsub.f32 @!p1 v52, v47;
	v40 =	vsub.f32 @!p0 v40, v41  }
0x179: {  	[smem:$0x7F7] =	sst s13;
	s13 =	simm.s32 @!p6 $0x0;
	vm1 =	vmand @!p6 vm2, vm1;
	vm2 =	vne.s32 @!p3 v44, $0x0;
	v38 =	vsub.f32 @!p0 v38, v42  }
0x17a: {  	p5 =	seq.s32 s14, $0x1;
	s13 =	simm.s32 @p6 $0x1;
	v42 =	vsel @!p6 vm1, $0x0, v35;
	p6 =	seq.s32 s31, $0x1;
	v41 =	vmax.f32 @!p1 v48, $9.999999710e-10;
	v40 =	vmax.f32 @!p0 v40, $0.0e+00  }
0x17b: {  	s15 =	sld [smem:$0x7F9];
	p5 =	por !p5, p6;
	vm3 =	vgt.f32 @!p3 v43, $5.000000000e-01;
	(erf) = vrcp.f32 @!p1 v41;
	v41 =	vlaneseq.u32 @!p3  }
0x17c: {  	s16 =	sld [smem:$0x7F1];
	v38 =	vmax.f32 @!p0 v38, $0.0e+00;
	v58 =	vpsel p5, v42, v35;
	v41 =	vor.u32 @!p3 $0x20, v41  }
0x17d: {  	s18 =	sld [smem:$0x7FD];
	v38 =	vmul.f32 @!p0 v38, v40;
	v39 =	vadd.f32 @!p0 v49, v39;
	vm4 =	vlt.u32 @!p3 v36, v41;
	v40 =	vpop @!p2 (erf)  }
0x17e: {  	s17 =	sld [smem:$0x7F3];
	v41 =	vlaneseq.u32 @!p2;
	vm3 =	vmand @!p3 vm4, vm3;
	v40 =	vmul.f32 @!p2 v40, v45  }
0x17f: {  	s19 =	sld [smem:$0x7F2];
	p6 =	seq.s32 s15, $0x1;
	p5 =	seq.s32 s16, $0x1;
	v39 =	vsub.f32 @!p0 v39, v38;
	v41 =	vor.u32 @!p2 $0x30, v41;
	vm1 =	vmand @!p3 vm2, vm3  }
0x180: {  	p5 =	por !p5, p6;
	vm3 =	vlt.u32 @!p2 v36, v41;
	vm2 =	vgt.f32 @!p2 v40, $5.000000000e-01;
	v40 =	vsel @!p3 vm1, $0x0, v34  }
0x181: {  	s20 =	sld [smem:$0x7F3];
	vm4 =	vne.s32 @!p2 v44, $0x0;
	vm2 =	vmand @!p2 vm3, vm2;
	v59 =	vpsel p5, v40, v34;
	p5 =	seq.s32 s17, $0x1  }
0x182: {  	p6 =	seq.s32 s18, $0x1;
	v39 =	vmax.f32 @!p0 v39, $9.999999710e-10;
	v43 =	vpop @!p4 (erf);
	vm1 =	vmand @!p2 vm4, vm2;
	v37 =	vmul.f32 @!p5 v55, v37;
	p5 =	seq.s32 s19, $0x1  }
0x183: {  	s22 =	sld [smem:$0x7FA];
	(erf) = vrcp.f32 @!p0 v39;
	v43 =	vmul.f32 @!p4 v43, v46;
	v45 =	vsel @!p2 vm1, $0x0, v33;
	p6 =	por !p5, p6  }
0x184: {  	s24 =	sld [smem:$0x7FB];
	v60 =	vpsel p6, v45, v33;
	p6 =	seq.s32 s20, $0x1  }
0x185: {  	s26 =	sld [smem:$0x7F8];
	vm3 =	vgt.f32 @!p4 v43, $5.000000000e-01;
	v49 =	vlaneseq.u32 @!p6  }
0x186: {  	[smem:$0x7F4] =	sst s13;
	v46 =	vpop @!p1 (erf);
	vm1 =	vgt.f32 @!p6 v37, $5.000000000e-01;
	v37 =	vlaneseq.u32 @!p4;
	vm2 =	vlt.u32 @!p6 v36, v49  }
0x187: {  	s21 =	sld [smem:$0x7F4];
	v43 =	vmul.f32 @!p1 v46, v47;
	v37 =	vor.u32 @!p4 $0x40, v37;
	vm1 =	vmand @!p6 vm2, vm1  }
0x188: {  	s28 =	sld [smem:$0x7FC];
	vm2 =	vne.s32 @!p6 v44, $0x0;
	vm4 =	vlt.u32 @!p4 v36, v37;
	v37 =	vlaneseq.u32 @!p1  }
0x189: {  	s23 =	sld [smem:$0x7F5];
	vm1 =	vmand @!p6 vm2, vm1;
	v37 =	vor.u32 @!p1 $0x50, v37  }
0x18a: {  	s25 =	sld [smem:$0x7F6];
	p5 =	seq.s32 s21, $0x1;
	vm2 =	vmand @!p4 vm4, vm3;
	vm3 =	vne.s32 @!p4 v44, $0x0;
	vm4 =	vgt.f32 @!p1 v43, $5.000000000e-01  }
0x18b: {  	s30 =	sld [smem:$0x7F9];
	[tilespmem:$0xC90] =	vst @!p5 v42;
	v43 =	vsel @!p6 vm1, $0x0, v32;
	vm1 =	vmand @!p4 vm3, vm2;
	vm2 =	vlt.u32 @!p1 v36, v37  }
0x18c: {  	s29 =	sld [smem:$0x7F7];
	p5 =	seq.s32 s22, $0x1;
	v32 =	vpsel p6, v32, v43;
	[tilespmem:$0xC80] =	vst @!p6 v43;
	vm2 =	vmand @!p1 vm2, vm4;
	p6 =	seq.s32 s23, $0x1;
	v37 =	vpop @!p0 (erf)  }
0x18d: {  	s11 =	sadd.s32 $0x1, s11;
	s31 =	sld [smem:$0x7FD];
	[tilespmem:$0xCA0] =	vst @!p3 v40;
	v43 =	vsel @!p4 vm1, $0x0, v31;
	vm1 =	vne.s32 @!p1 v44, $0x0;
	p3 =	por !p6, p5;
	v37 =	vmul.f32 @!p0 v37, v38  }
0x18e: {  	vm1 =	vmand @!p1 vm1, vm2;
	p6 =	seq.s32 s24, $0x1;
	[tilespmem:$0xCC0] =	vst @!p4 v43;
	p4 =	seq.s32 s26, $0x1;
	v38 =	vlaneseq.u32 @!p0;
	v61 =	vpsel p3, v43, v31;
	p3 =	seq.s32 s25, $0x1  }
0x18f: {  	[tilespmem:$0xCB0] =	vst @!p2 v45;
	v35 =	vpsel p4, v35, v58;
	p4 =	seq.s32 s28, $0x1;
	p2 =	por !p3, p6;
	p3 =	seq.s32 s29, $0x1;
	vm3 =	vgt.f32 @!p0 v37, $5.000000000e-01;
	v37 =	vsel @!p1 vm1, $0x0, v30  }
0x190: {  	v38 =	vor.u32 @!p0 $0x60, v38;
	v62 =	vpsel p2, v37, v30;
	p2 =	por !p3, p4;
	[tilespmem:$0xCD0] =	vst @!p1 v37;
	p3 =	seq.s32 s30, $0x1;
	p1 =	seq.s32 s31, $0x1  }
0x191: {  	vm4 =	vlt.u32 @!p0 v36, v38;
	v34 =	vpsel p3, v34, v59;
	p3 =	por p1, p1;
	v33 =	vpsel p1, v33, v60;
	p1 =	slt.s32 s11, s10  }
.Ltmp3:
0x192: {  	vm2 =	vmand @!p0 vm4, vm3;
	vm3 =	vne.s32 @!p0 v44, $0x0;
	(pc) =	sbr.rel @p1 .LBB2_5-.Ltmp3, $4  }
0x193: {  	vm1 =	vmand @!p0 vm3, vm2  }
0x194: {  	v39 =	vsel @!p0 vm1, $0x0, v29  }
0x195: {  	v63 =	vpsel p2, v39, v29  }
0x196: {  	v31 =	vpsel p5, v31, v61;
	v30 =	vpsel p6, v30, v62;
	[tilespmem:$0xCE0] =	vst @!p0 v39;
	v29 =	vpsel p4, v29, v63  }
0x197: {  	v31 =	vld [tilespmem:$0xC00]  }
0x198: {  	v29 =	vmov s10;
	v30 =	vlaneseq.u32  }
0x199: {  	vm1 =	vgt.s32 v29, v30;
	_ =	sdelay $0x2  }
0x19a: {  	s6 =	sld [smem:$0x7F8];
	_ =	sdelay $0x1  }
0x19b: {  	s5 =	simm.s32 $0x900  }
0x19c: {  	p1 =	seq.s32 s6, $0x1;
	[tilespmem:v31+s5+$0x0] =	vst.idx.msk vm1, v32  }
0x19d: {  	v32 =	vlaneseq.u32 @!p1;
	v31 =	vld @!p1 [tilespmem:$0xC10]  }
0x19e: {  	v32 =	vor.u32 @!p1 $0x10, v32  }
0x19f: {  	p0 =	slt.u32 @!p1 s10, $0x21;
	vm1 =	vgt.s32 @!p1 v29, v32  }
0x1a0: {  	p0 =	por p1, p0;
	v32 =	vld @!p1 [tilespmem:$0xC90]  }
.Ltmp4:
0x1a1: {  	_ = 	snop;
	(pc) =	sbr.rel @p0 .LBB2_8-.Ltmp4, $3  }
0x1a2: {  	_ =	sdelay $0x1  }
0x1a3: {  	s6 =	simm.s32 @!p1 $0x900  }
0x1a4: {  	[tilespmem:v31+s6+$0x0] =	vst.idx.msk @!p1 vm1, v32  }
0x1a5: {  	v31 =	vld [tilespmem:$0xC20]  }
0x1a6: {  	v30 =	vor.u32 $0x20, v30  }
0x1a7: {  	vm1 =	vgt.s32 v29, v30  }
0x1a8: {  	v30 =	vld [tilespmem:$0xCA0];
	_ =	sdelay $0x4  }
0x1a9: {  	[tilespmem:v31+s5+$0x0] =	vst.idx.msk vm1, v30  }
0x1aa: {  	v31 =	vlaneseq.u32 @!p3;
	v30 =	vld @!p3 [tilespmem:$0xC30]  }
0x1ab: {  	v31 =	vor.u32 @!p3 $0x30, v31  }
0x1ac: {  	vm1 =	vgt.s32 @!p3 v29, v31  }
0x1ad: {  	v31 =	vld @!p3 [tilespmem:$0xCB0];
	_ =	sdelay $0x3  }
0x1ae: {  	p0 =	slt.u32 @!p3 s10, $0x41;
	s5 =	simm.s32 @!p3 $0x900  }
0x1af: {  	p1 =	por p0, p3;
	[tilespmem:v30+s5+$0x0] =	vst.idx.msk @!p3 vm1, v31  }
0x1b0: {  	v31 =	vlaneseq.u32 @!p1;
	v30 =	vld @!p1 [tilespmem:$0xC40]  }
0x1b1: {  	v31 =	vor.u32 @!p1 $0x40, v31  }
0x1b2: {  	vm1 =	vgt.s32 @!p1 v29, v31  }
0x1b3: {  	v31 =	vld @!p1 [tilespmem:$0xCC0];
	_ =	sdelay $0x2  }
0x1b4: {  	p2 =	slt.u32 @!p1 s10, $0x51  }
0x1b5: {  	p5 =	por p3, p3;
	s5 =	simm.s32 @!p1 $0x900;
	p3 =	por @!p3 p2, p0  }
0x1b6: {  	p3 =	por p3, p5;
	[tilespmem:v30+s5+$0x0] =	vst.idx.msk @!p1 vm1, v31  }
0x1b7: {  	v31 =	vlaneseq.u32 @!p3;
	v30 =	vld @!p3 [tilespmem:$0xC50]  }
0x1b8: {  	v31 =	vor.u32 @!p3 $0x50, v31  }
0x1b9: {  	vm1 =	vgt.s32 @!p3 v29, v31  }
0x1ba: {  	v31 =	vld @!p3 [tilespmem:$0xCD0];
	_ =	sdelay $0x1  }
0x1bb: {  	p4 =	slt.u32 @!p3 s10, $0x61  }
0x1bc: {  	p1 =	por @!p1 p4, p2  }
0x1bd: {  	s5 =	simm.s32 @!p3 $0x900;
	p0 =	por @!p5 p1, p0  }
0x1be: {  	p0 =	por p0, p5;
	[tilespmem:v30+s5+$0x0] =	vst.idx.msk @!p3 vm1, v31  }
0x1bf: {  	v31 =	vlaneseq.u32 @!p0;
	v30 =	vld @!p0 [tilespmem:$0xC60]  }
0x1c0: {  	v31 =	vor.u32 @!p0 $0x60, v31  }
0x1c1: {  	vm1 =	vgt.s32 @!p0 v29, v31  }
0x1c2: {  	v29 =	vld @!p0 [tilespmem:$0xCE0];
	_ =	sdelay $0x3  }
0x1c3: {  	s5 =	simm.s32 @!p0 $0x900  }
0x1c4: {  	[tilespmem:v30+s5+$0x0] =	vst.idx.msk @!p0 vm1, v29  }
.LBB2_8:
0x1c5: {  	v29 =	vld [tilespmem:$0x900];
	_ =	sdelay $0x1  }
0x1c6: {  	v30 =	vld [tilespmem:$0x600]  }
0x1c7: {  	v31 =	vld [tilespmem:$0x670];
	_ =	sdelay $0x1  }
0x1c8: {  	v32 =	vcvt.s32.f32 v29;
	_ =	sdelay $0x1  }
0x1c9: {  	v30 =	vmul.f32 v32, v30  }
0x1ca: {  	v31 =	vmul.f32 v32, v31  }
0x1cb: {  	s5 =	simm.s32 $0xD80;
	[tilespmem:$0xD00] =	vst v30  }
0x1cc: {  	[tilespmem:v0+s5+$0x0] =	vst.idx.msk $0xffff, v31  }
0x1cd: {  	v0 =	vld [tilespmem:$0x6E0];
	_ =	sdelay $0x4  }
0x1ce: {  	v0 =	vmul.f32 v32, v0;
	_ =	sdelay $0x1  }
0x1cf: {  	[tilespmem:v1+s5+$0x0] =	vst.idx.msk $0xffff, v0  }
0x1d0: {  	v0 =	vld [tilespmem:$0x750];
	_ =	sdelay $0x4  }
0x1d1: {  	v0 =	vmul.f32 v32, v0;
	_ =	sdelay $0x1  }
0x1d2: {  	[tilespmem:v2+s5+$0x0] =	vst.idx.msk $0xffff, v0  }
0x1d3: {  	v0 =	vld [tilespmem:$0x7C0];
	_ =	sdelay $0x4  }
0x1d4: {  	v0 =	vmul.f32 v32, v0;
	_ =	sdelay $0x1  }
0x1d5: {  	[tilespmem:v3+s5+$0x0] =	vst.idx.msk $0xffff, v0  }
0x1d6: {  	v0 =	vld [tilespmem:$0x910];
	_ =	sdelay $0x1  }
0x1d7: {  	v1 =	vld [tilespmem:$0x610]  }
0x1d8: {  	v2 =	vld [tilespmem:$0x680];
	_ =	sdelay $0x1  }
0x1d9: {  	v37 =	vcvt.s32.f32 v0;
	_ =	sdelay $0x1  }
0x1da: {  	v1 =	vmul.f32 v37, v1  }
0x1db: {  	v2 =	vmul.f32 v37, v2  }
0x1dc: {  	[tilespmem:$0xD10] =	vst v1  }
0x1dd: {  	[tilespmem:v4+s5+$0x0] =	vst.idx.msk $0xffff, v2  }
0x1de: {  	v38 =	vld [tilespmem:$0x6F0];
	_ =	sdelay $0x4  }
0x1df: {  	v1 =	vmul.f32 v37, v38;
	_ =	sdelay $0x1  }
0x1e0: {  	[tilespmem:v5+s5+$0x0] =	vst.idx.msk $0xffff, v1  }
0x1e1: {  	v1 =	vld [tilespmem:$0x760];
	_ =	sdelay $0x4  }
0x1e2: {  	v1 =	vmul.f32 v37, v1;
	_ =	sdelay $0x1  }
0x1e3: {  	[tilespmem:v6+s5+$0x0] =	vst.idx.msk $0xffff, v1  }
0x1e4: {  	v1 =	vld [tilespmem:$0x7D0];
	_ =	sdelay $0x4  }
0x1e5: {  	v1 =	vmul.f32 v37, v1;
	_ =	sdelay $0x1  }
0x1e6: {  	[tilespmem:v7+s5+$0x0] =	vst.idx.msk $0xffff, v1  }
0x1e7: {  	v1 =	vld [tilespmem:$0x920];
	_ =	sdelay $0x1  }
0x1e8: {  	v2 =	vld [tilespmem:$0x620]  }
0x1e9: {  	v39 =	vld [tilespmem:$0x690];
	_ =	sdelay $0x1  }
0x1ea: {  	v40 =	vcvt.s32.f32 v1;
	_ =	sdelay $0x1  }
0x1eb: {  	v2 =	vmul.f32 v40, v2  }
0x1ec: {  	v3 =	vmul.f32 v40, v39  }
0x1ed: {  	[tilespmem:$0xD20] =	vst v2  }
0x1ee: {  	[tilespmem:v8+s5+$0x0] =	vst.idx.msk $0xffff, v3  }
0x1ef: {  	v41 =	vld [tilespmem:$0x700];
	_ =	sdelay $0x4  }
0x1f0: {  	v2 =	vmul.f32 v40, v41;
	_ =	sdelay $0x1  }
0x1f1: {  	[tilespmem:v9+s5+$0x0] =	vst.idx.msk $0xffff, v2  }
0x1f2: {  	v2 =	vld [tilespmem:$0x770];
	_ =	sdelay $0x4  }
0x1f3: {  	v2 =	vmul.f32 v40, v2;
	_ =	sdelay $0x1  }
0x1f4: {  	[tilespmem:v10+s5+$0x0] =	vst.idx.msk $0xffff, v2  }
0x1f5: {  	v2 =	vld [tilespmem:$0x7E0];
	_ =	sdelay $0x4  }
0x1f6: {  	v2 =	vmul.f32 v40, v2;
	_ =	sdelay $0x1  }
0x1f7: {  	[tilespmem:v11+s5+$0x0] =	vst.idx.msk $0xffff, v2  }
0x1f8: {  	v2 =	vld [tilespmem:$0x930];
	_ =	sdelay $0x1  }
0x1f9: {  	v3 =	vld [tilespmem:$0x630]  }
0x1fa: {  	v42 =	vld [tilespmem:$0x6A0];
	_ =	sdelay $0x1  }
0x1fb: {  	v43 =	vcvt.s32.f32 v2;
	_ =	sdelay $0x1  }
0x1fc: {  	v3 =	vmul.f32 v43, v3  }
0x1fd: {  	v4 =	vmul.f32 v43, v42  }
0x1fe: {  	[tilespmem:$0xD30] =	vst v3  }
0x1ff: {  	[tilespmem:v12+s5+$0x0] =	vst.idx.msk $0xffff, v4  }
0x200: {  	v44 =	vld [tilespmem:$0x710];
	_ =	sdelay $0x4  }
0x201: {  	v3 =	vmul.f32 v43, v44;
	_ =	sdelay $0x1  }
0x202: {  	[tilespmem:v13+s5+$0x0] =	vst.idx.msk $0xffff, v3  }
0x203: {  	v3 =	vld [tilespmem:$0x780];
	_ =	sdelay $0x4  }
0x204: {  	v3 =	vmul.f32 v43, v3;
	_ =	sdelay $0x1  }
0x205: {  	[tilespmem:v14+s5+$0x0] =	vst.idx.msk $0xffff, v3  }
0x206: {  	v3 =	vld [tilespmem:$0x7F0];
	_ =	sdelay $0x4  }
0x207: {  	v3 =	vmul.f32 v43, v3;
	_ =	sdelay $0x1  }
0x208: {  	[tilespmem:v15+s5+$0x0] =	vst.idx.msk $0xffff, v3  }
0x209: {  	v3 =	vld [tilespmem:$0x940];
	_ =	sdelay $0x1  }
0x20a: {  	v4 =	vld [tilespmem:$0x640]  }
0x20b: {  	v45 =	vld [tilespmem:$0x6B0];
	_ =	sdelay $0x1  }
0x20c: {  	v46 =	vcvt.s32.f32 v3;
	_ =	sdelay $0x1  }
0x20d: {  	v4 =	vmul.f32 v46, v4  }
0x20e: {  	v5 =	vmul.f32 v46, v45  }
0x20f: {  	[tilespmem:$0xD40] =	vst v4  }
0x210: {  	[tilespmem:v16+s5+$0x0] =	vst.idx.msk $0xffff, v5  }
0x211: {  	v47 =	vld [tilespmem:$0x720];
	_ =	sdelay $0x4  }
0x212: {  	v4 =	vmul.f32 v46, v47;
	_ =	sdelay $0x1  }
0x213: {  	[tilespmem:v17+s5+$0x0] =	vst.idx.msk $0xffff, v4  }
0x214: {  	v4 =	vld [tilespmem:$0x790];
	_ =	sdelay $0x4  }
0x215: {  	v4 =	vmul.f32 v46, v4;
	_ =	sdelay $0x1  }
0x216: {  	[tilespmem:v18+s5+$0x0] =	vst.idx.msk $0xffff, v4  }
0x217: {  	v4 =	vld [tilespmem:$0x800];
	_ =	sdelay $0x4  }
0x218: {  	v4 =	vmul.f32 v46, v4;
	_ =	sdelay $0x1  }
0x219: {  	[tilespmem:v19+s5+$0x0] =	vst.idx.msk $0xffff, v4  }
0x21a: {  	v4 =	vld [tilespmem:$0x950];
	_ =	sdelay $0x1  }
0x21b: {  	v5 =	vld [tilespmem:$0x650]  }
0x21c: {  	v48 =	vld [tilespmem:$0x6C0];
	_ =	sdelay $0x1  }
0x21d: {  	v49 =	vcvt.s32.f32 v4;
	_ =	sdelay $0x1  }
0x21e: {  	v5 =	vmul.f32 v49, v5  }
0x21f: {  	v6 =	vmul.f32 v49, v48  }
0x220: {  	[tilespmem:$0xD50] =	vst v5  }
0x221: {  	[tilespmem:v20+s5+$0x0] =	vst.idx.msk $0xffff, v6  }
0x222: {  	v50 =	vld [tilespmem:$0x730];
	_ =	sdelay $0x4  }
0x223: {  	v5 =	vmul.f32 v49, v50;
	_ =	sdelay $0x1  }
0x224: {  	[tilespmem:v21+s5+$0x0] =	vst.idx.msk $0xffff, v5  }
0x225: {  	v5 =	vld [tilespmem:$0x7A0];
	_ =	sdelay $0x4  }
0x226: {  	v5 =	vmul.f32 v49, v5;
	_ =	sdelay $0x1  }
0x227: {  	[tilespmem:v22+s5+$0x0] =	vst.idx.msk $0xffff, v5  }
0x228: {  	v5 =	vld [tilespmem:$0x810];
	_ =	sdelay $0x4  }
0x229: {  	v5 =	vmul.f32 v49, v5;
	_ =	sdelay $0x1  }
0x22a: {  	[tilespmem:v26+s5+$0x0] =	vst.idx.msk $0xffff, v5  }
0x22b: {  	v5 =	vld [tilespmem:$0x960];
	_ =	sdelay $0x1  }
0x22c: {  	v6 =	vld [tilespmem:$0x660]  }
0x22d: {  	v51 =	vld [tilespmem:$0x6D0];
	_ =	sdelay $0x1  }
0x22e: {  	v52 =	vcvt.s32.f32 v5;
	_ =	sdelay $0x1  }
0x22f: {  	v6 =	vmul.f32 v52, v6  }
0x230: {  	(xrf0) =	vadd.scan.msk.s32 $0xffff, v29;
	v7 =	vmul.f32 v52, v51  }
0x231: {  	(xrf0) =	vadd.scan.msk.s32 $0xffff, v0;
	[tilespmem:$0xD60] =	vst v6  }
0x232: {  	(xrf0) =	vadd.scan.msk.s32 $0xffff, v1;
	[tilespmem:v27+s5+$0x0] =	vst.idx.msk $0xf, v7  }
0x233: {  	(xrf0) =	vadd.scan.msk.s32 $0xffff, v2;
	v53 =	vld [tilespmem:$0x740]  }
0x234: {  	v54 =	vsel vm0, $0xFFFFFFFF, v28;
	(xrf0) =	vadd.scan.msk.s32 $0xffff, v3  }
0x235: {  	(xrf0) =	vadd.scan.msk.s32 $0xffff, v4;
	v1 =	vand.u32 v54, v5  }
0x236: {  	v55, _, _ =	vpop (xrf0);
	(xrf0) =	vadd.scan.msk.s32 $0xffff, v1  }
0x237: {  	(v2sf) =	vpush v55, $0xF;
	v56, _, _ =	vpop (xrf0)  }
0x238: {  	(v2sf) =	vpush v56, $0xF;
	v57, _, _ =	vpop (xrf0);
	v0 =	vmul.f32 v52, v53  }
0x239: {  	(v2sf) =	vpush v57, $0xF;
	v58, _, _ =	vpop (xrf0)  }
0x23a: {  	(v2sf) =	vpush v58, $0xF;
	v59, _, _ =	vpop (xrf0);
	[tilespmem:v24+s5+$0x0] =	vst.idx.msk $0xf, v0  }
0x23b: {  	(v2sf) =	vpush v59, $0xF;
	v60, _, _ =	vpop (xrf0);
	v61 =	vld [tilespmem:$0x7B0]  }
0x23c: {  	(v2sf) =	vpush v60, $0xF;
	v62, _, _ =	vpop (xrf0)  }
0x23d: {  	(v2sf) =	vpush v62, $0xF;
	_ =	sdelay $0x2  }
0x23e: {  	v63 =	vmul.f32 v52, v61;
	_ =	sdelay $0x1  }
0x23f: {  	[tilespmem:v25+s5+$0x0] =	vst.idx.msk $0xf, v63  }
0x240: {  	v0 =	vld [tilespmem:$0x820];
	_ =	sdelay $0x2  }
0x241: {  	s6 =	spop (v2sf)  }
0x242: {  	s7 =	spop (v2sf)  }
0x243: {  	s6 =	sadd.s32 s6, s7;
	s22 =	spop (v2sf);
	v0 =	vmul.f32 v52, v0  }
0x244: {  	s6 =	sadd.s32 s22, s6;
	s23 =	spop (v2sf)  }
0x245: {  	s6 =	sadd.s32 s23, s6;
	s24 =	spop (v2sf);
	[tilespmem:v23+s5+$0x0] =	vst.idx.msk $0xf, v0  }
0x246: {  	s6 =	sadd.s32 s24, s6;
	s25 =	spop (v2sf);
	v0 =	vld [tilespmem:$0xD60]  }
0x247: {  	s6 =	sadd.s32 s25, s6;
	s26 =	spop (v2sf)  }
0x248: {  	s6 =	sadd.s32 s26, s6  }
0x249: {  	s6 =	scvt.s32.f32 s6  }
0x24a: {  	vm15 =	vcmask $0x3F10  }
0x24b: {  	v0 =	vsel vm15, s6, v0  }
0x24c: {  	s28 =	simm.s32 $0x80;
	s29 =	simm.s32 $0x1;
	[tilespmem:$0xD60] =	vst v0  }
0x24d: {  	[hbm4b:s3+s28] =	stream.strided.scatter [tilespmem:s5], [sflag:$0x1], $0x200, s4, s28, $0x38;
	[tilespmem:$0xF80] =	vst v63  }
0x24e: {  	_ =	swait.ge [sflag:s29], $0x200  }
0x24f: {  	[sflag:s29] =	ssyncset.done $0x0  }
0x250: {  	s30 =	simm.s32 $0x0;
	s31 =	simm.s32 $0xD00;
	[sflag:s29] =	ssyncadd.s32 $0xFFFFFE00  }
0x251: {  	[hbm4b:s2+s30] =	stream.linear.scatter [tilespmem:s31], [sflag:$0x1], $0x80, $0x38;
	[tilespmem:$0xF80] =	vst v63  }
0x252: {  	_ =	swait.ge [sflag:s29], $0x80  }
0x253: {  	[sflag:s29] =	ssyncset.done $0x0  }
0x254: {  	[sflag:s29] =	ssyncadd.s32 $0xFFFFFF80  }
.LBB2_9:
0x255: {  	_ =	sfence.sel $0x180000  }
0x256: {  	[bflag:$0x0] =	sbarrier.arrive $0xFFFF  }
0x257: {  	p0 =	sne.s32 s1, $0x0;
	_ =	strace $0x90000047  }
0x258: {  	s0 =	sadd.s32 @!p0 $0x100000, s0;
	[bflag:$0x2] =	sbarrier.arrive $0xFFFF  }
0x259: {  	[sflag:s0] =	ssyncadd.tile.s32 @!p0 $0x1;
	_ =	shalt  }
.Lfunc_end2:
_tile_overlayer_lowered:
.L_overlay_start_2:
0x25a: {  	(tag) =	ssettag $0x2  }
0x25b: {  	s0 =	rddreg [dreg:$0x0];
	s2 =	stileid.u32  }
0x25c: {  	s1 =	rddreg [dreg:$0x1];
	p0 =	sne.s32 s2, $0x0  }
0x25d: {  	s3 =	rddreg [dreg:$0x2];
	[bflag:$0x3] =	sbarrier.arrive $0xFFFF;
	s2 =	simm.s32 @!p0 $0x1C01  }
0x25e: {  	[timem:s3], [sflag:s2] =	dma.local @!p0 [hbm:s0], s1  }
0x25f: {  	s0 =	simm.s32 @!p0 $0x1  }
0x260: {  	_ =	swait.ge @!p0 [sflag:s0], s1  }
0x261: {  	s1 =	ssub.s32 @!p0 $0x0, s1;
	[sflag:s0] =	ssyncset.done @!p0 $0x0  }
0x262: {  	[sflag:s0] =	ssyncadd.s32 @!p0 s1  }
0x263: {  	[bflag:$0x3] =	sbarrier.arrive $0xFFFF  }
0x264: {  	_ =	shalt  }

</sc_bundles>
